<compile_context>
chip_gen: v7x
topology: tpu7x:2x2x1
jax: 0.10.2.dev20260603
libtpu: 0.0.44.dev20260713+nightly
codegen_flags: <defaults>
</compile_context>

<pallas_src>
import jax
import jax.numpy as jnp
import numpy as np
from jax import lax
from jax.experimental import pallas as pl
from jax.experimental.pallas import tpu as pltpu
from jax.experimental.pallas import tpu_sc as plsc

N_NODES = 100000
MAX_DEGREE = 32
N_IDS = 65536
NUM_SAMPLES = 16

_PERM = np.array(
    [31, 7, 4, 29, 16, 19, 2, 5, 30, 3, 22, 6, 18, 10, 11, 15,
     20, 8, 24, 9, 25, 13, 14, 17, 23, 0, 21, 26, 1, 28, 27, 12],
    dtype=np.int32,
)

_NW = 32
_CHUNK = 3200
_TAIL0 = 31 * _CHUNK
_TAIL1 = 768
_ALIGNED = _TAIL0 + _TAIL1
_BPW = N_IDS // _NW


_UNROLL = 8
_SUBQ = 3


def _k1_body(cols_hbm, adj_hbm, tail_hbm, w_hbm, cols_v, colbuf, wbuf, sems,
             wsems):
    wid = lax.axis_index("s") * 2 + lax.axis_index("c")
    pltpu.sync_copy(cols_hbm, cols_v)
    cvec = cols_v[...]
    lanes = lax.iota(jnp.int32, 16)

    def fire(node0, qoff, nq, slot):
        return [
            pltpu.async_copy(
                adj_hbm.at[cvec, pl.ds(node0 + (qoff + q) * 128, 128)],
                colbuf.at[pl.ds(slot * _SUBQ * NUM_SAMPLES + q * NUM_SAMPLES,
                                NUM_SAMPLES), pl.ds(0, 128)],
                sems[slot],
            )
            for q in range(nq)
        ]

    def drain_transpose_write(node0, qoff, nq, slot, copies):
        for cp in copies:
            cp.wait()
        length = nq * 128
        row0 = slot * _SUBQ * NUM_SAMPLES
        wb0 = slot * _SUBQ * 128 * NUM_SAMPLES

        @plsc.parallel_loop(0, length, unroll=_UNROLL)
        def step(n):
            q = lax.shift_right_logical(n, 7)
            l = jnp.bitwise_and(n, 127)
            vals = plsc.load_gather(
                colbuf,
                [lanes + (row0 + q * NUM_SAMPLES),
                 jnp.full((16,), l, jnp.int32)])
            wbuf[pl.ds(wb0 + n * NUM_SAMPLES, NUM_SAMPLES)] = vals
        return pltpu.async_copy(
            wbuf.at[pl.ds(wb0, length * NUM_SAMPLES)],
            w_hbm.at[pl.ds((node0 + qoff * 128) * NUM_SAMPLES,
                           length * NUM_SAMPLES)],
            wsems[slot])

    def do_subs(node0, subs):
        copies = fire(node0, subs[0][0], subs[0][1], 0)
        wcps = [None, None]
        for i, (qoff, nq) in enumerate(subs):
            nxt = None
            if i + 1 < len(subs):
                nxt = fire(node0, subs[i + 1][0], subs[i + 1][1], (i + 1) % 2)
            if wcps[i % 2] is not None:
                wcps[i % 2].wait()
            wcps[i % 2] = drain_transpose_write(
                node0, qoff, nq, i % 2, copies)
            copies = nxt
        for w in wcps:
            if w is not None:
                w.wait()

    @pl.when(wid < 31)
    def _main():
        do_subs(wid * _CHUNK, [(q, 3) for q in range(0, 24, 3)] + [(24, 1)])

    @pl.when(wid == 31)
    def _tail():
        do_subs(_TAIL0, [(0, _TAIL1 // 128)])
        ntail = (N_NODES - _ALIGNED) * NUM_SAMPLES
        pltpu.sync_copy(tail_hbm, wbuf.at[pl.ds(0, ntail)])
        pltpu.sync_copy(wbuf.at[pl.ds(0, ntail)],
                        w_hbm.at[pl.ds(_ALIGNED * NUM_SAMPLES, ntail)])


_HBPW = _BPW // 4


def _k2_body(ids_hbm, w_hbm, out_hbm, idx_v, rows_v, gsems, wsems):
    wid = lax.axis_index("s") * 2 + lax.axis_index("c")
    base = wid * _BPW
    pltpu.sync_copy(ids_hbm.at[pl.ds(base, _BPW)], idx_v)
    gcps = [
        pltpu.async_copy(w_hbm.at[idx_v.at[pl.ds(h * _HBPW, _HBPW)]],
                         rows_v.at[pl.ds(h * _HBPW, _HBPW), :], gsems[h])
        for h in range(4)
    ]
    wcps = []
    for h in range(4):
        gcps[h].wait()
        wcps.append(pltpu.async_copy(
            rows_v.at[pl.ds(h * _HBPW, _HBPW), :],
            out_hbm.at[pl.ds(base + h * _HBPW, _HBPW)], wsems[h]))
    for cp in wcps:
        cp.wait()


@jax.jit
def _sample(ids, cols, adj_t, adj_info):
    mesh = plsc.VectorSubcoreMesh(core_axis_name="c", subcore_axis_name="s")
    k1 = pl.kernel(
        _k1_body,
        mesh=mesh,
        out_type=jax.ShapeDtypeStruct((N_NODES * NUM_SAMPLES,), jnp.int32),
        scratch_types=[
            pltpu.VMEM((NUM_SAMPLES,), jnp.int32),
            pltpu.VMEM((2 * _SUBQ * NUM_SAMPLES, 137), jnp.int32),
            pltpu.VMEM((2 * _SUBQ * 128 * NUM_SAMPLES,), jnp.int32),
            [pltpu.SemaphoreType.DMA, pltpu.SemaphoreType.DMA],
            [pltpu.SemaphoreType.DMA, pltpu.SemaphoreType.DMA],
        ],
        compiler_params=pltpu.CompilerParams(needs_layout_passes=False),
    )
    tail = jnp.take(adj_info[_ALIGNED:], cols, axis=1).reshape(-1)
    w_flat = k1(cols, adj_t, tail)
    k2 = pl.kernel(
        _k2_body,
        mesh=mesh,
        out_type=jax.ShapeDtypeStruct((N_IDS, NUM_SAMPLES), jnp.int32),
        scratch_types=[
            pltpu.VMEM((_BPW,), jnp.int32),
            pltpu.VMEM((_BPW, NUM_SAMPLES), jnp.int32),
            [pltpu.SemaphoreType.DMA] * 4,
            [pltpu.SemaphoreType.DMA] * 4,
        ],
        compiler_params=pltpu.CompilerParams(use_tc_tiling_on_sc=False),
    )
    return k2(ids, w_flat.reshape(N_NODES, NUM_SAMPLES))


def kernel(ids, num_samples, adj_info):
    ids32 = ids.astype(jnp.int32)
    adj32 = adj_info.astype(jnp.int32)
    start = jnp.clip(jnp.asarray(num_samples, jnp.int32) - NUM_SAMPLES,
                     0, MAX_DEGREE - NUM_SAMPLES)
    cols = lax.dynamic_slice(jnp.asarray(_PERM), (start,), (NUM_SAMPLES,))
    out = _sample(ids32, cols, adj32.T, adj32)
    return out.reshape(-1)

# --- scband reference (transcript-rebuilt; emitter-appended) ---
"""Pipeline reference for scband-uniform-neighbor-sampler-83021717832673 (READ-ONLY COPY).

The authoritative reference and input builder live on the scoring server;
editing this copy changes nothing except your own understanding.
"""

import jax, jax.numpy as jnp
import numpy as np

N_NODES = 100000
MAX_DEGREE = 32
N_IDS = 65536
NUM_SAMPLES = 16

def setup_inputs(seed: int = 0) -> dict:
    key = jax.random.key(seed)
    k1, k2 = jax.random.split(key)
    ids = jax.random.randint(k1, (N_IDS,), 0, N_NODES)
    # adj_info is the padded adjacency table (constructor arg), materialized here
    adj_info = jax.random.randint(k2, (N_NODES, MAX_DEGREE), 0, N_NODES)
    return {"ids": ids, "num_samples": 16, "adj_info": adj_info}

def reference(ids, num_samples, adj_info):
    # tf.nn.embedding_lookup(adj_info, ids) -> row gather
    adj_lists = jnp.take(adj_info, ids.astype(jnp.int32), axis=0)
    adj_lists = adj_lists.reshape(-1, MAX_DEGREE)
    # tf.random.shuffle shuffles leading dim; original transposes so the
    # neighbor dimension is shuffled (same permutation for all ids)
    adj_lists = jnp.transpose(adj_lists)
    perm = jax.random.permutation(jax.random.key(42), MAX_DEGREE)
    adj_lists = adj_lists[perm]
    adj_lists = jnp.transpose(adj_lists)
    # tf.slice(adj_lists, [0, 0], [-1, num_samples])
    start_col = jnp.asarray(num_samples, dtype=jnp.int32) - NUM_SAMPLES
    adj_lists = jax.lax.dynamic_slice(
        adj_lists,
        (jnp.int32(0), start_col),
        (adj_lists.shape[0], NUM_SAMPLES),
    )
    return adj_lists.reshape(-1)

if __name__ == "__main__":
    import jax
    _d = setup_inputs()
    print(jax.jit(kernel)(*tuple(_d.values())))

</pallas_src>

<mosaic_0001>
#map = affine_map<(d0, d1) -> (0)>
#map1 = affine_map<(d0, d1) -> (0, 0)>
module attributes {stable_mosaic.version = 14 : i64} {
  func.func @_k1_body(%arg0: i32, %arg1: i32, %arg2: memref<16xi32, #tpu.memory_space<hbm>>, %arg3: memref<32x100000xi32, #tpu.memory_space<hbm>>, %arg4: memref<512xi32, #tpu.memory_space<hbm>>, %arg5: memref<1600000xi32, #tpu.memory_space<hbm>>, %arg6: memref<16xi32, #tpu.memory_space<vmem>>, %arg7: memref<96x137xi32, #tpu.memory_space<vmem>>, %arg8: memref<12288xi32, #tpu.memory_space<vmem>>, %arg9: memref<!tpu.dma_semaphore, #tpu.memory_space<semaphore_mem>>, %arg10: memref<!tpu.dma_semaphore, #tpu.memory_space<semaphore_mem>>, %arg11: memref<!tpu.dma_semaphore, #tpu.memory_space<semaphore_mem>>, %arg12: memref<!tpu.dma_semaphore, #tpu.memory_space<semaphore_mem>>) attributes {dimension_semantics = [#tpu.dimension_semantics<core_parallel>, #tpu.dimension_semantics<subcore_parallel>], iteration_bounds = array<i64: 2, 16>, scalar_prefetch = 0 : i64, scratch_operands = 7 : i64, tpu.core_type = #tpu.core_type<sc_vector_subcore>, window_params = [{transform_indices = #map}, {transform_indices = #map1}, {transform_indices = #map}, {transform_indices = #map}]} {
    %mul3A = arith.constant 2 : i32
    %mul3A_0 = arith.muli %arg1, %mul3A : i32
    %add3A = arith.addi %mul3A_0, %arg0 : i32
    "tpu.region"() ({
      %run_scoped3A = tpu.sem_alloc : memref<!tpu.dma_semaphore, #tpu.memory_space<semaphore_mem>>
      tpu.enqueue_dma source(%arg2 : memref<16xi32, #tpu.memory_space<hbm>>) target(%arg6 : memref<16xi32, #tpu.memory_space<vmem>>) target_semaphore(%run_scoped3A : memref<!tpu.dma_semaphore, #tpu.memory_space<semaphore_mem>>)
      tpu.wait_dma2 semaphore(%run_scoped3A : memref<!tpu.dma_semaphore, #tpu.memory_space<semaphore_mem>>) src(%arg2 : memref<16xi32, #tpu.memory_space<hbm>>) dst(%arg6 : memref<16xi32, #tpu.memory_space<vmem>>)
      tpu.yield
    }) : () -> ()
    %get3A = arith.constant 0 : index
    %get3A_1 = tpu.vector_load %arg6[%get3A] {strides = array<i32>} : memref<16xi32, #tpu.memory_space<vmem>>, vector<16xi32>,
    %iota3A = tpu.iota {dimensions = array<i32: 0>} : vector<16xi32>
    %lt3A = arith.constant 31 : i32
    %lt3A_2 = arith.cmpi slt, %add3A, %lt3A : i32
    %convert_element_type3A = arith.extui %lt3A_2 : i1 to i32
    %cond3A = arith.constant 0 : i32
    %cond3A_3 = arith.cmpi ne, %convert_element_type3A, %cond3A : i32
    scf.if %cond3A_3 {
      %mul3A_8 = arith.constant 3200 : i32
      %mul3A_9 = arith.muli %add3A, %mul3A_8 : i32
      %add3A_10 = arith.constant 0 : i32
      %add3A_11 = arith.addi %mul3A_9, %add3A_10 : i32
      %dma_start3A = arith.constant 0 : i32
      %dma_start3A_12 = arith.constant 0 : i32
      %dma_start3A_13 = tpu.memref_slice %arg7[%dma_start3A, %dma_start3A_12] : memref<96x137xi32, #tpu.memory_space<vmem>> -> memref<16x128xi32, #tpu.memory_space<vmem>>
      %dma_start3A_14 = arith.constant 0 : i32
      %dma_start3A_15 = tpu.memref_slice %arg3[%dma_start3A_14, %add3A_11] : memref<32x100000xi32, #tpu.memory_space<hbm>> -> memref<32x128xi32, #tpu.memory_space<hbm>>
      tpu.enqueue_indirect_dma source(%dma_start3A_15 : memref<32x128xi32, #tpu.memory_space<hbm>>) target(%dma_start3A_13 : memref<16x128xi32, #tpu.memory_space<vmem>>) offsets(%get3A_1 : vector<16xi32>) semaphore(%arg9 : memref<!tpu.dma_semaphore, #tpu.memory_space<semaphore_mem>>)
      %add3A_16 = arith.constant 128 : i32
      %add3A_17 = arith.addi %mul3A_9, %add3A_16 : i32
      %dma_start3A_18 = arith.constant 16 : i32
      %dma_start3A_19 = arith.constant 0 : i32
      %dma_start3A_20 = tpu.memref_slice %arg7[%dma_start3A_18, %dma_start3A_19] : memref<96x137xi32, #tpu.memory_space<vmem>> -> memref<16x128xi32, #tpu.memory_space<vmem>>
      %dma_start3A_21 = arith.constant 0 : i32
      %dma_start3A_22 = tpu.memref_slice %arg3[%dma_start3A_21, %add3A_17] : memref<32x100000xi32, #tpu.memory_space<hbm>> -> memref<32x128xi32, #tpu.memory_space<hbm>>
      tpu.enqueue_indirect_dma source(%dma_start3A_22 : memref<32x128xi32, #tpu.memory_space<hbm>>) target(%dma_start3A_20 : memref<16x128xi32, #tpu.memory_space<vmem>>) offsets(%get3A_1 : vector<16xi32>) semaphore(%arg9 : memref<!tpu.dma_semaphore, #tpu.memory_space<semaphore_mem>>)
      %add3A_23 = arith.constant 256 : i32
      %add3A_24 = arith.addi %mul3A_9, %add3A_23 : i32
      %dma_start3A_25 = arith.constant 32 : i32
      %dma_start3A_26 = arith.constant 0 : i32
      %dma_start3A_27 = tpu.memref_slice %arg7[%dma_start3A_25, %dma_start3A_26] : memref<96x137xi32, #tpu.memory_space<vmem>> -> memref<16x128xi32, #tpu.memory_space<vmem>>
      %dma_start3A_28 = arith.constant 0 : i32
      %dma_start3A_29 = tpu.memref_slice %arg3[%dma_start3A_28, %add3A_24] : memref<32x100000xi32, #tpu.memory_space<hbm>> -> memref<32x128xi32, #tpu.memory_space<hbm>>
      tpu.enqueue_indirect_dma source(%dma_start3A_29 : memref<32x128xi32, #tpu.memory_space<hbm>>) target(%dma_start3A_27 : memref<16x128xi32, #tpu.memory_space<vmem>>) offsets(%get3A_1 : vector<16xi32>) semaphore(%arg9 : memref<!tpu.dma_semaphore, #tpu.memory_space<semaphore_mem>>)
      %add3A_30 = arith.constant 384 : i32
      %add3A_31 = arith.addi %mul3A_9, %add3A_30 : i32
      %dma_start3A_32 = arith.constant 48 : i32
      %dma_start3A_33 = arith.constant 0 : i32
      %dma_start3A_34 = tpu.memref_slice %arg7[%dma_start3A_32, %dma_start3A_33] : memref<96x137xi32, #tpu.memory_space<vmem>> -> memref<16x128xi32, #tpu.memory_space<vmem>>
      %dma_start3A_35 = arith.constant 0 : i32
      %dma_start3A_36 = tpu.memref_slice %arg3[%dma_start3A_35, %add3A_31] : memref<32x100000xi32, #tpu.memory_space<hbm>> -> memref<32x128xi32, #tpu.memory_space<hbm>>
      tpu.enqueue_indirect_dma source(%dma_start3A_36 : memref<32x128xi32, #tpu.memory_space<hbm>>) target(%dma_start3A_34 : memref<16x128xi32, #tpu.memory_space<vmem>>) offsets(%get3A_1 : vector<16xi32>) semaphore(%arg10 : memref<!tpu.dma_semaphore, #tpu.memory_space<semaphore_mem>>)
      %add3A_37 = arith.constant 512 : i32
      %add3A_38 = arith.addi %mul3A_9, %add3A_37 : i32
      %dma_start3A_39 = arith.constant 64 : i32
      %dma_start3A_40 = arith.constant 0 : i32
      %dma_start3A_41 = tpu.memref_slice %arg7[%dma_start3A_39, %dma_start3A_40] : memref<96x137xi32, #tpu.memory_space<vmem>> -> memref<16x128xi32, #tpu.memory_space<vmem>>
      %dma_start3A_42 = arith.constant 0 : i32
      %dma_start3A_43 = tpu.memref_slice %arg3[%dma_start3A_42, %add3A_38] : memref<32x100000xi32, #tpu.memory_space<hbm>> -> memref<32x128xi32, #tpu.memory_space<hbm>>
      tpu.enqueue_indirect_dma source(%dma_start3A_43 : memref<32x128xi32, #tpu.memory_space<hbm>>) target(%dma_start3A_41 : memref<16x128xi32, #tpu.memory_space<vmem>>) offsets(%get3A_1 : vector<16xi32>) semaphore(%arg10 : memref<!tpu.dma_semaphore, #tpu.memory_space<semaphore_mem>>)
      %add3A_44 = arith.constant 640 : i32
      %add3A_45 = arith.addi %mul3A_9, %add3A_44 : i32
      %dma_start3A_46 = arith.constant 80 : i32
      %dma_start3A_47 = arith.constant 0 : i32
      %dma_start3A_48 = tpu.memref_slice %arg7[%dma_start3A_46, %dma_start3A_47] : memref<96x137xi32, #tpu.memory_space<vmem>> -> memref<16x128xi32, #tpu.memory_space<vmem>>
      %dma_start3A_49 = arith.constant 0 : i32
      %dma_start3A_50 = tpu.memref_slice %arg3[%dma_start3A_49, %add3A_45] : memref<32x100000xi32, #tpu.memory_space<hbm>> -> memref<32x128xi32, #tpu.memory_space<hbm>>
      tpu.enqueue_indirect_dma source(%dma_start3A_50 : memref<32x128xi32, #tpu.memory_space<hbm>>) target(%dma_start3A_48 : memref<16x128xi32, #tpu.memory_space<vmem>>) offsets(%get3A_1 : vector<16xi32>) semaphore(%arg10 : memref<!tpu.dma_semaphore, #tpu.memory_space<semaphore_mem>>)
      %dma_wait3A = arith.constant 0 : i32
      %dma_wait3A_51 = arith.constant 0 : i32
      %dma_wait3A_52 = tpu.memref_slice %arg7[%dma_wait3A, %dma_wait3A_51] : memref<96x137xi32, #tpu.memory_space<vmem>> -> memref<16x128xi32, #tpu.memory_space<vmem>>
      %dma_wait3A_53 = arith.constant 0 : i32
      %dma_wait3A_54 = tpu.memref_slice %arg3[%dma_wait3A_53, %add3A_11] : memref<32x100000xi32, #tpu.memory_space<hbm>> -> memref<32x128xi32, #tpu.memory_space<hbm>>
      tpu.wait_indirect_dma semaphore(%arg9 : memref<!tpu.dma_semaphore, #tpu.memory_space<semaphore_mem>>) src(%dma_wait3A_54 : memref<32x128xi32, #tpu.memory_space<hbm>>) dst(%dma_wait3A_52 : memref<16x128xi32, #tpu.memory_space<vmem>>)
      %dma_wait3A_55 = arith.constant 16 : i32
      %dma_wait3A_56 = arith.constant 0 : i32
      %dma_wait3A_57 = tpu.memref_slice %arg7[%dma_wait3A_55, %dma_wait3A_56] : memref<96x137xi32, #tpu.memory_space<vmem>> -> memref<16x128xi32, #tpu.memory_space<vmem>>
      %dma_wait3A_58 = arith.constant 0 : i32
      %dma_wait3A_59 = tpu.memref_slice %arg3[%dma_wait3A_58, %add3A_17] : memref<32x100000xi32, #tpu.memory_space<hbm>> -> memref<32x128xi32, #tpu.memory_space<hbm>>
      tpu.wait_indirect_dma semaphore(%arg9 : memref<!tpu.dma_semaphore, #tpu.memory_space<semaphore_mem>>) src(%dma_wait3A_59 : memref<32x128xi32, #tpu.memory_space<hbm>>) dst(%dma_wait3A_57 : memref<16x128xi32, #tpu.memory_space<vmem>>)
      %dma_wait3A_60 = arith.constant 32 : i32
      %dma_wait3A_61 = arith.constant 0 : i32
      %dma_wait3A_62 = tpu.memref_slice %arg7[%dma_wait3A_60, %dma_wait3A_61] : memref<96x137xi32, #tpu.memory_space<vmem>> -> memref<16x128xi32, #tpu.memory_space<vmem>>
      %dma_wait3A_63 = arith.constant 0 : i32
      %dma_wait3A_64 = tpu.memref_slice %arg3[%dma_wait3A_63, %add3A_24] : memref<32x100000xi32, #tpu.memory_space<hbm>> -> memref<32x128xi32, #tpu.memory_space<hbm>>
      tpu.wait_indirect_dma semaphore(%arg9 : memref<!tpu.dma_semaphore, #tpu.memory_space<semaphore_mem>>) src(%dma_wait3A_64 : memref<32x128xi32, #tpu.memory_space<hbm>>) dst(%dma_wait3A_62 : memref<16x128xi32, #tpu.memory_space<vmem>>)
      %parallel_loop3A = arith.constant 0 : i32
      %parallel_loop3A_65 = arith.constant 384 : i32
      %parallel_loop3A_66 = arith.constant 1 : i32
      scf.for %parallel_loop3A_478 = %parallel_loop3A to %parallel_loop3A_65 step %parallel_loop3A_66  : i32 {
        %parallel_loop3A_479 = arith.constant 7 : i32
        %parallel_loop3A_480 = arith.shrui %parallel_loop3A_478, %parallel_loop3A_479 : i32
        %parallel_loop3A_481 = arith.constant 127 : i32
        %parallel_loop3A_482 = arith.andi %parallel_loop3A_478, %parallel_loop3A_481 : i32
        %parallel_loop3A_483 = arith.constant 16 : i32
        %parallel_loop3A_484 = arith.muli %parallel_loop3A_480, %parallel_loop3A_483 : i32
        %parallel_loop3A_485 = arith.constant 0 : i32
        %parallel_loop3A_486 = arith.addi %parallel_loop3A_485, %parallel_loop3A_484 : i32
        %parallel_loop3A_487 = vector.broadcast %parallel_loop3A_486 : i32 to vector<16xi32>
        %parallel_loop3A_488 = arith.addi %iota3A, %parallel_loop3A_487 : vector<16xi32>
        %parallel_loop3A_489 = vector.broadcast %parallel_loop3A_482 : i32 to vector<16xi32>
        %parallel_loop3A_490 = tpu.vector_load_idx %arg7[%parallel_loop3A_488, %parallel_loop3A_489] : memref<96x137xi32, #tpu.memory_space<vmem>>[vector<16xi32>, vector<16xi32>], vector<16xi32>,
        %parallel_loop3A_491 = arith.constant 16 : i32
        %parallel_loop3A_492 = arith.muli %parallel_loop3A_478, %parallel_loop3A_491 : i32
        %parallel_loop3A_493 = arith.constant 0 : i32
        %parallel_loop3A_494 = arith.addi %parallel_loop3A_493, %parallel_loop3A_492 : i32
        %parallel_loop3A_495 = arith.index_cast %parallel_loop3A_494 : i32 to index
        %parallel_loop3A_496 = tpu.vector_load %arg8[%parallel_loop3A_495] {strides = array<i32>} : memref<12288xi32, #tpu.memory_space<vmem>>, vector<16xi32>,
        tpu.vector_store %arg8[%parallel_loop3A_495], %parallel_loop3A_490 {strides = array<i32>} : memref<12288xi32, #tpu.memory_space<vmem>>, vector<16xi32>,
      } {sc.loop_unroll_factor = 8 : i64, sc.parallel_access}
      %add3A_67 = arith.constant 0 : i32
      %add3A_68 = arith.addi %mul3A_9, %add3A_67 : i32
      %mul3A_69 = arith.constant 16 : i32
      %mul3A_70 = arith.muli %add3A_68, %mul3A_69 : i32
      %dma_start3A_71 = arith.constant 0 : i32
      %dma_start3A_72 = tpu.memref_slice %arg8[%dma_start3A_71] : memref<12288xi32, #tpu.memory_space<vmem>> -> memref<6144xi32, #tpu.memory_space<vmem>>
      %dma_start3A_73 = tpu.memref_slice %arg5[%mul3A_70] : memref<1600000xi32, #tpu.memory_space<hbm>> -> memref<6144xi32, #tpu.memory_space<hbm>>
      %dma_start3A_74 = tpu.memref_slice %arg5[%mul3A_70] : memref<1600000xi32, #tpu.memory_space<hbm>> -> memref<6144xi32, #tpu.memory_space<hbm>>
      %dma_start3A_75 = arith.constant 0 : i32
      %dma_start3A_76 = tpu.memref_slice %arg8[%dma_start3A_75] : memref<12288xi32, #tpu.memory_space<vmem>> -> memref<6144xi32, #tpu.memory_space<vmem>>
      tpu.enqueue_dma source(%dma_start3A_76 : memref<6144xi32, #tpu.memory_space<vmem>>) target(%dma_start3A_74 : memref<6144xi32, #tpu.memory_space<hbm>>) target_semaphore(%arg11 : memref<!tpu.dma_semaphore, #tpu.memory_space<semaphore_mem>>)
      %add3A_77 = arith.constant 768 : i32
      %add3A_78 = arith.addi %mul3A_9, %add3A_77 : i32
      %dma_start3A_79 = arith.constant 0 : i32
      %dma_start3A_80 = arith.constant 0 : i32
      %dma_start3A_81 = tpu.memref_slice %arg7[%dma_start3A_79, %dma_start3A_80] : memref<96x137xi32, #tpu.memory_space<vmem>> -> memref<16x128xi32, #tpu.memory_space<vmem>>
      %dma_start3A_82 = arith.constant 0 : i32
      %dma_start3A_83 = tpu.memref_slice %arg3[%dma_start3A_82, %add3A_78] : memref<32x100000xi32, #tpu.memory_space<hbm>> -> memref<32x128xi32, #tpu.memory_space<hbm>>
      tpu.enqueue_indirect_dma source(%dma_start3A_83 : memref<32x128xi32, #tpu.memory_space<hbm>>) target(%dma_start3A_81 : memref<16x128xi32, #tpu.memory_space<vmem>>) offsets(%get3A_1 : vector<16xi32>) semaphore(%arg9 : memref<!tpu.dma_semaphore, #tpu.memory_space<semaphore_mem>>)
      %add3A_84 = arith.constant 896 : i32
      %add3A_85 = arith.addi %mul3A_9, %add3A_84 : i32
      %dma_start3A_86 = arith.constant 16 : i32
      %dma_start3A_87 = arith.constant 0 : i32
      %dma_start3A_88 = tpu.memref_slice %arg7[%dma_start3A_86, %dma_start3A_87] : memref<96x137xi32, #tpu.memory_space<vmem>> -> memref<16x128xi32, #tpu.memory_space<vmem>>
      %dma_start3A_89 = arith.constant 0 : i32
      %dma_start3A_90 = tpu.memref_slice %arg3[%dma_start3A_89, %add3A_85] : memref<32x100000xi32, #tpu.memory_space<hbm>> -> memref<32x128xi32, #tpu.memory_space<hbm>>
      tpu.enqueue_indirect_dma source(%dma_start3A_90 : memref<32x128xi32, #tpu.memory_space<hbm>>) target(%dma_start3A_88 : memref<16x128xi32, #tpu.memory_space<vmem>>) offsets(%get3A_1 : vector<16xi32>) semaphore(%arg9 : memref<!tpu.dma_semaphore, #tpu.memory_space<semaphore_mem>>)
      %add3A_91 = arith.constant 1024 : i32
      %add3A_92 = arith.addi %mul3A_9, %add3A_91 : i32
      %dma_start3A_93 = arith.constant 32 : i32
      %dma_start3A_94 = arith.constant 0 : i32
      %dma_start3A_95 = tpu.memref_slice %arg7[%dma_start3A_93, %dma_start3A_94] : memref<96x137xi32, #tpu.memory_space<vmem>> -> memref<16x128xi32, #tpu.memory_space<vmem>>
      %dma_start3A_96 = arith.constant 0 : i32
      %dma_start3A_97 = tpu.memref_slice %arg3[%dma_start3A_96, %add3A_92] : memref<32x100000xi32, #tpu.memory_space<hbm>> -> memref<32x128xi32, #tpu.memory_space<hbm>>
      tpu.enqueue_indirect_dma source(%dma_start3A_97 : memref<32x128xi32, #tpu.memory_space<hbm>>) target(%dma_start3A_95 : memref<16x128xi32, #tpu.memory_space<vmem>>) offsets(%get3A_1 : vector<16xi32>) semaphore(%arg9 : memref<!tpu.dma_semaphore, #tpu.memory_space<semaphore_mem>>)
      %dma_wait3A_98 = arith.constant 48 : i32
      %dma_wait3A_99 = arith.constant 0 : i32
      %dma_wait3A_100 = tpu.memref_slice %arg7[%dma_wait3A_98, %dma_wait3A_99] : memref<96x137xi32, #tpu.memory_space<vmem>> -> memref<16x128xi32, #tpu.memory_space<vmem>>
      %dma_wait3A_101 = arith.constant 0 : i32
      %dma_wait3A_102 = tpu.memref_slice %arg3[%dma_wait3A_101, %add3A_31] : memref<32x100000xi32, #tpu.memory_space<hbm>> -> memref<32x128xi32, #tpu.memory_space<hbm>>
      tpu.wait_indirect_dma semaphore(%arg10 : memref<!tpu.dma_semaphore, #tpu.memory_space<semaphore_mem>>) src(%dma_wait3A_102 : memref<32x128xi32, #tpu.memory_space<hbm>>) dst(%dma_wait3A_100 : memref<16x128xi32, #tpu.memory_space<vmem>>)
      %dma_wait3A_103 = arith.constant 64 : i32
      %dma_wait3A_104 = arith.constant 0 : i32
      %dma_wait3A_105 = tpu.memref_slice %arg7[%dma_wait3A_103, %dma_wait3A_104] : memref<96x137xi32, #tpu.memory_space<vmem>> -> memref<16x128xi32, #tpu.memory_space<vmem>>
      %dma_wait3A_106 = arith.constant 0 : i32
      %dma_wait3A_107 = tpu.memref_slice %arg3[%dma_wait3A_106, %add3A_38] : memref<32x100000xi32, #tpu.memory_space<hbm>> -> memref<32x128xi32, #tpu.memory_space<hbm>>
      tpu.wait_indirect_dma semaphore(%arg10 : memref<!tpu.dma_semaphore, #tpu.memory_space<semaphore_mem>>) src(%dma_wait3A_107 : memref<32x128xi32, #tpu.memory_space<hbm>>) dst(%dma_wait3A_105 : memref<16x128xi32, #tpu.memory_space<vmem>>)
      %dma_wait3A_108 = arith.constant 80 : i32
      %dma_wait3A_109 = arith.constant 0 : i32
      %dma_wait3A_110 = tpu.memref_slice %arg7[%dma_wait3A_108, %dma_wait3A_109] : memref<96x137xi32, #tpu.memory_space<vmem>> -> memref<16x128xi32, #tpu.memory_space<vmem>>
      %dma_wait3A_111 = arith.constant 0 : i32
      %dma_wait3A_112 = tpu.memref_slice %arg3[%dma_wait3A_111, %add3A_45] : memref<32x100000xi32, #tpu.memory_space<hbm>> -> memref<32x128xi32, #tpu.memory_space<hbm>>
      tpu.wait_indirect_dma semaphore(%arg10 : memref<!tpu.dma_semaphore, #tpu.memory_space<semaphore_mem>>) src(%dma_wait3A_112 : memref<32x128xi32, #tpu.memory_space<hbm>>) dst(%dma_wait3A_110 : memref<16x128xi32, #tpu.memory_space<vmem>>)
      %parallel_loop3A_113 = arith.constant 0 : i32
      %parallel_loop3A_114 = arith.constant 384 : i32
      %parallel_loop3A_115 = arith.constant 1 : i32
      scf.for %parallel_loop3A_478 = %parallel_loop3A_113 to %parallel_loop3A_114 step %parallel_loop3A_115  : i32 {
        %parallel_loop3A_479 = arith.constant 7 : i32
        %parallel_loop3A_480 = arith.shrui %parallel_loop3A_478, %parallel_loop3A_479 : i32
        %parallel_loop3A_481 = arith.constant 127 : i32
        %parallel_loop3A_482 = arith.andi %parallel_loop3A_478, %parallel_loop3A_481 : i32
        %parallel_loop3A_483 = arith.constant 16 : i32
        %parallel_loop3A_484 = arith.muli %parallel_loop3A_480, %parallel_loop3A_483 : i32
        %parallel_loop3A_485 = arith.constant 48 : i32
        %parallel_loop3A_486 = arith.addi %parallel_loop3A_485, %parallel_loop3A_484 : i32
        %parallel_loop3A_487 = vector.broadcast %parallel_loop3A_486 : i32 to vector<16xi32>
        %parallel_loop3A_488 = arith.addi %iota3A, %parallel_loop3A_487 : vector<16xi32>
        %parallel_loop3A_489 = vector.broadcast %parallel_loop3A_482 : i32 to vector<16xi32>
        %parallel_loop3A_490 = tpu.vector_load_idx %arg7[%parallel_loop3A_488, %parallel_loop3A_489] : memref<96x137xi32, #tpu.memory_space<vmem>>[vector<16xi32>, vector<16xi32>], vector<16xi32>,
        %parallel_loop3A_491 = arith.constant 16 : i32
        %parallel_loop3A_492 = arith.muli %parallel_loop3A_478, %parallel_loop3A_491 : i32
        %parallel_loop3A_493 = arith.constant 6144 : i32
        %parallel_loop3A_494 = arith.addi %parallel_loop3A_493, %parallel_loop3A_492 : i32
        %parallel_loop3A_495 = arith.index_cast %parallel_loop3A_494 : i32 to index
        %parallel_loop3A_496 = tpu.vector_load %arg8[%parallel_loop3A_495] {strides = array<i32>} : memref<12288xi32, #tpu.memory_space<vmem>>, vector<16xi32>,
        tpu.vector_store %arg8[%parallel_loop3A_495], %parallel_loop3A_490 {strides = array<i32>} : memref<12288xi32, #tpu.memory_space<vmem>>, vector<16xi32>,
      } {sc.loop_unroll_factor = 8 : i64, sc.parallel_access}
      %add3A_116 = arith.constant 384 : i32
      %add3A_117 = arith.addi %mul3A_9, %add3A_116 : i32
      %mul3A_118 = arith.constant 16 : i32
      %mul3A_119 = arith.muli %add3A_117, %mul3A_118 : i32
      %dma_start3A_120 = arith.constant 6144 : i32
      %dma_start3A_121 = tpu.memref_slice %arg8[%dma_start3A_120] : memref<12288xi32, #tpu.memory_space<vmem>> -> memref<6144xi32, #tpu.memory_space<vmem>>
      %dma_start3A_122 = tpu.memref_slice %arg5[%mul3A_119] : memref<1600000xi32, #tpu.memory_space<hbm>> -> memref<6144xi32, #tpu.memory_space<hbm>>
      %dma_start3A_123 = tpu.memref_slice %arg5[%mul3A_119] : memref<1600000xi32, #tpu.memory_space<hbm>> -> memref<6144xi32, #tpu.memory_space<hbm>>
      %dma_start3A_124 = arith.constant 6144 : i32
      %dma_start3A_125 = tpu.memref_slice %arg8[%dma_start3A_124] : memref<12288xi32, #tpu.memory_space<vmem>> -> memref<6144xi32, #tpu.memory_space<vmem>>
      tpu.enqueue_dma source(%dma_start3A_125 : memref<6144xi32, #tpu.memory_space<vmem>>) target(%dma_start3A_123 : memref<6144xi32, #tpu.memory_space<hbm>>) target_semaphore(%arg12 : memref<!tpu.dma_semaphore, #tpu.memory_space<semaphore_mem>>)
      %add3A_126 = arith.constant 1152 : i32
      %add3A_127 = arith.addi %mul3A_9, %add3A_126 : i32
      %dma_start3A_128 = arith.constant 48 : i32
      %dma_start3A_129 = arith.constant 0 : i32
      %dma_start3A_130 = tpu.memref_slice %arg7[%dma_start3A_128, %dma_start3A_129] : memref<96x137xi32, #tpu.memory_space<vmem>> -> memref<16x128xi32, #tpu.memory_space<vmem>>
      %dma_start3A_131 = arith.constant 0 : i32
      %dma_start3A_132 = tpu.memref_slice %arg3[%dma_start3A_131, %add3A_127] : memref<32x100000xi32, #tpu.memory_space<hbm>> -> memref<32x128xi32, #tpu.memory_space<hbm>>
      tpu.enqueue_indirect_dma source(%dma_start3A_132 : memref<32x128xi32, #tpu.memory_space<hbm>>) target(%dma_start3A_130 : memref<16x128xi32, #tpu.memory_space<vmem>>) offsets(%get3A_1 : vector<16xi32>) semaphore(%arg10 : memref<!tpu.dma_semaphore, #tpu.memory_space<semaphore_mem>>)
      %add3A_133 = arith.constant 1280 : i32
      %add3A_134 = arith.addi %mul3A_9, %add3A_133 : i32
      %dma_start3A_135 = arith.constant 64 : i32
      %dma_start3A_136 = arith.constant 0 : i32
      %dma_start3A_137 = tpu.memref_slice %arg7[%dma_start3A_135, %dma_start3A_136] : memref<96x137xi32, #tpu.memory_space<vmem>> -> memref<16x128xi32, #tpu.memory_space<vmem>>
      %dma_start3A_138 = arith.constant 0 : i32
      %dma_start3A_139 = tpu.memref_slice %arg3[%dma_start3A_138, %add3A_134] : memref<32x100000xi32, #tpu.memory_space<hbm>> -> memref<32x128xi32, #tpu.memory_space<hbm>>
      tpu.enqueue_indirect_dma source(%dma_start3A_139 : memref<32x128xi32, #tpu.memory_space<hbm>>) target(%dma_start3A_137 : memref<16x128xi32, #tpu.memory_space<vmem>>) offsets(%get3A_1 : vector<16xi32>) semaphore(%arg10 : memref<!tpu.dma_semaphore, #tpu.memory_space<semaphore_mem>>)
      %add3A_140 = arith.constant 1408 : i32
      %add3A_141 = arith.addi %mul3A_9, %add3A_140 : i32
      %dma_start3A_142 = arith.constant 80 : i32
      %dma_start3A_143 = arith.constant 0 : i32
      %dma_start3A_144 = tpu.memref_slice %arg7[%dma_start3A_142, %dma_start3A_143] : memref<96x137xi32, #tpu.memory_space<vmem>> -> memref<16x128xi32, #tpu.memory_space<vmem>>
      %dma_start3A_145 = arith.constant 0 : i32
      %dma_start3A_146 = tpu.memref_slice %arg3[%dma_start3A_145, %add3A_141] : memref<32x100000xi32, #tpu.memory_space<hbm>> -> memref<32x128xi32, #tpu.memory_space<hbm>>
      tpu.enqueue_indirect_dma source(%dma_start3A_146 : memref<32x128xi32, #tpu.memory_space<hbm>>) target(%dma_start3A_144 : memref<16x128xi32, #tpu.memory_space<vmem>>) offsets(%get3A_1 : vector<16xi32>) semaphore(%arg10 : memref<!tpu.dma_semaphore, #tpu.memory_space<semaphore_mem>>)
      %dma_wait3A_147 = arith.constant 0 : i32
      %dma_wait3A_148 = tpu.memref_slice %arg8[%dma_wait3A_147] : memref<12288xi32, #tpu.memory_space<vmem>> -> memref<6144xi32, #tpu.memory_space<vmem>>
      %dma_wait3A_149 = tpu.memref_slice %arg5[%mul3A_70] : memref<1600000xi32, #tpu.memory_space<hbm>> -> memref<6144xi32, #tpu.memory_space<hbm>>
      %dma_wait3A_150 = tpu.memref_slice %arg5[%mul3A_70] : memref<1600000xi32, #tpu.memory_space<hbm>> -> memref<6144xi32, #tpu.memory_space<hbm>>
      %dma_wait3A_151 = arith.constant 0 : i32
      %dma_wait3A_152 = tpu.memref_slice %arg8[%dma_wait3A_151] : memref<12288xi32, #tpu.memory_space<vmem>> -> memref<6144xi32, #tpu.memory_space<vmem>>
      tpu.wait_dma2 semaphore(%arg11 : memref<!tpu.dma_semaphore, #tpu.memory_space<semaphore_mem>>) src(%dma_wait3A_152 : memref<6144xi32, #tpu.memory_space<vmem>>) dst(%dma_wait3A_150 : memref<6144xi32, #tpu.memory_space<hbm>>)
      %dma_wait3A_153 = arith.constant 0 : i32
      %dma_wait3A_154 = arith.constant 0 : i32
      %dma_wait3A_155 = tpu.memref_slice %arg7[%dma_wait3A_153, %dma_wait3A_154] : memref<96x137xi32, #tpu.memory_space<vmem>> -> memref<16x128xi32, #tpu.memory_space<vmem>>
      %dma_wait3A_156 = arith.constant 0 : i32
      %dma_wait3A_157 = tpu.memref_slice %arg3[%dma_wait3A_156, %add3A_78] : memref<32x100000xi32, #tpu.memory_space<hbm>> -> memref<32x128xi32, #tpu.memory_space<hbm>>
      tpu.wait_indirect_dma semaphore(%arg9 : memref<!tpu.dma_semaphore, #tpu.memory_space<semaphore_mem>>) src(%dma_wait3A_157 : memref<32x128xi32, #tpu.memory_space<hbm>>) dst(%dma_wait3A_155 : memref<16x128xi32, #tpu.memory_space<vmem>>)
      %dma_wait3A_158 = arith.constant 16 : i32
      %dma_wait3A_159 = arith.constant 0 : i32
      %dma_wait3A_160 = tpu.memref_slice %arg7[%dma_wait3A_158, %dma_wait3A_159] : memref<96x137xi32, #tpu.memory_space<vmem>> -> memref<16x128xi32, #tpu.memory_space<vmem>>
      %dma_wait3A_161 = arith.constant 0 : i32
      %dma_wait3A_162 = tpu.memref_slice %arg3[%dma_wait3A_161, %add3A_85] : memref<32x100000xi32, #tpu.memory_space<hbm>> -> memref<32x128xi32, #tpu.memory_space<hbm>>
      tpu.wait_indirect_dma semaphore(%arg9 : memref<!tpu.dma_semaphore, #tpu.memory_space<semaphore_mem>>) src(%dma_wait3A_162 : memref<32x128xi32, #tpu.memory_space<hbm>>) dst(%dma_wait3A_160 : memref<16x128xi32, #tpu.memory_space<vmem>>)
      %dma_wait3A_163 = arith.constant 32 : i32
      %dma_wait3A_164 = arith.constant 0 : i32
      %dma_wait3A_165 = tpu.memref_slice %arg7[%dma_wait3A_163, %dma_wait3A_164] : memref<96x137xi32, #tpu.memory_space<vmem>> -> memref<16x128xi32, #tpu.memory_space<vmem>>
      %dma_wait3A_166 = arith.constant 0 : i32
      %dma_wait3A_167 = tpu.memref_slice %arg3[%dma_wait3A_166, %add3A_92] : memref<32x100000xi32, #tpu.memory_space<hbm>> -> memref<32x128xi32, #tpu.memory_space<hbm>>
      tpu.wait_indirect_dma semaphore(%arg9 : memref<!tpu.dma_semaphore, #tpu.memory_space<semaphore_mem>>) src(%dma_wait3A_167 : memref<32x128xi32, #tpu.memory_space<hbm>>) dst(%dma_wait3A_165 : memref<16x128xi32, #tpu.memory_space<vmem>>)
      %parallel_loop3A_168 = arith.constant 0 : i32
      %parallel_loop3A_169 = arith.constant 384 : i32
      %parallel_loop3A_170 = arith.constant 1 : i32
      scf.for %parallel_loop3A_478 = %parallel_loop3A_168 to %parallel_loop3A_169 step %parallel_loop3A_170  : i32 {
        %parallel_loop3A_479 = arith.constant 7 : i32
        %parallel_loop3A_480 = arith.shrui %parallel_loop3A_478, %parallel_loop3A_479 : i32
        %parallel_loop3A_481 = arith.constant 127 : i32
        %parallel_loop3A_482 = arith.andi %parallel_loop3A_478, %parallel_loop3A_481 : i32
        %parallel_loop3A_483 = arith.constant 16 : i32
        %parallel_loop3A_484 = arith.muli %parallel_loop3A_480, %parallel_loop3A_483 : i32
        %parallel_loop3A_485 = arith.constant 0 : i32
        %parallel_loop3A_486 = arith.addi %parallel_loop3A_485, %parallel_loop3A_484 : i32
        %parallel_loop3A_487 = vector.broadcast %parallel_loop3A_486 : i32 to vector<16xi32>
        %parallel_loop3A_488 = arith.addi %iota3A, %parallel_loop3A_487 : vector<16xi32>
        %parallel_loop3A_489 = vector.broadcast %parallel_loop3A_482 : i32 to vector<16xi32>
        %parallel_loop3A_490 = tpu.vector_load_idx %arg7[%parallel_loop3A_488, %parallel_loop3A_489] : memref<96x137xi32, #tpu.memory_space<vmem>>[vector<16xi32>, vector<16xi32>], vector<16xi32>,
        %parallel_loop3A_491 = arith.constant 16 : i32
        %parallel_loop3A_492 = arith.muli %parallel_loop3A_478, %parallel_loop3A_491 : i32
        %parallel_loop3A_493 = arith.constant 0 : i32
        %parallel_loop3A_494 = arith.addi %parallel_loop3A_493, %parallel_loop3A_492 : i32
        %parallel_loop3A_495 = arith.index_cast %parallel_loop3A_494 : i32 to index
        %parallel_loop3A_496 = tpu.vector_load %arg8[%parallel_loop3A_495] {strides = array<i32>} : memref<12288xi32, #tpu.memory_space<vmem>>, vector<16xi32>,
        tpu.vector_store %arg8[%parallel_loop3A_495], %parallel_loop3A_490 {strides = array<i32>} : memref<12288xi32, #tpu.memory_space<vmem>>, vector<16xi32>,
      } {sc.loop_unroll_factor = 8 : i64, sc.parallel_access}
      %add3A_171 = arith.constant 768 : i32
      %add3A_172 = arith.addi %mul3A_9, %add3A_171 : i32
      %mul3A_173 = arith.constant 16 : i32
      %mul3A_174 = arith.muli %add3A_172, %mul3A_173 : i32
      %dma_start3A_175 = arith.constant 0 : i32
      %dma_start3A_176 = tpu.memref_slice %arg8[%dma_start3A_175] : memref<12288xi32, #tpu.memory_space<vmem>> -> memref<6144xi32, #tpu.memory_space<vmem>>
      %dma_start3A_177 = tpu.memref_slice %arg5[%mul3A_174] : memref<1600000xi32, #tpu.memory_space<hbm>> -> memref<6144xi32, #tpu.memory_space<hbm>>
      %dma_start3A_178 = tpu.memref_slice %arg5[%mul3A_174] : memref<1600000xi32, #tpu.memory_space<hbm>> -> memref<6144xi32, #tpu.memory_space<hbm>>
      %dma_start3A_179 = arith.constant 0 : i32
      %dma_start3A_180 = tpu.memref_slice %arg8[%dma_start3A_179] : memref<12288xi32, #tpu.memory_space<vmem>> -> memref<6144xi32, #tpu.memory_space<vmem>>
      tpu.enqueue_dma source(%dma_start3A_180 : memref<6144xi32, #tpu.memory_space<vmem>>) target(%dma_start3A_178 : memref<6144xi32, #tpu.memory_space<hbm>>) target_semaphore(%arg11 : memref<!tpu.dma_semaphore, #tpu.memory_space<semaphore_mem>>)
      %add3A_181 = arith.constant 1536 : i32
      %add3A_182 = arith.addi %mul3A_9, %add3A_181 : i32
      %dma_start3A_183 = arith.constant 0 : i32
      %dma_start3A_184 = arith.constant 0 : i32
      %dma_start3A_185 = tpu.memref_slice %arg7[%dma_start3A_183, %dma_start3A_184] : memref<96x137xi32, #tpu.memory_space<vmem>> -> memref<16x128xi32, #tpu.memory_space<vmem>>
      %dma_start3A_186 = arith.constant 0 : i32
      %dma_start3A_187 = tpu.memref_slice %arg3[%dma_start3A_186, %add3A_182] : memref<32x100000xi32, #tpu.memory_space<hbm>> -> memref<32x128xi32, #tpu.memory_space<hbm>>
      tpu.enqueue_indirect_dma source(%dma_start3A_187 : memref<32x128xi32, #tpu.memory_space<hbm>>) target(%dma_start3A_185 : memref<16x128xi32, #tpu.memory_space<vmem>>) offsets(%get3A_1 : vector<16xi32>) semaphore(%arg9 : memref<!tpu.dma_semaphore, #tpu.memory_space<semaphore_mem>>)
      %add3A_188 = arith.constant 1664 : i32
      %add3A_189 = arith.addi %mul3A_9, %add3A_188 : i32
      %dma_start3A_190 = arith.constant 16 : i32
      %dma_start3A_191 = arith.constant 0 : i32
      %dma_start3A_192 = tpu.memref_slice %arg7[%dma_start3A_190, %dma_start3A_191] : memref<96x137xi32, #tpu.memory_space<vmem>> -> memref<16x128xi32, #tpu.memory_space<vmem>>
      %dma_start3A_193 = arith.constant 0 : i32
      %dma_start3A_194 = tpu.memref_slice %arg3[%dma_start3A_193, %add3A_189] : memref<32x100000xi32, #tpu.memory_space<hbm>> -> memref<32x128xi32, #tpu.memory_space<hbm>>
      tpu.enqueue_indirect_dma source(%dma_start3A_194 : memref<32x128xi32, #tpu.memory_space<hbm>>) target(%dma_start3A_192 : memref<16x128xi32, #tpu.memory_space<vmem>>) offsets(%get3A_1 : vector<16xi32>) semaphore(%arg9 : memref<!tpu.dma_semaphore, #tpu.memory_space<semaphore_mem>>)
      %add3A_195 = arith.constant 1792 : i32
      %add3A_196 = arith.addi %mul3A_9, %add3A_195 : i32
      %dma_start3A_197 = arith.constant 32 : i32
      %dma_start3A_198 = arith.constant 0 : i32
      %dma_start3A_199 = tpu.memref_slice %arg7[%dma_start3A_197, %dma_start3A_198] : memref<96x137xi32, #tpu.memory_space<vmem>> -> memref<16x128xi32, #tpu.memory_space<vmem>>
      %dma_start3A_200 = arith.constant 0 : i32
      %dma_start3A_201 = tpu.memref_slice %arg3[%dma_start3A_200, %add3A_196] : memref<32x100000xi32, #tpu.memory_space<hbm>> -> memref<32x128xi32, #tpu.memory_space<hbm>>
      tpu.enqueue_indirect_dma source(%dma_start3A_201 : memref<32x128xi32, #tpu.memory_space<hbm>>) target(%dma_start3A_199 : memref<16x128xi32, #tpu.memory_space<vmem>>) offsets(%get3A_1 : vector<16xi32>) semaphore(%arg9 : memref<!tpu.dma_semaphore, #tpu.memory_space<semaphore_mem>>)
      %dma_wait3A_202 = arith.constant 6144 : i32
      %dma_wait3A_203 = tpu.memref_slice %arg8[%dma_wait3A_202] : memref<12288xi32, #tpu.memory_space<vmem>> -> memref<6144xi32, #tpu.memory_space<vmem>>
      %dma_wait3A_204 = tpu.memref_slice %arg5[%mul3A_119] : memref<1600000xi32, #tpu.memory_space<hbm>> -> memref<6144xi32, #tpu.memory_space<hbm>>
      %dma_wait3A_205 = tpu.memref_slice %arg5[%mul3A_119] : memref<1600000xi32, #tpu.memory_space<hbm>> -> memref<6144xi32, #tpu.memory_space<hbm>>
      %dma_wait3A_206 = arith.constant 6144 : i32
      %dma_wait3A_207 = tpu.memref_slice %arg8[%dma_wait3A_206] : memref<12288xi32, #tpu.memory_space<vmem>> -> memref<6144xi32, #tpu.memory_space<vmem>>
      tpu.wait_dma2 semaphore(%arg12 : memref<!tpu.dma_semaphore, #tpu.memory_space<semaphore_mem>>) src(%dma_wait3A_207 : memref<6144xi32, #tpu.memory_space<vmem>>) dst(%dma_wait3A_205 : memref<6144xi32, #tpu.memory_space<hbm>>)
      %dma_wait3A_208 = arith.constant 48 : i32
      %dma_wait3A_209 = arith.constant 0 : i32
      %dma_wait3A_210 = tpu.memref_slice %arg7[%dma_wait3A_208, %dma_wait3A_209] : memref<96x137xi32, #tpu.memory_space<vmem>> -> memref<16x128xi32, #tpu.memory_space<vmem>>
      %dma_wait3A_211 = arith.constant 0 : i32
      %dma_wait3A_212 = tpu.memref_slice %arg3[%dma_wait3A_211, %add3A_127] : memref<32x100000xi32, #tpu.memory_space<hbm>> -> memref<32x128xi32, #tpu.memory_space<hbm>>
      tpu.wait_indirect_dma semaphore(%arg10 : memref<!tpu.dma_semaphore, #tpu.memory_space<semaphore_mem>>) src(%dma_wait3A_212 : memref<32x128xi32, #tpu.memory_space<hbm>>) dst(%dma_wait3A_210 : memref<16x128xi32, #tpu.memory_space<vmem>>)
      %dma_wait3A_213 = arith.constant 64 : i32
      %dma_wait3A_214 = arith.constant 0 : i32
      %dma_wait3A_215 = tpu.memref_slice %arg7[%dma_wait3A_213, %dma_wait3A_214] : memref<96x137xi32, #tpu.memory_space<vmem>> -> memref<16x128xi32, #tpu.memory_space<vmem>>
      %dma_wait3A_216 = arith.constant 0 : i32
      %dma_wait3A_217 = tpu.memref_slice %arg3[%dma_wait3A_216, %add3A_134] : memref<32x100000xi32, #tpu.memory_space<hbm>> -> memref<32x128xi32, #tpu.memory_space<hbm>>
      tpu.wait_indirect_dma semaphore(%arg10 : memref<!tpu.dma_semaphore, #tpu.memory_space<semaphore_mem>>) src(%dma_wait3A_217 : memref<32x128xi32, #tpu.memory_space<hbm>>) dst(%dma_wait3A_215 : memref<16x128xi32, #tpu.memory_space<vmem>>)
      %dma_wait3A_218 = arith.constant 80 : i32
      %dma_wait3A_219 = arith.constant 0 : i32
      %dma_wait3A_220 = tpu.memref_slice %arg7[%dma_wait3A_218, %dma_wait3A_219] : memref<96x137xi32, #tpu.memory_space<vmem>> -> memref<16x128xi32, #tpu.memory_space<vmem>>
      %dma_wait3A_221 = arith.constant 0 : i32
      %dma_wait3A_222 = tpu.memref_slice %arg3[%dma_wait3A_221, %add3A_141] : memref<32x100000xi32, #tpu.memory_space<hbm>> -> memref<32x128xi32, #tpu.memory_space<hbm>>
      tpu.wait_indirect_dma semaphore(%arg10 : memref<!tpu.dma_semaphore, #tpu.memory_space<semaphore_mem>>) src(%dma_wait3A_222 : memref<32x128xi32, #tpu.memory_space<hbm>>) dst(%dma_wait3A_220 : memref<16x128xi32, #tpu.memory_space<vmem>>)
      %parallel_loop3A_223 = arith.constant 0 : i32
      %parallel_loop3A_224 = arith.constant 384 : i32
      %parallel_loop3A_225 = arith.constant 1 : i32
      scf.for %parallel_loop3A_478 = %parallel_loop3A_223 to %parallel_loop3A_224 step %parallel_loop3A_225  : i32 {
        %parallel_loop3A_479 = arith.constant 7 : i32
        %parallel_loop3A_480 = arith.shrui %parallel_loop3A_478, %parallel_loop3A_479 : i32
        %parallel_loop3A_481 = arith.constant 127 : i32
        %parallel_loop3A_482 = arith.andi %parallel_loop3A_478, %parallel_loop3A_481 : i32
        %parallel_loop3A_483 = arith.constant 16 : i32
        %parallel_loop3A_484 = arith.muli %parallel_loop3A_480, %parallel_loop3A_483 : i32
        %parallel_loop3A_485 = arith.constant 48 : i32
        %parallel_loop3A_486 = arith.addi %parallel_loop3A_485, %parallel_loop3A_484 : i32
        %parallel_loop3A_487 = vector.broadcast %parallel_loop3A_486 : i32 to vector<16xi32>
        %parallel_loop3A_488 = arith.addi %iota3A, %parallel_loop3A_487 : vector<16xi32>
        %parallel_loop3A_489 = vector.broadcast %parallel_loop3A_482 : i32 to vector<16xi32>
        %parallel_loop3A_490 = tpu.vector_load_idx %arg7[%parallel_loop3A_488, %parallel_loop3A_489] : memref<96x137xi32, #tpu.memory_space<vmem>>[vector<16xi32>, vector<16xi32>], vector<16xi32>,
        %parallel_loop3A_491 = arith.constant 16 : i32
        %parallel_loop3A_492 = arith.muli %parallel_loop3A_478, %parallel_loop3A_491 : i32
        %parallel_loop3A_493 = arith.constant 6144 : i32
        %parallel_loop3A_494 = arith.addi %parallel_loop3A_493, %parallel_loop3A_492 : i32
        %parallel_loop3A_495 = arith.index_cast %parallel_loop3A_494 : i32 to index
        %parallel_loop3A_496 = tpu.vector_load %arg8[%parallel_loop3A_495] {strides = array<i32>} : memref<12288xi32, #tpu.memory_space<vmem>>, vector<16xi32>,
        tpu.vector_store %arg8[%parallel_loop3A_495], %parallel_loop3A_490 {strides = array<i32>} : memref<12288xi32, #tpu.memory_space<vmem>>, vector<16xi32>,
      } {sc.loop_unroll_factor = 8 : i64, sc.parallel_access}
      %add3A_226 = arith.constant 1152 : i32
      %add3A_227 = arith.addi %mul3A_9, %add3A_226 : i32
      %mul3A_228 = arith.constant 16 : i32
      %mul3A_229 = arith.muli %add3A_227, %mul3A_228 : i32
      %dma_start3A_230 = arith.constant 6144 : i32
      %dma_start3A_231 = tpu.memref_slice %arg8[%dma_start3A_230] : memref<12288xi32, #tpu.memory_space<vmem>> -> memref<6144xi32, #tpu.memory_space<vmem>>
      %dma_start3A_232 = tpu.memref_slice %arg5[%mul3A_229] : memref<1600000xi32, #tpu.memory_space<hbm>> -> memref<6144xi32, #tpu.memory_space<hbm>>
      %dma_start3A_233 = tpu.memref_slice %arg5[%mul3A_229] : memref<1600000xi32, #tpu.memory_space<hbm>> -> memref<6144xi32, #tpu.memory_space<hbm>>
      %dma_start3A_234 = arith.constant 6144 : i32
      %dma_start3A_235 = tpu.memref_slice %arg8[%dma_start3A_234] : memref<12288xi32, #tpu.memory_space<vmem>> -> memref<6144xi32, #tpu.memory_space<vmem>>
      tpu.enqueue_dma source(%dma_start3A_235 : memref<6144xi32, #tpu.memory_space<vmem>>) target(%dma_start3A_233 : memref<6144xi32, #tpu.memory_space<hbm>>) target_semaphore(%arg12 : memref<!tpu.dma_semaphore, #tpu.memory_space<semaphore_mem>>)
      %add3A_236 = arith.constant 1920 : i32
      %add3A_237 = arith.addi %mul3A_9, %add3A_236 : i32
      %dma_start3A_238 = arith.constant 48 : i32
      %dma_start3A_239 = arith.constant 0 : i32
      %dma_start3A_240 = tpu.memref_slice %arg7[%dma_start3A_238, %dma_start3A_239] : memref<96x137xi32, #tpu.memory_space<vmem>> -> memref<16x128xi32, #tpu.memory_space<vmem>>
      %dma_start3A_241 = arith.constant 0 : i32
      %dma_start3A_242 = tpu.memref_slice %arg3[%dma_start3A_241, %add3A_237] : memref<32x100000xi32, #tpu.memory_space<hbm>> -> memref<32x128xi32, #tpu.memory_space<hbm>>
      tpu.enqueue_indirect_dma source(%dma_start3A_242 : memref<32x128xi32, #tpu.memory_space<hbm>>) target(%dma_start3A_240 : memref<16x128xi32, #tpu.memory_space<vmem>>) offsets(%get3A_1 : vector<16xi32>) semaphore(%arg10 : memref<!tpu.dma_semaphore, #tpu.memory_space<semaphore_mem>>)
      %add3A_243 = arith.constant 2048 : i32
      %add3A_244 = arith.addi %mul3A_9, %add3A_243 : i32
      %dma_start3A_245 = arith.constant 64 : i32
      %dma_start3A_246 = arith.constant 0 : i32
      %dma_start3A_247 = tpu.memref_slice %arg7[%dma_start3A_245, %dma_start3A_246] : memref<96x137xi32, #tpu.memory_space<vmem>> -> memref<16x128xi32, #tpu.memory_space<vmem>>
      %dma_start3A_248 = arith.constant 0 : i32
      %dma_start3A_249 = tpu.memref_slice %arg3[%dma_start3A_248, %add3A_244] : memref<32x100000xi32, #tpu.memory_space<hbm>> -> memref<32x128xi32, #tpu.memory_space<hbm>>
      tpu.enqueue_indirect_dma source(%dma_start3A_249 : memref<32x128xi32, #tpu.memory_space<hbm>>) target(%dma_start3A_247 : memref<16x128xi32, #tpu.memory_space<vmem>>) offsets(%get3A_1 : vector<16xi32>) semaphore(%arg10 : memref<!tpu.dma_semaphore, #tpu.memory_space<semaphore_mem>>)
      %add3A_250 = arith.constant 2176 : i32
      %add3A_251 = arith.addi %mul3A_9, %add3A_250 : i32
      %dma_start3A_252 = arith.constant 80 : i32
      %dma_start3A_253 = arith.constant 0 : i32
      %dma_start3A_254 = tpu.memref_slice %arg7[%dma_start3A_252, %dma_start3A_253] : memref<96x137xi32, #tpu.memory_space<vmem>> -> memref<16x128xi32, #tpu.memory_space<vmem>>
      %dma_start3A_255 = arith.constant 0 : i32
      %dma_start3A_256 = tpu.memref_slice %arg3[%dma_start3A_255, %add3A_251] : memref<32x100000xi32, #tpu.memory_space<hbm>> -> memref<32x128xi32, #tpu.memory_space<hbm>>
      tpu.enqueue_indirect_dma source(%dma_start3A_256 : memref<32x128xi32, #tpu.memory_space<hbm>>) target(%dma_start3A_254 : memref<16x128xi32, #tpu.memory_space<vmem>>) offsets(%get3A_1 : vector<16xi32>) semaphore(%arg10 : memref<!tpu.dma_semaphore, #tpu.memory_space<semaphore_mem>>)
      %dma_wait3A_257 = arith.constant 0 : i32
      %dma_wait3A_258 = tpu.memref_slice %arg8[%dma_wait3A_257] : memref<12288xi32, #tpu.memory_space<vmem>> -> memref<6144xi32, #tpu.memory_space<vmem>>
      %dma_wait3A_259 = tpu.memref_slice %arg5[%mul3A_174] : memref<1600000xi32, #tpu.memory_space<hbm>> -> memref<6144xi32, #tpu.memory_space<hbm>>
      %dma_wait3A_260 = tpu.memref_slice %arg5[%mul3A_174] : memref<1600000xi32, #tpu.memory_space<hbm>> -> memref<6144xi32, #tpu.memory_space<hbm>>
      %dma_wait3A_261 = arith.constant 0 : i32
      %dma_wait3A_262 = tpu.memref_slice %arg8[%dma_wait3A_261] : memref<12288xi32, #tpu.memory_space<vmem>> -> memref<6144xi32, #tpu.memory_space<vmem>>
      tpu.wait_dma2 semaphore(%arg11 : memref<!tpu.dma_semaphore, #tpu.memory_space<semaphore_mem>>) src(%dma_wait3A_262 : memref<6144xi32, #tpu.memory_space<vmem>>) dst(%dma_wait3A_260 : memref<6144xi32, #tpu.memory_space<hbm>>)
      %dma_wait3A_263 = arith.constant 0 : i32
      %dma_wait3A_264 = arith.constant 0 : i32
      %dma_wait3A_265 = tpu.memref_slice %arg7[%dma_wait3A_263, %dma_wait3A_264] : memref<96x137xi32, #tpu.memory_space<vmem>> -> memref<16x128xi32, #tpu.memory_space<vmem>>
      %dma_wait3A_266 = arith.constant 0 : i32
      %dma_wait3A_267 = tpu.memref_slice %arg3[%dma_wait3A_266, %add3A_182] : memref<32x100000xi32, #tpu.memory_space<hbm>> -> memref<32x128xi32, #tpu.memory_space<hbm>>
      tpu.wait_indirect_dma semaphore(%arg9 : memref<!tpu.dma_semaphore, #tpu.memory_space<semaphore_mem>>) src(%dma_wait3A_267 : memref<32x128xi32, #tpu.memory_space<hbm>>) dst(%dma_wait3A_265 : memref<16x128xi32, #tpu.memory_space<vmem>>)
      %dma_wait3A_268 = arith.constant 16 : i32
      %dma_wait3A_269 = arith.constant 0 : i32
      %dma_wait3A_270 = tpu.memref_slice %arg7[%dma_wait3A_268, %dma_wait3A_269] : memref<96x137xi32, #tpu.memory_space<vmem>> -> memref<16x128xi32, #tpu.memory_space<vmem>>
      %dma_wait3A_271 = arith.constant 0 : i32
      %dma_wait3A_272 = tpu.memref_slice %arg3[%dma_wait3A_271, %add3A_189] : memref<32x100000xi32, #tpu.memory_space<hbm>> -> memref<32x128xi32, #tpu.memory_space<hbm>>
      tpu.wait_indirect_dma semaphore(%arg9 : memref<!tpu.dma_semaphore, #tpu.memory_space<semaphore_mem>>) src(%dma_wait3A_272 : memref<32x128xi32, #tpu.memory_space<hbm>>) dst(%dma_wait3A_270 : memref<16x128xi32, #tpu.memory_space<vmem>>)
      %dma_wait3A_273 = arith.constant 32 : i32
      %dma_wait3A_274 = arith.constant 0 : i32
      %dma_wait3A_275 = tpu.memref_slice %arg7[%dma_wait3A_273, %dma_wait3A_274] : memref<96x137xi32, #tpu.memory_space<vmem>> -> memref<16x128xi32, #tpu.memory_space<vmem>>
      %dma_wait3A_276 = arith.constant 0 : i32
      %dma_wait3A_277 = tpu.memref_slice %arg3[%dma_wait3A_276, %add3A_196] : memref<32x100000xi32, #tpu.memory_space<hbm>> -> memref<32x128xi32, #tpu.memory_space<hbm>>
      tpu.wait_indirect_dma semaphore(%arg9 : memref<!tpu.dma_semaphore, #tpu.memory_space<semaphore_mem>>) src(%dma_wait3A_277 : memref<32x128xi32, #tpu.memory_space<hbm>>) dst(%dma_wait3A_275 : memref<16x128xi32, #tpu.memory_space<vmem>>)
      %parallel_loop3A_278 = arith.constant 0 : i32
      %parallel_loop3A_279 = arith.constant 384 : i32
      %parallel_loop3A_280 = arith.constant 1 : i32
      scf.for %parallel_loop3A_478 = %parallel_loop3A_278 to %parallel_loop3A_279 step %parallel_loop3A_280  : i32 {
        %parallel_loop3A_479 = arith.constant 7 : i32
        %parallel_loop3A_480 = arith.shrui %parallel_loop3A_478, %parallel_loop3A_479 : i32
        %parallel_loop3A_481 = arith.constant 127 : i32
        %parallel_loop3A_482 = arith.andi %parallel_loop3A_478, %parallel_loop3A_481 : i32
        %parallel_loop3A_483 = arith.constant 16 : i32
        %parallel_loop3A_484 = arith.muli %parallel_loop3A_480, %parallel_loop3A_483 : i32
        %parallel_loop3A_485 = arith.constant 0 : i32
        %parallel_loop3A_486 = arith.addi %parallel_loop3A_485, %parallel_loop3A_484 : i32
        %parallel_loop3A_487 = vector.broadcast %parallel_loop3A_486 : i32 to vector<16xi32>
        %parallel_loop3A_488 = arith.addi %iota3A, %parallel_loop3A_487 : vector<16xi32>
        %parallel_loop3A_489 = vector.broadcast %parallel_loop3A_482 : i32 to vector<16xi32>
        %parallel_loop3A_490 = tpu.vector_load_idx %arg7[%parallel_loop3A_488, %parallel_loop3A_489] : memref<96x137xi32, #tpu.memory_space<vmem>>[vector<16xi32>, vector<16xi32>], vector<16xi32>,
        %parallel_loop3A_491 = arith.constant 16 : i32
        %parallel_loop3A_492 = arith.muli %parallel_loop3A_478, %parallel_loop3A_491 : i32
        %parallel_loop3A_493 = arith.constant 0 : i32
        %parallel_loop3A_494 = arith.addi %parallel_loop3A_493, %parallel_loop3A_492 : i32
        %parallel_loop3A_495 = arith.index_cast %parallel_loop3A_494 : i32 to index
        %parallel_loop3A_496 = tpu.vector_load %arg8[%parallel_loop3A_495] {strides = array<i32>} : memref<12288xi32, #tpu.memory_space<vmem>>, vector<16xi32>,
        tpu.vector_store %arg8[%parallel_loop3A_495], %parallel_loop3A_490 {strides = array<i32>} : memref<12288xi32, #tpu.memory_space<vmem>>, vector<16xi32>,
      } {sc.loop_unroll_factor = 8 : i64, sc.parallel_access}
      %add3A_281 = arith.constant 1536 : i32
      %add3A_282 = arith.addi %mul3A_9, %add3A_281 : i32
      %mul3A_283 = arith.constant 16 : i32
      %mul3A_284 = arith.muli %add3A_282, %mul3A_283 : i32
      %dma_start3A_285 = arith.constant 0 : i32
      %dma_start3A_286 = tpu.memref_slice %arg8[%dma_start3A_285] : memref<12288xi32, #tpu.memory_space<vmem>> -> memref<6144xi32, #tpu.memory_space<vmem>>
      %dma_start3A_287 = tpu.memref_slice %arg5[%mul3A_284] : memref<1600000xi32, #tpu.memory_space<hbm>> -> memref<6144xi32, #tpu.memory_space<hbm>>
      %dma_start3A_288 = tpu.memref_slice %arg5[%mul3A_284] : memref<1600000xi32, #tpu.memory_space<hbm>> -> memref<6144xi32, #tpu.memory_space<hbm>>
      %dma_start3A_289 = arith.constant 0 : i32
      %dma_start3A_290 = tpu.memref_slice %arg8[%dma_start3A_289] : memref<12288xi32, #tpu.memory_space<vmem>> -> memref<6144xi32, #tpu.memory_space<vmem>>
      tpu.enqueue_dma source(%dma_start3A_290 : memref<6144xi32, #tpu.memory_space<vmem>>) target(%dma_start3A_288 : memref<6144xi32, #tpu.memory_space<hbm>>) target_semaphore(%arg11 : memref<!tpu.dma_semaphore, #tpu.memory_space<semaphore_mem>>)
      %add3A_291 = arith.constant 2304 : i32
      %add3A_292 = arith.addi %mul3A_9, %add3A_291 : i32
      %dma_start3A_293 = arith.constant 0 : i32
      %dma_start3A_294 = arith.constant 0 : i32
      %dma_start3A_295 = tpu.memref_slice %arg7[%dma_start3A_293, %dma_start3A_294] : memref<96x137xi32, #tpu.memory_space<vmem>> -> memref<16x128xi32, #tpu.memory_space<vmem>>
      %dma_start3A_296 = arith.constant 0 : i32
      %dma_start3A_297 = tpu.memref_slice %arg3[%dma_start3A_296, %add3A_292] : memref<32x100000xi32, #tpu.memory_space<hbm>> -> memref<32x128xi32, #tpu.memory_space<hbm>>
      tpu.enqueue_indirect_dma source(%dma_start3A_297 : memref<32x128xi32, #tpu.memory_space<hbm>>) target(%dma_start3A_295 : memref<16x128xi32, #tpu.memory_space<vmem>>) offsets(%get3A_1 : vector<16xi32>) semaphore(%arg9 : memref<!tpu.dma_semaphore, #tpu.memory_space<semaphore_mem>>)
      %add3A_298 = arith.constant 2432 : i32
      %add3A_299 = arith.addi %mul3A_9, %add3A_298 : i32
      %dma_start3A_300 = arith.constant 16 : i32
      %dma_start3A_301 = arith.constant 0 : i32
      %dma_start3A_302 = tpu.memref_slice %arg7[%dma_start3A_300, %dma_start3A_301] : memref<96x137xi32, #tpu.memory_space<vmem>> -> memref<16x128xi32, #tpu.memory_space<vmem>>
      %dma_start3A_303 = arith.constant 0 : i32
      %dma_start3A_304 = tpu.memref_slice %arg3[%dma_start3A_303, %add3A_299] : memref<32x100000xi32, #tpu.memory_space<hbm>> -> memref<32x128xi32, #tpu.memory_space<hbm>>
      tpu.enqueue_indirect_dma source(%dma_start3A_304 : memref<32x128xi32, #tpu.memory_space<hbm>>) target(%dma_start3A_302 : memref<16x128xi32, #tpu.memory_space<vmem>>) offsets(%get3A_1 : vector<16xi32>) semaphore(%arg9 : memref<!tpu.dma_semaphore, #tpu.memory_space<semaphore_mem>>)
      %add3A_305 = arith.constant 2560 : i32
      %add3A_306 = arith.addi %mul3A_9, %add3A_305 : i32
      %dma_start3A_307 = arith.constant 32 : i32
      %dma_start3A_308 = arith.constant 0 : i32
      %dma_start3A_309 = tpu.memref_slice %arg7[%dma_start3A_307, %dma_start3A_308] : memref<96x137xi32, #tpu.memory_space<vmem>> -> memref<16x128xi32, #tpu.memory_space<vmem>>
      %dma_start3A_310 = arith.constant 0 : i32
      %dma_start3A_311 = tpu.memref_slice %arg3[%dma_start3A_310, %add3A_306] : memref<32x100000xi32, #tpu.memory_space<hbm>> -> memref<32x128xi32, #tpu.memory_space<hbm>>
      tpu.enqueue_indirect_dma source(%dma_start3A_311 : memref<32x128xi32, #tpu.memory_space<hbm>>) target(%dma_start3A_309 : memref<16x128xi32, #tpu.memory_space<vmem>>) offsets(%get3A_1 : vector<16xi32>) semaphore(%arg9 : memref<!tpu.dma_semaphore, #tpu.memory_space<semaphore_mem>>)
      %dma_wait3A_312 = arith.constant 6144 : i32
      %dma_wait3A_313 = tpu.memref_slice %arg8[%dma_wait3A_312] : memref<12288xi32, #tpu.memory_space<vmem>> -> memref<6144xi32, #tpu.memory_space<vmem>>
      %dma_wait3A_314 = tpu.memref_slice %arg5[%mul3A_229] : memref<1600000xi32, #tpu.memory_space<hbm>> -> memref<6144xi32, #tpu.memory_space<hbm>>
      %dma_wait3A_315 = tpu.memref_slice %arg5[%mul3A_229] : memref<1600000xi32, #tpu.memory_space<hbm>> -> memref<6144xi32, #tpu.memory_space<hbm>>
      %dma_wait3A_316 = arith.constant 6144 : i32
      %dma_wait3A_317 = tpu.memref_slice %arg8[%dma_wait3A_316] : memref<12288xi32, #tpu.memory_space<vmem>> -> memref<6144xi32, #tpu.memory_space<vmem>>
      tpu.wait_dma2 semaphore(%arg12 : memref<!tpu.dma_semaphore, #tpu.memory_space<semaphore_mem>>) src(%dma_wait3A_317 : memref<6144xi32, #tpu.memory_space<vmem>>) dst(%dma_wait3A_315 : memref<6144xi32, #tpu.memory_space<hbm>>)
      %dma_wait3A_318 = arith.constant 48 : i32
      %dma_wait3A_319 = arith.constant 0 : i32
      %dma_wait3A_320 = tpu.memref_slice %arg7[%dma_wait3A_318, %dma_wait3A_319] : memref<96x137xi32, #tpu.memory_space<vmem>> -> memref<16x128xi32, #tpu.memory_space<vmem>>
      %dma_wait3A_321 = arith.constant 0 : i32
      %dma_wait3A_322 = tpu.memref_slice %arg3[%dma_wait3A_321, %add3A_237] : memref<32x100000xi32, #tpu.memory_space<hbm>> -> memref<32x128xi32, #tpu.memory_space<hbm>>
      tpu.wait_indirect_dma semaphore(%arg10 : memref<!tpu.dma_semaphore, #tpu.memory_space<semaphore_mem>>) src(%dma_wait3A_322 : memref<32x128xi32, #tpu.memory_space<hbm>>) dst(%dma_wait3A_320 : memref<16x128xi32, #tpu.memory_space<vmem>>)
      %dma_wait3A_323 = arith.constant 64 : i32
      %dma_wait3A_324 = arith.constant 0 : i32
      %dma_wait3A_325 = tpu.memref_slice %arg7[%dma_wait3A_323, %dma_wait3A_324] : memref<96x137xi32, #tpu.memory_space<vmem>> -> memref<16x128xi32, #tpu.memory_space<vmem>>
      %dma_wait3A_326 = arith.constant 0 : i32
      %dma_wait3A_327 = tpu.memref_slice %arg3[%dma_wait3A_326, %add3A_244] : memref<32x100000xi32, #tpu.memory_space<hbm>> -> memref<32x128xi32, #tpu.memory_space<hbm>>
      tpu.wait_indirect_dma semaphore(%arg10 : memref<!tpu.dma_semaphore, #tpu.memory_space<semaphore_mem>>) src(%dma_wait3A_327 : memref<32x128xi32, #tpu.memory_space<hbm>>) dst(%dma_wait3A_325 : memref<16x128xi32, #tpu.memory_space<vmem>>)
      %dma_wait3A_328 = arith.constant 80 : i32
      %dma_wait3A_329 = arith.constant 0 : i32
      %dma_wait3A_330 = tpu.memref_slice %arg7[%dma_wait3A_328, %dma_wait3A_329] : memref<96x137xi32, #tpu.memory_space<vmem>> -> memref<16x128xi32, #tpu.memory_space<vmem>>
      %dma_wait3A_331 = arith.constant 0 : i32
      %dma_wait3A_332 = tpu.memref_slice %arg3[%dma_wait3A_331, %add3A_251] : memref<32x100000xi32, #tpu.memory_space<hbm>> -> memref<32x128xi32, #tpu.memory_space<hbm>>
      tpu.wait_indirect_dma semaphore(%arg10 : memref<!tpu.dma_semaphore, #tpu.memory_space<semaphore_mem>>) src(%dma_wait3A_332 : memref<32x128xi32, #tpu.memory_space<hbm>>) dst(%dma_wait3A_330 : memref<16x128xi32, #tpu.memory_space<vmem>>)
      %parallel_loop3A_333 = arith.constant 0 : i32
      %parallel_loop3A_334 = arith.constant 384 : i32
      %parallel_loop3A_335 = arith.constant 1 : i32
      scf.for %parallel_loop3A_478 = %parallel_loop3A_333 to %parallel_loop3A_334 step %parallel_loop3A_335  : i32 {
        %parallel_loop3A_479 = arith.constant 7 : i32
        %parallel_loop3A_480 = arith.shrui %parallel_loop3A_478, %parallel_loop3A_479 : i32
        %parallel_loop3A_481 = arith.constant 127 : i32
        %parallel_loop3A_482 = arith.andi %parallel_loop3A_478, %parallel_loop3A_481 : i32
        %parallel_loop3A_483 = arith.constant 16 : i32
        %parallel_loop3A_484 = arith.muli %parallel_loop3A_480, %parallel_loop3A_483 : i32
        %parallel_loop3A_485 = arith.constant 48 : i32
        %parallel_loop3A_486 = arith.addi %parallel_loop3A_485, %parallel_loop3A_484 : i32
        %parallel_loop3A_487 = vector.broadcast %parallel_loop3A_486 : i32 to vector<16xi32>
        %parallel_loop3A_488 = arith.addi %iota3A, %parallel_loop3A_487 : vector<16xi32>
        %parallel_loop3A_489 = vector.broadcast %parallel_loop3A_482 : i32 to vector<16xi32>
        %parallel_loop3A_490 = tpu.vector_load_idx %arg7[%parallel_loop3A_488, %parallel_loop3A_489] : memref<96x137xi32, #tpu.memory_space<vmem>>[vector<16xi32>, vector<16xi32>], vector<16xi32>,
        %parallel_loop3A_491 = arith.constant 16 : i32
        %parallel_loop3A_492 = arith.muli %parallel_loop3A_478, %parallel_loop3A_491 : i32
        %parallel_loop3A_493 = arith.constant 6144 : i32
        %parallel_loop3A_494 = arith.addi %parallel_loop3A_493, %parallel_loop3A_492 : i32
        %parallel_loop3A_495 = arith.index_cast %parallel_loop3A_494 : i32 to index
        %parallel_loop3A_496 = tpu.vector_load %arg8[%parallel_loop3A_495] {strides = array<i32>} : memref<12288xi32, #tpu.memory_space<vmem>>, vector<16xi32>,
        tpu.vector_store %arg8[%parallel_loop3A_495], %parallel_loop3A_490 {strides = array<i32>} : memref<12288xi32, #tpu.memory_space<vmem>>, vector<16xi32>,
      } {sc.loop_unroll_factor = 8 : i64, sc.parallel_access}
      %add3A_336 = arith.constant 1920 : i32
      %add3A_337 = arith.addi %mul3A_9, %add3A_336 : i32
      %mul3A_338 = arith.constant 16 : i32
      %mul3A_339 = arith.muli %add3A_337, %mul3A_338 : i32
      %dma_start3A_340 = arith.constant 6144 : i32
      %dma_start3A_341 = tpu.memref_slice %arg8[%dma_start3A_340] : memref<12288xi32, #tpu.memory_space<vmem>> -> memref<6144xi32, #tpu.memory_space<vmem>>
      %dma_start3A_342 = tpu.memref_slice %arg5[%mul3A_339] : memref<1600000xi32, #tpu.memory_space<hbm>> -> memref<6144xi32, #tpu.memory_space<hbm>>
      %dma_start3A_343 = tpu.memref_slice %arg5[%mul3A_339] : memref<1600000xi32, #tpu.memory_space<hbm>> -> memref<6144xi32, #tpu.memory_space<hbm>>
      %dma_start3A_344 = arith.constant 6144 : i32
      %dma_start3A_345 = tpu.memref_slice %arg8[%dma_start3A_344] : memref<12288xi32, #tpu.memory_space<vmem>> -> memref<6144xi32, #tpu.memory_space<vmem>>
      tpu.enqueue_dma source(%dma_start3A_345 : memref<6144xi32, #tpu.memory_space<vmem>>) target(%dma_start3A_343 : memref<6144xi32, #tpu.memory_space<hbm>>) target_semaphore(%arg12 : memref<!tpu.dma_semaphore, #tpu.memory_space<semaphore_mem>>)
      %add3A_346 = arith.constant 2688 : i32
      %add3A_347 = arith.addi %mul3A_9, %add3A_346 : i32
      %dma_start3A_348 = arith.constant 48 : i32
      %dma_start3A_349 = arith.constant 0 : i32
      %dma_start3A_350 = tpu.memref_slice %arg7[%dma_start3A_348, %dma_start3A_349] : memref<96x137xi32, #tpu.memory_space<vmem>> -> memref<16x128xi32, #tpu.memory_space<vmem>>
      %dma_start3A_351 = arith.constant 0 : i32
      %dma_start3A_352 = tpu.memref_slice %arg3[%dma_start3A_351, %add3A_347] : memref<32x100000xi32, #tpu.memory_space<hbm>> -> memref<32x128xi32, #tpu.memory_space<hbm>>
      tpu.enqueue_indirect_dma source(%dma_start3A_352 : memref<32x128xi32, #tpu.memory_space<hbm>>) target(%dma_start3A_350 : memref<16x128xi32, #tpu.memory_space<vmem>>) offsets(%get3A_1 : vector<16xi32>) semaphore(%arg10 : memref<!tpu.dma_semaphore, #tpu.memory_space<semaphore_mem>>)
      %add3A_353 = arith.constant 2816 : i32
      %add3A_354 = arith.addi %mul3A_9, %add3A_353 : i32
      %dma_start3A_355 = arith.constant 64 : i32
      %dma_start3A_356 = arith.constant 0 : i32
      %dma_start3A_357 = tpu.memref_slice %arg7[%dma_start3A_355, %dma_start3A_356] : memref<96x137xi32, #tpu.memory_space<vmem>> -> memref<16x128xi32, #tpu.memory_space<vmem>>
      %dma_start3A_358 = arith.constant 0 : i32
      %dma_start3A_359 = tpu.memref_slice %arg3[%dma_start3A_358, %add3A_354] : memref<32x100000xi32, #tpu.memory_space<hbm>> -> memref<32x128xi32, #tpu.memory_space<hbm>>
      tpu.enqueue_indirect_dma source(%dma_start3A_359 : memref<32x128xi32, #tpu.memory_space<hbm>>) target(%dma_start3A_357 : memref<16x128xi32, #tpu.memory_space<vmem>>) offsets(%get3A_1 : vector<16xi32>) semaphore(%arg10 : memref<!tpu.dma_semaphore, #tpu.memory_space<semaphore_mem>>)
      %add3A_360 = arith.constant 2944 : i32
      %add3A_361 = arith.addi %mul3A_9, %add3A_360 : i32
      %dma_start3A_362 = arith.constant 80 : i32
      %dma_start3A_363 = arith.constant 0 : i32
      %dma_start3A_364 = tpu.memref_slice %arg7[%dma_start3A_362, %dma_start3A_363] : memref<96x137xi32, #tpu.memory_space<vmem>> -> memref<16x128xi32, #tpu.memory_space<vmem>>
      %dma_start3A_365 = arith.constant 0 : i32
      %dma_start3A_366 = tpu.memref_slice %arg3[%dma_start3A_365, %add3A_361] : memref<32x100000xi32, #tpu.memory_space<hbm>> -> memref<32x128xi32, #tpu.memory_space<hbm>>
      tpu.enqueue_indirect_dma source(%dma_start3A_366 : memref<32x128xi32, #tpu.memory_space<hbm>>) target(%dma_start3A_364 : memref<16x128xi32, #tpu.memory_space<vmem>>) offsets(%get3A_1 : vector<16xi32>) semaphore(%arg10 : memref<!tpu.dma_semaphore, #tpu.memory_space<semaphore_mem>>)
      %dma_wait3A_367 = arith.constant 0 : i32
      %dma_wait3A_368 = tpu.memref_slice %arg8[%dma_wait3A_367] : memref<12288xi32, #tpu.memory_space<vmem>> -> memref<6144xi32, #tpu.memory_space<vmem>>
      %dma_wait3A_369 = tpu.memref_slice %arg5[%mul3A_284] : memref<1600000xi32, #tpu.memory_space<hbm>> -> memref<6144xi32, #tpu.memory_space<hbm>>
      %dma_wait3A_370 = tpu.memref_slice %arg5[%mul3A_284] : memref<1600000xi32, #tpu.memory_space<hbm>> -> memref<6144xi32, #tpu.memory_space<hbm>>
      %dma_wait3A_371 = arith.constant 0 : i32
      %dma_wait3A_372 = tpu.memref_slice %arg8[%dma_wait3A_371] : memref<12288xi32, #tpu.memory_space<vmem>> -> memref<6144xi32, #tpu.memory_space<vmem>>
      tpu.wait_dma2 semaphore(%arg11 : memref<!tpu.dma_semaphore, #tpu.memory_space<semaphore_mem>>) src(%dma_wait3A_372 : memref<6144xi32, #tpu.memory_space<vmem>>) dst(%dma_wait3A_370 : memref<6144xi32, #tpu.memory_space<hbm>>)
      %dma_wait3A_373 = arith.constant 0 : i32
      %dma_wait3A_374 = arith.constant 0 : i32
      %dma_wait3A_375 = tpu.memref_slice %arg7[%dma_wait3A_373, %dma_wait3A_374] : memref<96x137xi32, #tpu.memory_space<vmem>> -> memref<16x128xi32, #tpu.memory_space<vmem>>
      %dma_wait3A_376 = arith.constant 0 : i32
      %dma_wait3A_377 = tpu.memref_slice %arg3[%dma_wait3A_376, %add3A_292] : memref<32x100000xi32, #tpu.memory_space<hbm>> -> memref<32x128xi32, #tpu.memory_space<hbm>>
      tpu.wait_indirect_dma semaphore(%arg9 : memref<!tpu.dma_semaphore, #tpu.memory_space<semaphore_mem>>) src(%dma_wait3A_377 : memref<32x128xi32, #tpu.memory_space<hbm>>) dst(%dma_wait3A_375 : memref<16x128xi32, #tpu.memory_space<vmem>>)
      %dma_wait3A_378 = arith.constant 16 : i32
      %dma_wait3A_379 = arith.constant 0 : i32
      %dma_wait3A_380 = tpu.memref_slice %arg7[%dma_wait3A_378, %dma_wait3A_379] : memref<96x137xi32, #tpu.memory_space<vmem>> -> memref<16x128xi32, #tpu.memory_space<vmem>>
      %dma_wait3A_381 = arith.constant 0 : i32
      %dma_wait3A_382 = tpu.memref_slice %arg3[%dma_wait3A_381, %add3A_299] : memref<32x100000xi32, #tpu.memory_space<hbm>> -> memref<32x128xi32, #tpu.memory_space<hbm>>
      tpu.wait_indirect_dma semaphore(%arg9 : memref<!tpu.dma_semaphore, #tpu.memory_space<semaphore_mem>>) src(%dma_wait3A_382 : memref<32x128xi32, #tpu.memory_space<hbm>>) dst(%dma_wait3A_380 : memref<16x128xi32, #tpu.memory_space<vmem>>)
      %dma_wait3A_383 = arith.constant 32 : i32
      %dma_wait3A_384 = arith.constant 0 : i32
      %dma_wait3A_385 = tpu.memref_slice %arg7[%dma_wait3A_383, %dma_wait3A_384] : memref<96x137xi32, #tpu.memory_space<vmem>> -> memref<16x128xi32, #tpu.memory_space<vmem>>
      %dma_wait3A_386 = arith.constant 0 : i32
      %dma_wait3A_387 = tpu.memref_slice %arg3[%dma_wait3A_386, %add3A_306] : memref<32x100000xi32, #tpu.memory_space<hbm>> -> memref<32x128xi32, #tpu.memory_space<hbm>>
      tpu.wait_indirect_dma semaphore(%arg9 : memref<!tpu.dma_semaphore, #tpu.memory_space<semaphore_mem>>) src(%dma_wait3A_387 : memref<32x128xi32, #tpu.memory_space<hbm>>) dst(%dma_wait3A_385 : memref<16x128xi32, #tpu.memory_space<vmem>>)
      %parallel_loop3A_388 = arith.constant 0 : i32
      %parallel_loop3A_389 = arith.constant 384 : i32
      %parallel_loop3A_390 = arith.constant 1 : i32
      scf.for %parallel_loop3A_478 = %parallel_loop3A_388 to %parallel_loop3A_389 step %parallel_loop3A_390  : i32 {
        %parallel_loop3A_479 = arith.constant 7 : i32
        %parallel_loop3A_480 = arith.shrui %parallel_loop3A_478, %parallel_loop3A_479 : i32
        %parallel_loop3A_481 = arith.constant 127 : i32
        %parallel_loop3A_482 = arith.andi %parallel_loop3A_478, %parallel_loop3A_481 : i32
        %parallel_loop3A_483 = arith.constant 16 : i32
        %parallel_loop3A_484 = arith.muli %parallel_loop3A_480, %parallel_loop3A_483 : i32
        %parallel_loop3A_485 = arith.constant 0 : i32
        %parallel_loop3A_486 = arith.addi %parallel_loop3A_485, %parallel_loop3A_484 : i32
        %parallel_loop3A_487 = vector.broadcast %parallel_loop3A_486 : i32 to vector<16xi32>
        %parallel_loop3A_488 = arith.addi %iota3A, %parallel_loop3A_487 : vector<16xi32>
        %parallel_loop3A_489 = vector.broadcast %parallel_loop3A_482 : i32 to vector<16xi32>
        %parallel_loop3A_490 = tpu.vector_load_idx %arg7[%parallel_loop3A_488, %parallel_loop3A_489] : memref<96x137xi32, #tpu.memory_space<vmem>>[vector<16xi32>, vector<16xi32>], vector<16xi32>,
        %parallel_loop3A_491 = arith.constant 16 : i32
        %parallel_loop3A_492 = arith.muli %parallel_loop3A_478, %parallel_loop3A_491 : i32
        %parallel_loop3A_493 = arith.constant 0 : i32
        %parallel_loop3A_494 = arith.addi %parallel_loop3A_493, %parallel_loop3A_492 : i32
        %parallel_loop3A_495 = arith.index_cast %parallel_loop3A_494 : i32 to index
        %parallel_loop3A_496 = tpu.vector_load %arg8[%parallel_loop3A_495] {strides = array<i32>} : memref<12288xi32, #tpu.memory_space<vmem>>, vector<16xi32>,
        tpu.vector_store %arg8[%parallel_loop3A_495], %parallel_loop3A_490 {strides = array<i32>} : memref<12288xi32, #tpu.memory_space<vmem>>, vector<16xi32>,
      } {sc.loop_unroll_factor = 8 : i64, sc.parallel_access}
      %add3A_391 = arith.constant 2304 : i32
      %add3A_392 = arith.addi %mul3A_9, %add3A_391 : i32
      %mul3A_393 = arith.constant 16 : i32
      %mul3A_394 = arith.muli %add3A_392, %mul3A_393 : i32
      %dma_start3A_395 = arith.constant 0 : i32
      %dma_start3A_396 = tpu.memref_slice %arg8[%dma_start3A_395] : memref<12288xi32, #tpu.memory_space<vmem>> -> memref<6144xi32, #tpu.memory_space<vmem>>
      %dma_start3A_397 = tpu.memref_slice %arg5[%mul3A_394] : memref<1600000xi32, #tpu.memory_space<hbm>> -> memref<6144xi32, #tpu.memory_space<hbm>>
      %dma_start3A_398 = tpu.memref_slice %arg5[%mul3A_394] : memref<1600000xi32, #tpu.memory_space<hbm>> -> memref<6144xi32, #tpu.memory_space<hbm>>
      %dma_start3A_399 = arith.constant 0 : i32
      %dma_start3A_400 = tpu.memref_slice %arg8[%dma_start3A_399] : memref<12288xi32, #tpu.memory_space<vmem>> -> memref<6144xi32, #tpu.memory_space<vmem>>
      tpu.enqueue_dma source(%dma_start3A_400 : memref<6144xi32, #tpu.memory_space<vmem>>) target(%dma_start3A_398 : memref<6144xi32, #tpu.memory_space<hbm>>) target_semaphore(%arg11 : memref<!tpu.dma_semaphore, #tpu.memory_space<semaphore_mem>>)
      %add3A_401 = arith.constant 3072 : i32
      %add3A_402 = arith.addi %mul3A_9, %add3A_401 : i32
      %dma_start3A_403 = arith.constant 0 : i32
      %dma_start3A_404 = arith.constant 0 : i32
      %dma_start3A_405 = tpu.memref_slice %arg7[%dma_start3A_403, %dma_start3A_404] : memref<96x137xi32, #tpu.memory_space<vmem>> -> memref<16x128xi32, #tpu.memory_space<vmem>>
      %dma_start3A_406 = arith.constant 0 : i32
      %dma_start3A_407 = tpu.memref_slice %arg3[%dma_start3A_406, %add3A_402] : memref<32x100000xi32, #tpu.memory_space<hbm>> -> memref<32x128xi32, #tpu.memory_space<hbm>>
      tpu.enqueue_indirect_dma source(%dma_start3A_407 : memref<32x128xi32, #tpu.memory_space<hbm>>) target(%dma_start3A_405 : memref<16x128xi32, #tpu.memory_space<vmem>>) offsets(%get3A_1 : vector<16xi32>) semaphore(%arg9 : memref<!tpu.dma_semaphore, #tpu.memory_space<semaphore_mem>>)
      %dma_wait3A_408 = arith.constant 6144 : i32
      %dma_wait3A_409 = tpu.memref_slice %arg8[%dma_wait3A_408] : memref<12288xi32, #tpu.memory_space<vmem>> -> memref<6144xi32, #tpu.memory_space<vmem>>
      %dma_wait3A_410 = tpu.memref_slice %arg5[%mul3A_339] : memref<1600000xi32, #tpu.memory_space<hbm>> -> memref<6144xi32, #tpu.memory_space<hbm>>
      %dma_wait3A_411 = tpu.memref_slice %arg5[%mul3A_339] : memref<1600000xi32, #tpu.memory_space<hbm>> -> memref<6144xi32, #tpu.memory_space<hbm>>
      %dma_wait3A_412 = arith.constant 6144 : i32
      %dma_wait3A_413 = tpu.memref_slice %arg8[%dma_wait3A_412] : memref<12288xi32, #tpu.memory_space<vmem>> -> memref<6144xi32, #tpu.memory_space<vmem>>
      tpu.wait_dma2 semaphore(%arg12 : memref<!tpu.dma_semaphore, #tpu.memory_space<semaphore_mem>>) src(%dma_wait3A_413 : memref<6144xi32, #tpu.memory_space<vmem>>) dst(%dma_wait3A_411 : memref<6144xi32, #tpu.memory_space<hbm>>)
      %dma_wait3A_414 = arith.constant 48 : i32
      %dma_wait3A_415 = arith.constant 0 : i32
      %dma_wait3A_416 = tpu.memref_slice %arg7[%dma_wait3A_414, %dma_wait3A_415] : memref<96x137xi32, #tpu.memory_space<vmem>> -> memref<16x128xi32, #tpu.memory_space<vmem>>
      %dma_wait3A_417 = arith.constant 0 : i32
      %dma_wait3A_418 = tpu.memref_slice %arg3[%dma_wait3A_417, %add3A_347] : memref<32x100000xi32, #tpu.memory_space<hbm>> -> memref<32x128xi32, #tpu.memory_space<hbm>>
      tpu.wait_indirect_dma semaphore(%arg10 : memref<!tpu.dma_semaphore, #tpu.memory_space<semaphore_mem>>) src(%dma_wait3A_418 : memref<32x128xi32, #tpu.memory_space<hbm>>) dst(%dma_wait3A_416 : memref<16x128xi32, #tpu.memory_space<vmem>>)
      %dma_wait3A_419 = arith.constant 64 : i32
      %dma_wait3A_420 = arith.constant 0 : i32
      %dma_wait3A_421 = tpu.memref_slice %arg7[%dma_wait3A_419, %dma_wait3A_420] : memref<96x137xi32, #tpu.memory_space<vmem>> -> memref<16x128xi32, #tpu.memory_space<vmem>>
      %dma_wait3A_422 = arith.constant 0 : i32
      %dma_wait3A_423 = tpu.memref_slice %arg3[%dma_wait3A_422, %add3A_354] : memref<32x100000xi32, #tpu.memory_space<hbm>> -> memref<32x128xi32, #tpu.memory_space<hbm>>
      tpu.wait_indirect_dma semaphore(%arg10 : memref<!tpu.dma_semaphore, #tpu.memory_space<semaphore_mem>>) src(%dma_wait3A_423 : memref<32x128xi32, #tpu.memory_space<hbm>>) dst(%dma_wait3A_421 : memref<16x128xi32, #tpu.memory_space<vmem>>)
      %dma_wait3A_424 = arith.constant 80 : i32
      %dma_wait3A_425 = arith.constant 0 : i32
      %dma_wait3A_426 = tpu.memref_slice %arg7[%dma_wait3A_424, %dma_wait3A_425] : memref<96x137xi32, #tpu.memory_space<vmem>> -> memref<16x128xi32, #tpu.memory_space<vmem>>
      %dma_wait3A_427 = arith.constant 0 : i32
      %dma_wait3A_428 = tpu.memref_slice %arg3[%dma_wait3A_427, %add3A_361] : memref<32x100000xi32, #tpu.memory_space<hbm>> -> memref<32x128xi32, #tpu.memory_space<hbm>>
      tpu.wait_indirect_dma semaphore(%arg10 : memref<!tpu.dma_semaphore, #tpu.memory_space<semaphore_mem>>) src(%dma_wait3A_428 : memref<32x128xi32, #tpu.memory_space<hbm>>) dst(%dma_wait3A_426 : memref<16x128xi32, #tpu.memory_space<vmem>>)
      %parallel_loop3A_429 = arith.constant 0 : i32
      %parallel_loop3A_430 = arith.constant 384 : i32
      %parallel_loop3A_431 = arith.constant 1 : i32
      scf.for %parallel_loop3A_478 = %parallel_loop3A_429 to %parallel_loop3A_430 step %parallel_loop3A_431  : i32 {
        %parallel_loop3A_479 = arith.constant 7 : i32
        %parallel_loop3A_480 = arith.shrui %parallel_loop3A_478, %parallel_loop3A_479 : i32
        %parallel_loop3A_481 = arith.constant 127 : i32
        %parallel_loop3A_482 = arith.andi %parallel_loop3A_478, %parallel_loop3A_481 : i32
        %parallel_loop3A_483 = arith.constant 16 : i32
        %parallel_loop3A_484 = arith.muli %parallel_loop3A_480, %parallel_loop3A_483 : i32
        %parallel_loop3A_485 = arith.constant 48 : i32
        %parallel_loop3A_486 = arith.addi %parallel_loop3A_485, %parallel_loop3A_484 : i32
        %parallel_loop3A_487 = vector.broadcast %parallel_loop3A_486 : i32 to vector<16xi32>
        %parallel_loop3A_488 = arith.addi %iota3A, %parallel_loop3A_487 : vector<16xi32>
        %parallel_loop3A_489 = vector.broadcast %parallel_loop3A_482 : i32 to vector<16xi32>
        %parallel_loop3A_490 = tpu.vector_load_idx %arg7[%parallel_loop3A_488, %parallel_loop3A_489] : memref<96x137xi32, #tpu.memory_space<vmem>>[vector<16xi32>, vector<16xi32>], vector<16xi32>,
        %parallel_loop3A_491 = arith.constant 16 : i32
        %parallel_loop3A_492 = arith.muli %parallel_loop3A_478, %parallel_loop3A_491 : i32
        %parallel_loop3A_493 = arith.constant 6144 : i32
        %parallel_loop3A_494 = arith.addi %parallel_loop3A_493, %parallel_loop3A_492 : i32
        %parallel_loop3A_495 = arith.index_cast %parallel_loop3A_494 : i32 to index
        %parallel_loop3A_496 = tpu.vector_load %arg8[%parallel_loop3A_495] {strides = array<i32>} : memref<12288xi32, #tpu.memory_space<vmem>>, vector<16xi32>,
        tpu.vector_store %arg8[%parallel_loop3A_495], %parallel_loop3A_490 {strides = array<i32>} : memref<12288xi32, #tpu.memory_space<vmem>>, vector<16xi32>,
      } {sc.loop_unroll_factor = 8 : i64, sc.parallel_access}
      %add3A_432 = arith.constant 2688 : i32
      %add3A_433 = arith.addi %mul3A_9, %add3A_432 : i32
      %mul3A_434 = arith.constant 16 : i32
      %mul3A_435 = arith.muli %add3A_433, %mul3A_434 : i32
      %dma_start3A_436 = arith.constant 6144 : i32
      %dma_start3A_437 = tpu.memref_slice %arg8[%dma_start3A_436] : memref<12288xi32, #tpu.memory_space<vmem>> -> memref<6144xi32, #tpu.memory_space<vmem>>
      %dma_start3A_438 = tpu.memref_slice %arg5[%mul3A_435] : memref<1600000xi32, #tpu.memory_space<hbm>> -> memref<6144xi32, #tpu.memory_space<hbm>>
      %dma_start3A_439 = tpu.memref_slice %arg5[%mul3A_435] : memref<1600000xi32, #tpu.memory_space<hbm>> -> memref<6144xi32, #tpu.memory_space<hbm>>
      %dma_start3A_440 = arith.constant 6144 : i32
      %dma_start3A_441 = tpu.memref_slice %arg8[%dma_start3A_440] : memref<12288xi32, #tpu.memory_space<vmem>> -> memref<6144xi32, #tpu.memory_space<vmem>>
      tpu.enqueue_dma source(%dma_start3A_441 : memref<6144xi32, #tpu.memory_space<vmem>>) target(%dma_start3A_439 : memref<6144xi32, #tpu.memory_space<hbm>>) target_semaphore(%arg12 : memref<!tpu.dma_semaphore, #tpu.memory_space<semaphore_mem>>)
      %dma_wait3A_442 = arith.constant 0 : i32
      %dma_wait3A_443 = tpu.memref_slice %arg8[%dma_wait3A_442] : memref<12288xi32, #tpu.memory_space<vmem>> -> memref<6144xi32, #tpu.memory_space<vmem>>
      %dma_wait3A_444 = tpu.memref_slice %arg5[%mul3A_394] : memref<1600000xi32, #tpu.memory_space<hbm>> -> memref<6144xi32, #tpu.memory_space<hbm>>
      %dma_wait3A_445 = tpu.memref_slice %arg5[%mul3A_394] : memref<1600000xi32, #tpu.memory_space<hbm>> -> memref<6144xi32, #tpu.memory_space<hbm>>
      %dma_wait3A_446 = arith.constant 0 : i32
      %dma_wait3A_447 = tpu.memref_slice %arg8[%dma_wait3A_446] : memref<12288xi32, #tpu.memory_space<vmem>> -> memref<6144xi32, #tpu.memory_space<vmem>>
      tpu.wait_dma2 semaphore(%arg11 : memref<!tpu.dma_semaphore, #tpu.memory_space<semaphore_mem>>) src(%dma_wait3A_447 : memref<6144xi32, #tpu.memory_space<vmem>>) dst(%dma_wait3A_445 : memref<6144xi32, #tpu.memory_space<hbm>>)
      %dma_wait3A_448 = arith.constant 0 : i32
      %dma_wait3A_449 = arith.constant 0 : i32
      %dma_wait3A_450 = tpu.memref_slice %arg7[%dma_wait3A_448, %dma_wait3A_449] : memref<96x137xi32, #tpu.memory_space<vmem>> -> memref<16x128xi32, #tpu.memory_space<vmem>>
      %dma_wait3A_451 = arith.constant 0 : i32
      %dma_wait3A_452 = tpu.memref_slice %arg3[%dma_wait3A_451, %add3A_402] : memref<32x100000xi32, #tpu.memory_space<hbm>> -> memref<32x128xi32, #tpu.memory_space<hbm>>
      tpu.wait_indirect_dma semaphore(%arg9 : memref<!tpu.dma_semaphore, #tpu.memory_space<semaphore_mem>>) src(%dma_wait3A_452 : memref<32x128xi32, #tpu.memory_space<hbm>>) dst(%dma_wait3A_450 : memref<16x128xi32, #tpu.memory_space<vmem>>)
      %parallel_loop3A_453 = arith.constant 0 : i32
      %parallel_loop3A_454 = arith.constant 128 : i32
      %parallel_loop3A_455 = arith.constant 1 : i32
      scf.for %parallel_loop3A_478 = %parallel_loop3A_453 to %parallel_loop3A_454 step %parallel_loop3A_455  : i32 {
        %parallel_loop3A_479 = arith.constant 7 : i32
        %parallel_loop3A_480 = arith.shrui %parallel_loop3A_478, %parallel_loop3A_479 : i32
        %parallel_loop3A_481 = arith.constant 127 : i32
        %parallel_loop3A_482 = arith.andi %parallel_loop3A_478, %parallel_loop3A_481 : i32
        %parallel_loop3A_483 = arith.constant 16 : i32
        %parallel_loop3A_484 = arith.muli %parallel_loop3A_480, %parallel_loop3A_483 : i32
        %parallel_loop3A_485 = arith.constant 0 : i32
        %parallel_loop3A_486 = arith.addi %parallel_loop3A_485, %parallel_loop3A_484 : i32
        %parallel_loop3A_487 = vector.broadcast %parallel_loop3A_486 : i32 to vector<16xi32>
        %parallel_loop3A_488 = arith.addi %iota3A, %parallel_loop3A_487 : vector<16xi32>
        %parallel_loop3A_489 = vector.broadcast %parallel_loop3A_482 : i32 to vector<16xi32>
        %parallel_loop3A_490 = tpu.vector_load_idx %arg7[%parallel_loop3A_488, %parallel_loop3A_489] : memref<96x137xi32, #tpu.memory_space<vmem>>[vector<16xi32>, vector<16xi32>], vector<16xi32>,
        %parallel_loop3A_491 = arith.constant 16 : i32
        %parallel_loop3A_492 = arith.muli %parallel_loop3A_478, %parallel_loop3A_491 : i32
        %parallel_loop3A_493 = arith.constant 0 : i32
        %parallel_loop3A_494 = arith.addi %parallel_loop3A_493, %parallel_loop3A_492 : i32
        %parallel_loop3A_495 = arith.index_cast %parallel_loop3A_494 : i32 to index
        %parallel_loop3A_496 = tpu.vector_load %arg8[%parallel_loop3A_495] {strides = array<i32>} : memref<12288xi32, #tpu.memory_space<vmem>>, vector<16xi32>,
        tpu.vector_store %arg8[%parallel_loop3A_495], %parallel_loop3A_490 {strides = array<i32>} : memref<12288xi32, #tpu.memory_space<vmem>>, vector<16xi32>,
      } {sc.loop_unroll_factor = 8 : i64, sc.parallel_access}
      %add3A_456 = arith.constant 3072 : i32
      %add3A_457 = arith.addi %mul3A_9, %add3A_456 : i32
      %mul3A_458 = arith.constant 16 : i32
      %mul3A_459 = arith.muli %add3A_457, %mul3A_458 : i32
      %dma_start3A_460 = arith.constant 0 : i32
      %dma_start3A_461 = tpu.memref_slice %arg8[%dma_start3A_460] : memref<12288xi32, #tpu.memory_space<vmem>> -> memref<2048xi32, #tpu.memory_space<vmem>>
      %dma_start3A_462 = tpu.memref_slice %arg5[%mul3A_459] : memref<1600000xi32, #tpu.memory_space<hbm>> -> memref<2048xi32, #tpu.memory_space<hbm>>
      %dma_start3A_463 = tpu.memref_slice %arg5[%mul3A_459] : memref<1600000xi32, #tpu.memory_space<hbm>> -> memref<2048xi32, #tpu.memory_space<hbm>>
      %dma_start3A_464 = arith.constant 0 : i32
      %dma_start3A_465 = tpu.memref_slice %arg8[%dma_start3A_464] : memref<12288xi32, #tpu.memory_space<vmem>> -> memref<2048xi32, #tpu.memory_space<vmem>>
      tpu.enqueue_dma source(%dma_start3A_465 : memref<2048xi32, #tpu.memory_space<vmem>>) target(%dma_start3A_463 : memref<2048xi32, #tpu.memory_space<hbm>>) target_semaphore(%arg11 : memref<!tpu.dma_semaphore, #tpu.memory_space<semaphore_mem>>)
      %dma_wait3A_466 = arith.constant 0 : i32
      %dma_wait3A_467 = tpu.memref_slice %arg8[%dma_wait3A_466] : memref<12288xi32, #tpu.memory_space<vmem>> -> memref<2048xi32, #tpu.memory_space<vmem>>
      %dma_wait3A_468 = tpu.memref_slice %arg5[%mul3A_459] : memref<1600000xi32, #tpu.memory_space<hbm>> -> memref<2048xi32, #tpu.memory_space<hbm>>
      %dma_wait3A_469 = tpu.memref_slice %arg5[%mul3A_459] : memref<1600000xi32, #tpu.memory_space<hbm>> -> memref<2048xi32, #tpu.memory_space<hbm>>
      %dma_wait3A_470 = arith.constant 0 : i32
      %dma_wait3A_471 = tpu.memref_slice %arg8[%dma_wait3A_470] : memref<12288xi32, #tpu.memory_space<vmem>> -> memref<2048xi32, #tpu.memory_space<vmem>>
      tpu.wait_dma2 semaphore(%arg11 : memref<!tpu.dma_semaphore, #tpu.memory_space<semaphore_mem>>) src(%dma_wait3A_471 : memref<2048xi32, #tpu.memory_space<vmem>>) dst(%dma_wait3A_469 : memref<2048xi32, #tpu.memory_space<hbm>>)
      %dma_wait3A_472 = arith.constant 6144 : i32
      %dma_wait3A_473 = tpu.memref_slice %arg8[%dma_wait3A_472] : memref<12288xi32, #tpu.memory_space<vmem>> -> memref<6144xi32, #tpu.memory_space<vmem>>
      %dma_wait3A_474 = tpu.memref_slice %arg5[%mul3A_435] : memref<1600000xi32, #tpu.memory_space<hbm>> -> memref<6144xi32, #tpu.memory_space<hbm>>
      %dma_wait3A_475 = tpu.memref_slice %arg5[%mul3A_435] : memref<1600000xi32, #tpu.memory_space<hbm>> -> memref<6144xi32, #tpu.memory_space<hbm>>
      %dma_wait3A_476 = arith.constant 6144 : i32
      %dma_wait3A_477 = tpu.memref_slice %arg8[%dma_wait3A_476] : memref<12288xi32, #tpu.memory_space<vmem>> -> memref<6144xi32, #tpu.memory_space<vmem>>
      tpu.wait_dma2 semaphore(%arg12 : memref<!tpu.dma_semaphore, #tpu.memory_space<semaphore_mem>>) src(%dma_wait3A_477 : memref<6144xi32, #tpu.memory_space<vmem>>) dst(%dma_wait3A_475 : memref<6144xi32, #tpu.memory_space<hbm>>)
    } else {
    }
    %eq3A = arith.constant 31 : i32
    %eq3A_4 = arith.cmpi eq, %add3A, %eq3A : i32
    %convert_element_type3A_5 = arith.extui %eq3A_4 : i1 to i32
    %cond3A_6 = arith.constant 0 : i32
    %cond3A_7 = arith.cmpi ne, %convert_element_type3A_5, %cond3A_6 : i32
    scf.if %cond3A_7 {
      %dma_start3A = arith.constant 0 : i32
      %dma_start3A_8 = arith.constant 0 : i32
      %dma_start3A_9 = tpu.memref_slice %arg7[%dma_start3A, %dma_start3A_8] : memref<96x137xi32, #tpu.memory_space<vmem>> -> memref<16x128xi32, #tpu.memory_space<vmem>>
      %dma_start3A_10 = arith.constant 0 : i32
      %dma_start3A_11 = arith.constant 99200 : i32
      %dma_start3A_12 = tpu.memref_slice %arg3[%dma_start3A_10, %dma_start3A_11] : memref<32x100000xi32, #tpu.memory_space<hbm>> -> memref<32x128xi32, #tpu.memory_space<hbm>>
      tpu.enqueue_indirect_dma source(%dma_start3A_12 : memref<32x128xi32, #tpu.memory_space<hbm>>) target(%dma_start3A_9 : memref<16x128xi32, #tpu.memory_space<vmem>>) offsets(%get3A_1 : vector<16xi32>) semaphore(%arg9 : memref<!tpu.dma_semaphore, #tpu.memory_space<semaphore_mem>>)
      %dma_start3A_13 = arith.constant 16 : i32
      %dma_start3A_14 = arith.constant 0 : i32
      %dma_start3A_15 = tpu.memref_slice %arg7[%dma_start3A_13, %dma_start3A_14] : memref<96x137xi32, #tpu.memory_space<vmem>> -> memref<16x128xi32, #tpu.memory_space<vmem>>
      %dma_start3A_16 = arith.constant 0 : i32
      %dma_start3A_17 = arith.constant 99328 : i32
      %dma_start3A_18 = tpu.memref_slice %arg3[%dma_start3A_16, %dma_start3A_17] : memref<32x100000xi32, #tpu.memory_space<hbm>> -> memref<32x128xi32, #tpu.memory_space<hbm>>
      tpu.enqueue_indirect_dma source(%dma_start3A_18 : memref<32x128xi32, #tpu.memory_space<hbm>>) target(%dma_start3A_15 : memref<16x128xi32, #tpu.memory_space<vmem>>) offsets(%get3A_1 : vector<16xi32>) semaphore(%arg9 : memref<!tpu.dma_semaphore, #tpu.memory_space<semaphore_mem>>)
      %dma_start3A_19 = arith.constant 32 : i32
      %dma_start3A_20 = arith.constant 0 : i32
      %dma_start3A_21 = tpu.memref_slice %arg7[%dma_start3A_19, %dma_start3A_20] : memref<96x137xi32, #tpu.memory_space<vmem>> -> memref<16x128xi32, #tpu.memory_space<vmem>>
      %dma_start3A_22 = arith.constant 0 : i32
      %dma_start3A_23 = arith.constant 99456 : i32
      %dma_start3A_24 = tpu.memref_slice %arg3[%dma_start3A_22, %dma_start3A_23] : memref<32x100000xi32, #tpu.memory_space<hbm>> -> memref<32x128xi32, #tpu.memory_space<hbm>>
      tpu.enqueue_indirect_dma source(%dma_start3A_24 : memref<32x128xi32, #tpu.memory_space<hbm>>) target(%dma_start3A_21 : memref<16x128xi32, #tpu.memory_space<vmem>>) offsets(%get3A_1 : vector<16xi32>) semaphore(%arg9 : memref<!tpu.dma_semaphore, #tpu.memory_space<semaphore_mem>>)
      %dma_start3A_25 = arith.constant 48 : i32
      %dma_start3A_26 = arith.constant 0 : i32
      %dma_start3A_27 = tpu.memref_slice %arg7[%dma_start3A_25, %dma_start3A_26] : memref<96x137xi32, #tpu.memory_space<vmem>> -> memref<16x128xi32, #tpu.memory_space<vmem>>
      %dma_start3A_28 = arith.constant 0 : i32
      %dma_start3A_29 = arith.constant 99584 : i32
      %dma_start3A_30 = tpu.memref_slice %arg3[%dma_start3A_28, %dma_start3A_29] : memref<32x100000xi32, #tpu.memory_space<hbm>> -> memref<32x128xi32, #tpu.memory_space<hbm>>
      tpu.enqueue_indirect_dma source(%dma_start3A_30 : memref<32x128xi32, #tpu.memory_space<hbm>>) target(%dma_start3A_27 : memref<16x128xi32, #tpu.memory_space<vmem>>) offsets(%get3A_1 : vector<16xi32>) semaphore(%arg9 : memref<!tpu.dma_semaphore, #tpu.memory_space<semaphore_mem>>)
      %dma_start3A_31 = arith.constant 64 : i32
      %dma_start3A_32 = arith.constant 0 : i32
      %dma_start3A_33 = tpu.memref_slice %arg7[%dma_start3A_31, %dma_start3A_32] : memref<96x137xi32, #tpu.memory_space<vmem>> -> memref<16x128xi32, #tpu.memory_space<vmem>>
      %dma_start3A_34 = arith.constant 0 : i32
      %dma_start3A_35 = arith.constant 99712 : i32
      %dma_start3A_36 = tpu.memref_slice %arg3[%dma_start3A_34, %dma_start3A_35] : memref<32x100000xi32, #tpu.memory_space<hbm>> -> memref<32x128xi32, #tpu.memory_space<hbm>>
      tpu.enqueue_indirect_dma source(%dma_start3A_36 : memref<32x128xi32, #tpu.memory_space<hbm>>) target(%dma_start3A_33 : memref<16x128xi32, #tpu.memory_space<vmem>>) offsets(%get3A_1 : vector<16xi32>) semaphore(%arg9 : memref<!tpu.dma_semaphore, #tpu.memory_space<semaphore_mem>>)
      %dma_start3A_37 = arith.constant 80 : i32
      %dma_start3A_38 = arith.constant 0 : i32
      %dma_start3A_39 = tpu.memref_slice %arg7[%dma_start3A_37, %dma_start3A_38] : memref<96x137xi32, #tpu.memory_space<vmem>> -> memref<16x128xi32, #tpu.memory_space<vmem>>
      %dma_start3A_40 = arith.constant 0 : i32
      %dma_start3A_41 = arith.constant 99840 : i32
      %dma_start3A_42 = tpu.memref_slice %arg3[%dma_start3A_40, %dma_start3A_41] : memref<32x100000xi32, #tpu.memory_space<hbm>> -> memref<32x128xi32, #tpu.memory_space<hbm>>
      tpu.enqueue_indirect_dma source(%dma_start3A_42 : memref<32x128xi32, #tpu.memory_space<hbm>>) target(%dma_start3A_39 : memref<16x128xi32, #tpu.memory_space<vmem>>) offsets(%get3A_1 : vector<16xi32>) semaphore(%arg9 : memref<!tpu.dma_semaphore, #tpu.memory_space<semaphore_mem>>)
      %dma_wait3A = arith.constant 0 : i32
      %dma_wait3A_43 = arith.constant 0 : i32
      %dma_wait3A_44 = tpu.memref_slice %arg7[%dma_wait3A, %dma_wait3A_43] : memref<96x137xi32, #tpu.memory_space<vmem>> -> memref<16x128xi32, #tpu.memory_space<vmem>>
      %dma_wait3A_45 = arith.constant 0 : i32
      %dma_wait3A_46 = arith.constant 99200 : i32
      %dma_wait3A_47 = tpu.memref_slice %arg3[%dma_wait3A_45, %dma_wait3A_46] : memref<32x100000xi32, #tpu.memory_space<hbm>> -> memref<32x128xi32, #tpu.memory_space<hbm>>
      tpu.wait_indirect_dma semaphore(%arg9 : memref<!tpu.dma_semaphore, #tpu.memory_space<semaphore_mem>>) src(%dma_wait3A_47 : memref<32x128xi32, #tpu.memory_space<hbm>>) dst(%dma_wait3A_44 : memref<16x128xi32, #tpu.memory_space<vmem>>)
      %dma_wait3A_48 = arith.constant 16 : i32
      %dma_wait3A_49 = arith.constant 0 : i32
      %dma_wait3A_50 = tpu.memref_slice %arg7[%dma_wait3A_48, %dma_wait3A_49] : memref<96x137xi32, #tpu.memory_space<vmem>> -> memref<16x128xi32, #tpu.memory_space<vmem>>
      %dma_wait3A_51 = arith.constant 0 : i32
      %dma_wait3A_52 = arith.constant 99328 : i32
      %dma_wait3A_53 = tpu.memref_slice %arg3[%dma_wait3A_51, %dma_wait3A_52] : memref<32x100000xi32, #tpu.memory_space<hbm>> -> memref<32x128xi32, #tpu.memory_space<hbm>>
      tpu.wait_indirect_dma semaphore(%arg9 : memref<!tpu.dma_semaphore, #tpu.memory_space<semaphore_mem>>) src(%dma_wait3A_53 : memref<32x128xi32, #tpu.memory_space<hbm>>) dst(%dma_wait3A_50 : memref<16x128xi32, #tpu.memory_space<vmem>>)
      %dma_wait3A_54 = arith.constant 32 : i32
      %dma_wait3A_55 = arith.constant 0 : i32
      %dma_wait3A_56 = tpu.memref_slice %arg7[%dma_wait3A_54, %dma_wait3A_55] : memref<96x137xi32, #tpu.memory_space<vmem>> -> memref<16x128xi32, #tpu.memory_space<vmem>>
      %dma_wait3A_57 = arith.constant 0 : i32
      %dma_wait3A_58 = arith.constant 99456 : i32
      %dma_wait3A_59 = tpu.memref_slice %arg3[%dma_wait3A_57, %dma_wait3A_58] : memref<32x100000xi32, #tpu.memory_space<hbm>> -> memref<32x128xi32, #tpu.memory_space<hbm>>
      tpu.wait_indirect_dma semaphore(%arg9 : memref<!tpu.dma_semaphore, #tpu.memory_space<semaphore_mem>>) src(%dma_wait3A_59 : memref<32x128xi32, #tpu.memory_space<hbm>>) dst(%dma_wait3A_56 : memref<16x128xi32, #tpu.memory_space<vmem>>)
      %dma_wait3A_60 = arith.constant 48 : i32
      %dma_wait3A_61 = arith.constant 0 : i32
      %dma_wait3A_62 = tpu.memref_slice %arg7[%dma_wait3A_60, %dma_wait3A_61] : memref<96x137xi32, #tpu.memory_space<vmem>> -> memref<16x128xi32, #tpu.memory_space<vmem>>
      %dma_wait3A_63 = arith.constant 0 : i32
      %dma_wait3A_64 = arith.constant 99584 : i32
      %dma_wait3A_65 = tpu.memref_slice %arg3[%dma_wait3A_63, %dma_wait3A_64] : memref<32x100000xi32, #tpu.memory_space<hbm>> -> memref<32x128xi32, #tpu.memory_space<hbm>>
      tpu.wait_indirect_dma semaphore(%arg9 : memref<!tpu.dma_semaphore, #tpu.memory_space<semaphore_mem>>) src(%dma_wait3A_65 : memref<32x128xi32, #tpu.memory_space<hbm>>) dst(%dma_wait3A_62 : memref<16x128xi32, #tpu.memory_space<vmem>>)
      %dma_wait3A_66 = arith.constant 64 : i32
      %dma_wait3A_67 = arith.constant 0 : i32
      %dma_wait3A_68 = tpu.memref_slice %arg7[%dma_wait3A_66, %dma_wait3A_67] : memref<96x137xi32, #tpu.memory_space<vmem>> -> memref<16x128xi32, #tpu.memory_space<vmem>>
      %dma_wait3A_69 = arith.constant 0 : i32
      %dma_wait3A_70 = arith.constant 99712 : i32
      %dma_wait3A_71 = tpu.memref_slice %arg3[%dma_wait3A_69, %dma_wait3A_70] : memref<32x100000xi32, #tpu.memory_space<hbm>> -> memref<32x128xi32, #tpu.memory_space<hbm>>
      tpu.wait_indirect_dma semaphore(%arg9 : memref<!tpu.dma_semaphore, #tpu.memory_space<semaphore_mem>>) src(%dma_wait3A_71 : memref<32x128xi32, #tpu.memory_space<hbm>>) dst(%dma_wait3A_68 : memref<16x128xi32, #tpu.memory_space<vmem>>)
      %dma_wait3A_72 = arith.constant 80 : i32
      %dma_wait3A_73 = arith.constant 0 : i32
      %dma_wait3A_74 = tpu.memref_slice %arg7[%dma_wait3A_72, %dma_wait3A_73] : memref<96x137xi32, #tpu.memory_space<vmem>> -> memref<16x128xi32, #tpu.memory_space<vmem>>
      %dma_wait3A_75 = arith.constant 0 : i32
      %dma_wait3A_76 = arith.constant 99840 : i32
      %dma_wait3A_77 = tpu.memref_slice %arg3[%dma_wait3A_75, %dma_wait3A_76] : memref<32x100000xi32, #tpu.memory_space<hbm>> -> memref<32x128xi32, #tpu.memory_space<hbm>>
      tpu.wait_indirect_dma semaphore(%arg9 : memref<!tpu.dma_semaphore, #tpu.memory_space<semaphore_mem>>) src(%dma_wait3A_77 : memref<32x128xi32, #tpu.memory_space<hbm>>) dst(%dma_wait3A_74 : memref<16x128xi32, #tpu.memory_space<vmem>>)
      %parallel_loop3A = arith.constant 0 : i32
      %parallel_loop3A_78 = arith.constant 768 : i32
      %parallel_loop3A_79 = arith.constant 1 : i32
      scf.for %parallel_loop3A_96 = %parallel_loop3A to %parallel_loop3A_78 step %parallel_loop3A_79  : i32 {
        %parallel_loop3A_97 = arith.constant 7 : i32
        %parallel_loop3A_98 = arith.shrui %parallel_loop3A_96, %parallel_loop3A_97 : i32
        %parallel_loop3A_99 = arith.constant 127 : i32
        %parallel_loop3A_100 = arith.andi %parallel_loop3A_96, %parallel_loop3A_99 : i32
        %parallel_loop3A_101 = arith.constant 16 : i32
        %parallel_loop3A_102 = arith.muli %parallel_loop3A_98, %parallel_loop3A_101 : i32
        %parallel_loop3A_103 = arith.constant 0 : i32
        %parallel_loop3A_104 = arith.addi %parallel_loop3A_103, %parallel_loop3A_102 : i32
        %parallel_loop3A_105 = vector.broadcast %parallel_loop3A_104 : i32 to vector<16xi32>
        %parallel_loop3A_106 = arith.addi %iota3A, %parallel_loop3A_105 : vector<16xi32>
        %parallel_loop3A_107 = vector.broadcast %parallel_loop3A_100 : i32 to vector<16xi32>
        %parallel_loop3A_108 = tpu.vector_load_idx %arg7[%parallel_loop3A_106, %parallel_loop3A_107] : memref<96x137xi32, #tpu.memory_space<vmem>>[vector<16xi32>, vector<16xi32>], vector<16xi32>,
        %parallel_loop3A_109 = arith.constant 16 : i32
        %parallel_loop3A_110 = arith.muli %parallel_loop3A_96, %parallel_loop3A_109 : i32
        %parallel_loop3A_111 = arith.constant 0 : i32
        %parallel_loop3A_112 = arith.addi %parallel_loop3A_111, %parallel_loop3A_110 : i32
        %parallel_loop3A_113 = arith.index_cast %parallel_loop3A_112 : i32 to index
        %parallel_loop3A_114 = tpu.vector_load %arg8[%parallel_loop3A_113] {strides = array<i32>} : memref<12288xi32, #tpu.memory_space<vmem>>, vector<16xi32>,
        tpu.vector_store %arg8[%parallel_loop3A_113], %parallel_loop3A_108 {strides = array<i32>} : memref<12288xi32, #tpu.memory_space<vmem>>, vector<16xi32>,
      } {sc.loop_unroll_factor = 8 : i64, sc.parallel_access}
      %dma_start3A_80 = arith.constant 0 : i32
      %dma_start3A_81 = tpu.memref_slice %arg8[%dma_start3A_80] : memref<12288xi32, #tpu.memory_space<vmem>> -> memref<12288xi32, #tpu.memory_space<vmem>>
      %dma_start3A_82 = arith.constant 1587200 : i32
      %dma_start3A_83 = tpu.memref_slice %arg5[%dma_start3A_82] : memref<1600000xi32, #tpu.memory_space<hbm>> -> memref<12288xi32, #tpu.memory_space<hbm>>
      %dma_start3A_84 = arith.constant 1587200 : i32
      %dma_start3A_85 = tpu.memref_slice %arg5[%dma_start3A_84] : memref<1600000xi32, #tpu.memory_space<hbm>> -> memref<12288xi32, #tpu.memory_space<hbm>>
      %dma_start3A_86 = arith.constant 0 : i32
      %dma_start3A_87 = tpu.memref_slice %arg8[%dma_start3A_86] : memref<12288xi32, #tpu.memory_space<vmem>> -> memref<12288xi32, #tpu.memory_space<vmem>>
      tpu.enqueue_dma source(%dma_start3A_87 : memref<12288xi32, #tpu.memory_space<vmem>>) target(%dma_start3A_85 : memref<12288xi32, #tpu.memory_space<hbm>>) target_semaphore(%arg11 : memref<!tpu.dma_semaphore, #tpu.memory_space<semaphore_mem>>)
      %dma_wait3A_88 = arith.constant 0 : i32
      %dma_wait3A_89 = tpu.memref_slice %arg8[%dma_wait3A_88] : memref<12288xi32, #tpu.memory_space<vmem>> -> memref<12288xi32, #tpu.memory_space<vmem>>
      %dma_wait3A_90 = arith.constant 1587200 : i32
      %dma_wait3A_91 = tpu.memref_slice %arg5[%dma_wait3A_90] : memref<1600000xi32, #tpu.memory_space<hbm>> -> memref<12288xi32, #tpu.memory_space<hbm>>
      %dma_wait3A_92 = arith.constant 1587200 : i32
      %dma_wait3A_93 = tpu.memref_slice %arg5[%dma_wait3A_92] : memref<1600000xi32, #tpu.memory_space<hbm>> -> memref<12288xi32, #tpu.memory_space<hbm>>
      %dma_wait3A_94 = arith.constant 0 : i32
      %dma_wait3A_95 = tpu.memref_slice %arg8[%dma_wait3A_94] : memref<12288xi32, #tpu.memory_space<vmem>> -> memref<12288xi32, #tpu.memory_space<vmem>>
      tpu.wait_dma2 semaphore(%arg11 : memref<!tpu.dma_semaphore, #tpu.memory_space<semaphore_mem>>) src(%dma_wait3A_95 : memref<12288xi32, #tpu.memory_space<vmem>>) dst(%dma_wait3A_93 : memref<12288xi32, #tpu.memory_space<hbm>>)
      "tpu.region"() ({
        %run_scoped3A = tpu.sem_alloc : memref<!tpu.dma_semaphore, #tpu.memory_space<semaphore_mem>>
        %dma_start3A_96 = arith.constant 0 : i32
        %dma_start3A_97 = tpu.memref_slice %arg8[%dma_start3A_96] : memref<12288xi32, #tpu.memory_space<vmem>> -> memref<512xi32, #tpu.memory_space<vmem>>
        %dma_start3A_98 = arith.constant 0 : i32
        %dma_start3A_99 = tpu.memref_slice %arg8[%dma_start3A_98] : memref<12288xi32, #tpu.memory_space<vmem>> -> memref<512xi32, #tpu.memory_space<vmem>>
        tpu.enqueue_dma source(%arg4 : memref<512xi32, #tpu.memory_space<hbm>>) target(%dma_start3A_99 : memref<512xi32, #tpu.memory_space<vmem>>) target_semaphore(%run_scoped3A : memref<!tpu.dma_semaphore, #tpu.memory_space<semaphore_mem>>)
        %dma_wait3A_100 = arith.constant 0 : i32
        %dma_wait3A_101 = tpu.memref_slice %arg8[%dma_wait3A_100] : memref<12288xi32, #tpu.memory_space<vmem>> -> memref<512xi32, #tpu.memory_space<vmem>>
        %dma_wait3A_102 = arith.constant 0 : i32
        %dma_wait3A_103 = tpu.memref_slice %arg8[%dma_wait3A_102] : memref<12288xi32, #tpu.memory_space<vmem>> -> memref<512xi32, #tpu.memory_space<vmem>>
        tpu.wait_dma2 semaphore(%run_scoped3A : memref<!tpu.dma_semaphore, #tpu.memory_space<semaphore_mem>>) src(%arg4 : memref<512xi32, #tpu.memory_space<hbm>>) dst(%dma_wait3A_103 : memref<512xi32, #tpu.memory_space<vmem>>)
        tpu.yield
      }) : () -> ()
      "tpu.region"() ({
        %run_scoped3A = tpu.sem_alloc : memref<!tpu.dma_semaphore, #tpu.memory_space<semaphore_mem>>
        %dma_start3A_96 = arith.constant 0 : i32
        %dma_start3A_97 = tpu.memref_slice %arg8[%dma_start3A_96] : memref<12288xi32, #tpu.memory_space<vmem>> -> memref<512xi32, #tpu.memory_space<vmem>>
        %dma_start3A_98 = arith.constant 1599488 : i32
        %dma_start3A_99 = tpu.memref_slice %arg5[%dma_start3A_98] : memref<1600000xi32, #tpu.memory_space<hbm>> -> memref<512xi32, #tpu.memory_space<hbm>>
        %dma_start3A_100 = arith.constant 1599488 : i32
        %dma_start3A_101 = tpu.memref_slice %arg5[%dma_start3A_100] : memref<1600000xi32, #tpu.memory_space<hbm>> -> memref<512xi32, #tpu.memory_space<hbm>>
        %dma_start3A_102 = arith.constant 0 : i32
        %dma_start3A_103 = tpu.memref_slice %arg8[%dma_start3A_102] : memref<12288xi32, #tpu.memory_space<vmem>> -> memref<512xi32, #tpu.memory_space<vmem>>
        tpu.enqueue_dma source(%dma_start3A_103 : memref<512xi32, #tpu.memory_space<vmem>>) target(%dma_start3A_101 : memref<512xi32, #tpu.memory_space<hbm>>) target_semaphore(%run_scoped3A : memref<!tpu.dma_semaphore, #tpu.memory_space<semaphore_mem>>)
        %dma_wait3A_104 = arith.constant 0 : i32
        %dma_wait3A_105 = tpu.memref_slice %arg8[%dma_wait3A_104] : memref<12288xi32, #tpu.memory_space<vmem>> -> memref<512xi32, #tpu.memory_space<vmem>>
        %dma_wait3A_106 = arith.constant 1599488 : i32
        %dma_wait3A_107 = tpu.memref_slice %arg5[%dma_wait3A_106] : memref<1600000xi32, #tpu.memory_space<hbm>> -> memref<512xi32, #tpu.memory_space<hbm>>
        %dma_wait3A_108 = arith.constant 1599488 : i32
        %dma_wait3A_109 = tpu.memref_slice %arg5[%dma_wait3A_108] : memref<1600000xi32, #tpu.memory_space<hbm>> -> memref<512xi32, #tpu.memory_space<hbm>>
        %dma_wait3A_110 = arith.constant 0 : i32
        %dma_wait3A_111 = tpu.memref_slice %arg8[%dma_wait3A_110] : memref<12288xi32, #tpu.memory_space<vmem>> -> memref<512xi32, #tpu.memory_space<vmem>>
        tpu.wait_dma2 semaphore(%run_scoped3A : memref<!tpu.dma_semaphore, #tpu.memory_space<semaphore_mem>>) src(%dma_wait3A_111 : memref<512xi32, #tpu.memory_space<vmem>>) dst(%dma_wait3A_109 : memref<512xi32, #tpu.memory_space<hbm>>)
        tpu.yield
      }) : () -> ()
    } else {
    }
    return
  }
}

#map = affine_map<(d0, d1) -> (0)>
#map1 = affine_map<(d0, d1) -> (0, 0)>
module attributes {stable_mosaic.version = 14 : i64} {
  func.func @_k2_body(%arg0: i32, %arg1: i32, %arg2: memref<65536xi32, #tpu.memory_space<hbm>>, %arg3: memref<100000x16xi32, #tpu.memory_space<hbm>>, %arg4: memref<65536x16xi32, #tpu.memory_space<hbm>>, %arg5: memref<2048xi32, #tpu.memory_space<vmem>>, %arg6: memref<2048x16xi32, #tpu.memory_space<vmem>>, %arg7: memref<!tpu.dma_semaphore, #tpu.memory_space<semaphore_mem>>, %arg8: memref<!tpu.dma_semaphore, #tpu.memory_space<semaphore_mem>>, %arg9: memref<!tpu.dma_semaphore, #tpu.memory_space<semaphore_mem>>, %arg10: memref<!tpu.dma_semaphore, #tpu.memory_space<semaphore_mem>>, %arg11: memref<!tpu.dma_semaphore, #tpu.memory_space<semaphore_mem>>, %arg12: memref<!tpu.dma_semaphore, #tpu.memory_space<semaphore_mem>>, %arg13: memref<!tpu.dma_semaphore, #tpu.memory_space<semaphore_mem>>, %arg14: memref<!tpu.dma_semaphore, #tpu.memory_space<semaphore_mem>>) attributes {dimension_semantics = [#tpu.dimension_semantics<core_parallel>, #tpu.dimension_semantics<subcore_parallel>], iteration_bounds = array<i64: 2, 16>, scalar_prefetch = 0 : i64, scratch_operands = 10 : i64, tpu.core_type = #tpu.core_type<sc_vector_subcore>, window_params = [{transform_indices = #map}, {transform_indices = #map1}, {transform_indices = #map1}]} {
    %mul3A = arith.constant 2 : i32
    %mul3A_0 = arith.muli %arg1, %mul3A : i32
    %add3A = arith.addi %mul3A_0, %arg0 : i32
    %mul3A_1 = arith.constant 2048 : i32
    %mul3A_2 = arith.muli %add3A, %mul3A_1 : i32
    "tpu.region"() ({
      %run_scoped3A = tpu.sem_alloc : memref<!tpu.dma_semaphore, #tpu.memory_space<semaphore_mem>>
      %dma_start3A_153 = tpu.memref_slice %arg2[%mul3A_2] : memref<65536xi32, #tpu.memory_space<hbm>> -> memref<2048xi32, #tpu.memory_space<hbm>>
      %dma_start3A_154 = tpu.memref_slice %arg2[%mul3A_2] : memref<65536xi32, #tpu.memory_space<hbm>> -> memref<2048xi32, #tpu.memory_space<hbm>>
      tpu.enqueue_dma source(%dma_start3A_154 : memref<2048xi32, #tpu.memory_space<hbm>>) target(%arg5 : memref<2048xi32, #tpu.memory_space<vmem>>) target_semaphore(%run_scoped3A : memref<!tpu.dma_semaphore, #tpu.memory_space<semaphore_mem>>)
      %dma_wait3A_155 = tpu.memref_slice %arg2[%mul3A_2] : memref<65536xi32, #tpu.memory_space<hbm>> -> memref<2048xi32, #tpu.memory_space<hbm>>
      %dma_wait3A_156 = tpu.memref_slice %arg2[%mul3A_2] : memref<65536xi32, #tpu.memory_space<hbm>> -> memref<2048xi32, #tpu.memory_space<hbm>>
      tpu.wait_dma2 semaphore(%run_scoped3A : memref<!tpu.dma_semaphore, #tpu.memory_space<semaphore_mem>>) src(%dma_wait3A_156 : memref<2048xi32, #tpu.memory_space<hbm>>) dst(%arg5 : memref<2048xi32, #tpu.memory_space<vmem>>)
      tpu.yield
    }) : () -> ()
    %dma_start3A = arith.constant 0 : i32
    %dma_start3A_3 = arith.constant 0 : i32
    %dma_start3A_4 = tpu.memref_slice %arg6[%dma_start3A, %dma_start3A_3] : memref<2048x16xi32, #tpu.memory_space<vmem>> -> memref<512x16xi32, #tpu.memory_space<vmem>>
    %dma_start3A_5 = arith.constant 0 : i32
    %dma_start3A_6 = tpu.memref_slice %arg5[%dma_start3A_5] : memref<2048xi32, #tpu.memory_space<vmem>> -> memref<512xi32, #tpu.memory_space<vmem>>
    %dma_start3A_7 = arith.constant 0 : i32
    %dma_start3A_8 = arith.constant 0 : i32
    %dma_start3A_9 = tpu.memref_slice %arg3[%dma_start3A_7, %dma_start3A_8] : memref<100000x16xi32, #tpu.memory_space<hbm>> -> memref<100000x16xi32, #tpu.memory_space<hbm>>
    tpu.enqueue_indirect_dma source(%dma_start3A_9 : memref<100000x16xi32, #tpu.memory_space<hbm>>) target(%dma_start3A_4 : memref<512x16xi32, #tpu.memory_space<vmem>>) offsets(%dma_start3A_6 : memref<512xi32, #tpu.memory_space<vmem>>) semaphore(%arg7 : memref<!tpu.dma_semaphore, #tpu.memory_space<semaphore_mem>>)
    %dma_start3A_10 = arith.constant 512 : i32
    %dma_start3A_11 = arith.constant 0 : i32
    %dma_start3A_12 = tpu.memref_slice %arg6[%dma_start3A_10, %dma_start3A_11] : memref<2048x16xi32, #tpu.memory_space<vmem>> -> memref<512x16xi32, #tpu.memory_space<vmem>>
    %dma_start3A_13 = arith.constant 512 : i32
    %dma_start3A_14 = tpu.memref_slice %arg5[%dma_start3A_13] : memref<2048xi32, #tpu.memory_space<vmem>> -> memref<512xi32, #tpu.memory_space<vmem>>
    %dma_start3A_15 = arith.constant 0 : i32
    %dma_start3A_16 = arith.constant 0 : i32
    %dma_start3A_17 = tpu.memref_slice %arg3[%dma_start3A_15, %dma_start3A_16] : memref<100000x16xi32, #tpu.memory_space<hbm>> -> memref<100000x16xi32, #tpu.memory_space<hbm>>
    tpu.enqueue_indirect_dma source(%dma_start3A_17 : memref<100000x16xi32, #tpu.memory_space<hbm>>) target(%dma_start3A_12 : memref<512x16xi32, #tpu.memory_space<vmem>>) offsets(%dma_start3A_14 : memref<512xi32, #tpu.memory_space<vmem>>) semaphore(%arg8 : memref<!tpu.dma_semaphore, #tpu.memory_space<semaphore_mem>>)
    %dma_start3A_18 = arith.constant 1024 : i32
    %dma_start3A_19 = arith.constant 0 : i32
    %dma_start3A_20 = tpu.memref_slice %arg6[%dma_start3A_18, %dma_start3A_19] : memref<2048x16xi32, #tpu.memory_space<vmem>> -> memref<512x16xi32, #tpu.memory_space<vmem>>
    %dma_start3A_21 = arith.constant 1024 : i32
    %dma_start3A_22 = tpu.memref_slice %arg5[%dma_start3A_21] : memref<2048xi32, #tpu.memory_space<vmem>> -> memref<512xi32, #tpu.memory_space<vmem>>
    %dma_start3A_23 = arith.constant 0 : i32
    %dma_start3A_24 = arith.constant 0 : i32
    %dma_start3A_25 = tpu.memref_slice %arg3[%dma_start3A_23, %dma_start3A_24] : memref<100000x16xi32, #tpu.memory_space<hbm>> -> memref<100000x16xi32, #tpu.memory_space<hbm>>
    tpu.enqueue_indirect_dma source(%dma_start3A_25 : memref<100000x16xi32, #tpu.memory_space<hbm>>) target(%dma_start3A_20 : memref<512x16xi32, #tpu.memory_space<vmem>>) offsets(%dma_start3A_22 : memref<512xi32, #tpu.memory_space<vmem>>) semaphore(%arg9 : memref<!tpu.dma_semaphore, #tpu.memory_space<semaphore_mem>>)
    %dma_start3A_26 = arith.constant 1536 : i32
    %dma_start3A_27 = arith.constant 0 : i32
    %dma_start3A_28 = tpu.memref_slice %arg6[%dma_start3A_26, %dma_start3A_27] : memref<2048x16xi32, #tpu.memory_space<vmem>> -> memref<512x16xi32, #tpu.memory_space<vmem>>
    %dma_start3A_29 = arith.constant 1536 : i32
    %dma_start3A_30 = tpu.memref_slice %arg5[%dma_start3A_29] : memref<2048xi32, #tpu.memory_space<vmem>> -> memref<512xi32, #tpu.memory_space<vmem>>
    %dma_start3A_31 = arith.constant 0 : i32
    %dma_start3A_32 = arith.constant 0 : i32
    %dma_start3A_33 = tpu.memref_slice %arg3[%dma_start3A_31, %dma_start3A_32] : memref<100000x16xi32, #tpu.memory_space<hbm>> -> memref<100000x16xi32, #tpu.memory_space<hbm>>
    tpu.enqueue_indirect_dma source(%dma_start3A_33 : memref<100000x16xi32, #tpu.memory_space<hbm>>) target(%dma_start3A_28 : memref<512x16xi32, #tpu.memory_space<vmem>>) offsets(%dma_start3A_30 : memref<512xi32, #tpu.memory_space<vmem>>) semaphore(%arg10 : memref<!tpu.dma_semaphore, #tpu.memory_space<semaphore_mem>>)
    %dma_wait3A = arith.constant 0 : i32
    %dma_wait3A_34 = arith.constant 0 : i32
    %dma_wait3A_35 = tpu.memref_slice %arg6[%dma_wait3A, %dma_wait3A_34] : memref<2048x16xi32, #tpu.memory_space<vmem>> -> memref<512x16xi32, #tpu.memory_space<vmem>>
    %dma_wait3A_36 = arith.constant 0 : i32
    %dma_wait3A_37 = tpu.memref_slice %arg5[%dma_wait3A_36] : memref<2048xi32, #tpu.memory_space<vmem>> -> memref<512xi32, #tpu.memory_space<vmem>>
    %dma_wait3A_38 = arith.constant 0 : i32
    %dma_wait3A_39 = arith.constant 0 : i32
    %dma_wait3A_40 = tpu.memref_slice %arg3[%dma_wait3A_38, %dma_wait3A_39] : memref<100000x16xi32, #tpu.memory_space<hbm>> -> memref<100000x16xi32, #tpu.memory_space<hbm>>
    tpu.wait_indirect_dma semaphore(%arg7 : memref<!tpu.dma_semaphore, #tpu.memory_space<semaphore_mem>>) src(%dma_wait3A_40 : memref<100000x16xi32, #tpu.memory_space<hbm>>) dst(%dma_wait3A_35 : memref<512x16xi32, #tpu.memory_space<vmem>>)
    %add3A_41 = arith.constant 0 : i32
    %add3A_42 = arith.addi %mul3A_2, %add3A_41 : i32
    %dma_start3A_43 = arith.constant 0 : i32
    %dma_start3A_44 = arith.constant 0 : i32
    %dma_start3A_45 = tpu.memref_slice %arg6[%dma_start3A_43, %dma_start3A_44] : memref<2048x16xi32, #tpu.memory_space<vmem>> -> memref<512x16xi32, #tpu.memory_space<vmem>>
    %dma_start3A_46 = arith.constant 0 : i32
    %dma_start3A_47 = tpu.memref_slice %arg4[%add3A_42, %dma_start3A_46] : memref<65536x16xi32, #tpu.memory_space<hbm>> -> memref<512x16xi32, #tpu.memory_space<hbm>>
    %dma_start3A_48 = arith.constant 0 : i32
    %dma_start3A_49 = tpu.memref_slice %arg4[%add3A_42, %dma_start3A_48] : memref<65536x16xi32, #tpu.memory_space<hbm>> -> memref<512x16xi32, #tpu.memory_space<hbm>>
    %dma_start3A_50 = arith.constant 0 : i32
    %dma_start3A_51 = arith.constant 0 : i32
    %dma_start3A_52 = tpu.memref_slice %arg6[%dma_start3A_50, %dma_start3A_51] : memref<2048x16xi32, #tpu.memory_space<vmem>> -> memref<512x16xi32, #tpu.memory_space<vmem>>
    tpu.enqueue_dma source(%dma_start3A_52 : memref<512x16xi32, #tpu.memory_space<vmem>>) target(%dma_start3A_49 : memref<512x16xi32, #tpu.memory_space<hbm>>) target_semaphore(%arg11 : memref<!tpu.dma_semaphore, #tpu.memory_space<semaphore_mem>>)
    %dma_wait3A_53 = arith.constant 512 : i32
    %dma_wait3A_54 = arith.constant 0 : i32
    %dma_wait3A_55 = tpu.memref_slice %arg6[%dma_wait3A_53, %dma_wait3A_54] : memref<2048x16xi32, #tpu.memory_space<vmem>> -> memref<512x16xi32, #tpu.memory_space<vmem>>
    %dma_wait3A_56 = arith.constant 512 : i32
    %dma_wait3A_57 = tpu.memref_slice %arg5[%dma_wait3A_56] : memref<2048xi32, #tpu.memory_space<vmem>> -> memref<512xi32, #tpu.memory_space<vmem>>
    %dma_wait3A_58 = arith.constant 0 : i32
    %dma_wait3A_59 = arith.constant 0 : i32
    %dma_wait3A_60 = tpu.memref_slice %arg3[%dma_wait3A_58, %dma_wait3A_59] : memref<100000x16xi32, #tpu.memory_space<hbm>> -> memref<100000x16xi32, #tpu.memory_space<hbm>>
    tpu.wait_indirect_dma semaphore(%arg8 : memref<!tpu.dma_semaphore, #tpu.memory_space<semaphore_mem>>) src(%dma_wait3A_60 : memref<100000x16xi32, #tpu.memory_space<hbm>>) dst(%dma_wait3A_55 : memref<512x16xi32, #tpu.memory_space<vmem>>)
    %add3A_61 = arith.constant 512 : i32
    %add3A_62 = arith.addi %mul3A_2, %add3A_61 : i32
    %dma_start3A_63 = arith.constant 512 : i32
    %dma_start3A_64 = arith.constant 0 : i32
    %dma_start3A_65 = tpu.memref_slice %arg6[%dma_start3A_63, %dma_start3A_64] : memref<2048x16xi32, #tpu.memory_space<vmem>> -> memref<512x16xi32, #tpu.memory_space<vmem>>
    %dma_start3A_66 = arith.constant 0 : i32
    %dma_start3A_67 = tpu.memref_slice %arg4[%add3A_62, %dma_start3A_66] : memref<65536x16xi32, #tpu.memory_space<hbm>> -> memref<512x16xi32, #tpu.memory_space<hbm>>
    %dma_start3A_68 = arith.constant 0 : i32
    %dma_start3A_69 = tpu.memref_slice %arg4[%add3A_62, %dma_start3A_68] : memref<65536x16xi32, #tpu.memory_space<hbm>> -> memref<512x16xi32, #tpu.memory_space<hbm>>
    %dma_start3A_70 = arith.constant 512 : i32
    %dma_start3A_71 = arith.constant 0 : i32
    %dma_start3A_72 = tpu.memref_slice %arg6[%dma_start3A_70, %dma_start3A_71] : memref<2048x16xi32, #tpu.memory_space<vmem>> -> memref<512x16xi32, #tpu.memory_space<vmem>>
    tpu.enqueue_dma source(%dma_start3A_72 : memref<512x16xi32, #tpu.memory_space<vmem>>) target(%dma_start3A_69 : memref<512x16xi32, #tpu.memory_space<hbm>>) target_semaphore(%arg12 : memref<!tpu.dma_semaphore, #tpu.memory_space<semaphore_mem>>)
    %dma_wait3A_73 = arith.constant 1024 : i32
    %dma_wait3A_74 = arith.constant 0 : i32
    %dma_wait3A_75 = tpu.memref_slice %arg6[%dma_wait3A_73, %dma_wait3A_74] : memref<2048x16xi32, #tpu.memory_space<vmem>> -> memref<512x16xi32, #tpu.memory_space<vmem>>
    %dma_wait3A_76 = arith.constant 1024 : i32
    %dma_wait3A_77 = tpu.memref_slice %arg5[%dma_wait3A_76] : memref<2048xi32, #tpu.memory_space<vmem>> -> memref<512xi32, #tpu.memory_space<vmem>>
    %dma_wait3A_78 = arith.constant 0 : i32
    %dma_wait3A_79 = arith.constant 0 : i32
    %dma_wait3A_80 = tpu.memref_slice %arg3[%dma_wait3A_78, %dma_wait3A_79] : memref<100000x16xi32, #tpu.memory_space<hbm>> -> memref<100000x16xi32, #tpu.memory_space<hbm>>
    tpu.wait_indirect_dma semaphore(%arg9 : memref<!tpu.dma_semaphore, #tpu.memory_space<semaphore_mem>>) src(%dma_wait3A_80 : memref<100000x16xi32, #tpu.memory_space<hbm>>) dst(%dma_wait3A_75 : memref<512x16xi32, #tpu.memory_space<vmem>>)
    %add3A_81 = arith.constant 1024 : i32
    %add3A_82 = arith.addi %mul3A_2, %add3A_81 : i32
    %dma_start3A_83 = arith.constant 1024 : i32
    %dma_start3A_84 = arith.constant 0 : i32
    %dma_start3A_85 = tpu.memref_slice %arg6[%dma_start3A_83, %dma_start3A_84] : memref<2048x16xi32, #tpu.memory_space<vmem>> -> memref<512x16xi32, #tpu.memory_space<vmem>>
    %dma_start3A_86 = arith.constant 0 : i32
    %dma_start3A_87 = tpu.memref_slice %arg4[%add3A_82, %dma_start3A_86] : memref<65536x16xi32, #tpu.memory_space<hbm>> -> memref<512x16xi32, #tpu.memory_space<hbm>>
    %dma_start3A_88 = arith.constant 0 : i32
    %dma_start3A_89 = tpu.memref_slice %arg4[%add3A_82, %dma_start3A_88] : memref<65536x16xi32, #tpu.memory_space<hbm>> -> memref<512x16xi32, #tpu.memory_space<hbm>>
    %dma_start3A_90 = arith.constant 1024 : i32
    %dma_start3A_91 = arith.constant 0 : i32
    %dma_start3A_92 = tpu.memref_slice %arg6[%dma_start3A_90, %dma_start3A_91] : memref<2048x16xi32, #tpu.memory_space<vmem>> -> memref<512x16xi32, #tpu.memory_space<vmem>>
    tpu.enqueue_dma source(%dma_start3A_92 : memref<512x16xi32, #tpu.memory_space<vmem>>) target(%dma_start3A_89 : memref<512x16xi32, #tpu.memory_space<hbm>>) target_semaphore(%arg13 : memref<!tpu.dma_semaphore, #tpu.memory_space<semaphore_mem>>)
    %dma_wait3A_93 = arith.constant 1536 : i32
    %dma_wait3A_94 = arith.constant 0 : i32
    %dma_wait3A_95 = tpu.memref_slice %arg6[%dma_wait3A_93, %dma_wait3A_94] : memref<2048x16xi32, #tpu.memory_space<vmem>> -> memref<512x16xi32, #tpu.memory_space<vmem>>
    %dma_wait3A_96 = arith.constant 1536 : i32
    %dma_wait3A_97 = tpu.memref_slice %arg5[%dma_wait3A_96] : memref<2048xi32, #tpu.memory_space<vmem>> -> memref<512xi32, #tpu.memory_space<vmem>>
    %dma_wait3A_98 = arith.constant 0 : i32
    %dma_wait3A_99 = arith.constant 0 : i32
    %dma_wait3A_100 = tpu.memref_slice %arg3[%dma_wait3A_98, %dma_wait3A_99] : memref<100000x16xi32, #tpu.memory_space<hbm>> -> memref<100000x16xi32, #tpu.memory_space<hbm>>
    tpu.wait_indirect_dma semaphore(%arg10 : memref<!tpu.dma_semaphore, #tpu.memory_space<semaphore_mem>>) src(%dma_wait3A_100 : memref<100000x16xi32, #tpu.memory_space<hbm>>) dst(%dma_wait3A_95 : memref<512x16xi32, #tpu.memory_space<vmem>>)
    %add3A_101 = arith.constant 1536 : i32
    %add3A_102 = arith.addi %mul3A_2, %add3A_101 : i32
    %dma_start3A_103 = arith.constant 1536 : i32
    %dma_start3A_104 = arith.constant 0 : i32
    %dma_start3A_105 = tpu.memref_slice %arg6[%dma_start3A_103, %dma_start3A_104] : memref<2048x16xi32, #tpu.memory_space<vmem>> -> memref<512x16xi32, #tpu.memory_space<vmem>>
    %dma_start3A_106 = arith.constant 0 : i32
    %dma_start3A_107 = tpu.memref_slice %arg4[%add3A_102, %dma_start3A_106] : memref<65536x16xi32, #tpu.memory_space<hbm>> -> memref<512x16xi32, #tpu.memory_space<hbm>>
    %dma_start3A_108 = arith.constant 0 : i32
    %dma_start3A_109 = tpu.memref_slice %arg4[%add3A_102, %dma_start3A_108] : memref<65536x16xi32, #tpu.memory_space<hbm>> -> memref<512x16xi32, #tpu.memory_space<hbm>>
    %dma_start3A_110 = arith.constant 1536 : i32
    %dma_start3A_111 = arith.constant 0 : i32
    %dma_start3A_112 = tpu.memref_slice %arg6[%dma_start3A_110, %dma_start3A_111] : memref<2048x16xi32, #tpu.memory_space<vmem>> -> memref<512x16xi32, #tpu.memory_space<vmem>>
    tpu.enqueue_dma source(%dma_start3A_112 : memref<512x16xi32, #tpu.memory_space<vmem>>) target(%dma_start3A_109 : memref<512x16xi32, #tpu.memory_space<hbm>>) target_semaphore(%arg14 : memref<!tpu.dma_semaphore, #tpu.memory_space<semaphore_mem>>)
    %dma_wait3A_113 = arith.constant 0 : i32
    %dma_wait3A_114 = arith.constant 0 : i32
    %dma_wait3A_115 = tpu.memref_slice %arg6[%dma_wait3A_113, %dma_wait3A_114] : memref<2048x16xi32, #tpu.memory_space<vmem>> -> memref<512x16xi32, #tpu.memory_space<vmem>>
    %dma_wait3A_116 = arith.constant 0 : i32
    %dma_wait3A_117 = tpu.memref_slice %arg4[%add3A_42, %dma_wait3A_116] : memref<65536x16xi32, #tpu.memory_space<hbm>> -> memref<512x16xi32, #tpu.memory_space<hbm>>
    %dma_wait3A_118 = arith.constant 0 : i32
    %dma_wait3A_119 = tpu.memref_slice %arg4[%add3A_42, %dma_wait3A_118] : memref<65536x16xi32, #tpu.memory_space<hbm>> -> memref<512x16xi32, #tpu.memory_space<hbm>>
    %dma_wait3A_120 = arith.constant 0 : i32
    %dma_wait3A_121 = arith.constant 0 : i32
    %dma_wait3A_122 = tpu.memref_slice %arg6[%dma_wait3A_120, %dma_wait3A_121] : memref<2048x16xi32, #tpu.memory_space<vmem>> -> memref<512x16xi32, #tpu.memory_space<vmem>>
    tpu.wait_dma2 semaphore(%arg11 : memref<!tpu.dma_semaphore, #tpu.memory_space<semaphore_mem>>) src(%dma_wait3A_122 : memref<512x16xi32, #tpu.memory_space<vmem>>) dst(%dma_wait3A_119 : memref<512x16xi32, #tpu.memory_space<hbm>>)
    %dma_wait3A_123 = arith.constant 512 : i32
    %dma_wait3A_124 = arith.constant 0 : i32
    %dma_wait3A_125 = tpu.memref_slice %arg6[%dma_wait3A_123, %dma_wait3A_124] : memref<2048x16xi32, #tpu.memory_space<vmem>> -> memref<512x16xi32, #tpu.memory_space<vmem>>
    %dma_wait3A_126 = arith.constant 0 : i32
    %dma_wait3A_127 = tpu.memref_slice %arg4[%add3A_62, %dma_wait3A_126] : memref<65536x16xi32, #tpu.memory_space<hbm>> -> memref<512x16xi32, #tpu.memory_space<hbm>>
    %dma_wait3A_128 = arith.constant 0 : i32
    %dma_wait3A_129 = tpu.memref_slice %arg4[%add3A_62, %dma_wait3A_128] : memref<65536x16xi32, #tpu.memory_space<hbm>> -> memref<512x16xi32, #tpu.memory_space<hbm>>
    %dma_wait3A_130 = arith.constant 512 : i32
    %dma_wait3A_131 = arith.constant 0 : i32
    %dma_wait3A_132 = tpu.memref_slice %arg6[%dma_wait3A_130, %dma_wait3A_131] : memref<2048x16xi32, #tpu.memory_space<vmem>> -> memref<512x16xi32, #tpu.memory_space<vmem>>
    tpu.wait_dma2 semaphore(%arg12 : memref<!tpu.dma_semaphore, #tpu.memory_space<semaphore_mem>>) src(%dma_wait3A_132 : memref<512x16xi32, #tpu.memory_space<vmem>>) dst(%dma_wait3A_129 : memref<512x16xi32, #tpu.memory_space<hbm>>)
    %dma_wait3A_133 = arith.constant 1024 : i32
    %dma_wait3A_134 = arith.constant 0 : i32
    %dma_wait3A_135 = tpu.memref_slice %arg6[%dma_wait3A_133, %dma_wait3A_134] : memref<2048x16xi32, #tpu.memory_space<vmem>> -> memref<512x16xi32, #tpu.memory_space<vmem>>
    %dma_wait3A_136 = arith.constant 0 : i32
    %dma_wait3A_137 = tpu.memref_slice %arg4[%add3A_82, %dma_wait3A_136] : memref<65536x16xi32, #tpu.memory_space<hbm>> -> memref<512x16xi32, #tpu.memory_space<hbm>>
    %dma_wait3A_138 = arith.constant 0 : i32
    %dma_wait3A_139 = tpu.memref_slice %arg4[%add3A_82, %dma_wait3A_138] : memref<65536x16xi32, #tpu.memory_space<hbm>> -> memref<512x16xi32, #tpu.memory_space<hbm>>
    %dma_wait3A_140 = arith.constant 1024 : i32
    %dma_wait3A_141 = arith.constant 0 : i32
    %dma_wait3A_142 = tpu.memref_slice %arg6[%dma_wait3A_140, %dma_wait3A_141] : memref<2048x16xi32, #tpu.memory_space<vmem>> -> memref<512x16xi32, #tpu.memory_space<vmem>>
    tpu.wait_dma2 semaphore(%arg13 : memref<!tpu.dma_semaphore, #tpu.memory_space<semaphore_mem>>) src(%dma_wait3A_142 : memref<512x16xi32, #tpu.memory_space<vmem>>) dst(%dma_wait3A_139 : memref<512x16xi32, #tpu.memory_space<hbm>>)
    %dma_wait3A_143 = arith.constant 1536 : i32
    %dma_wait3A_144 = arith.constant 0 : i32
    %dma_wait3A_145 = tpu.memref_slice %arg6[%dma_wait3A_143, %dma_wait3A_144] : memref<2048x16xi32, #tpu.memory_space<vmem>> -> memref<512x16xi32, #tpu.memory_space<vmem>>
    %dma_wait3A_146 = arith.constant 0 : i32
    %dma_wait3A_147 = tpu.memref_slice %arg4[%add3A_102, %dma_wait3A_146] : memref<65536x16xi32, #tpu.memory_space<hbm>> -> memref<512x16xi32, #tpu.memory_space<hbm>>
    %dma_wait3A_148 = arith.constant 0 : i32
    %dma_wait3A_149 = tpu.memref_slice %arg4[%add3A_102, %dma_wait3A_148] : memref<65536x16xi32, #tpu.memory_space<hbm>> -> memref<512x16xi32, #tpu.memory_space<hbm>>
    %dma_wait3A_150 = arith.constant 1536 : i32
    %dma_wait3A_151 = arith.constant 0 : i32
    %dma_wait3A_152 = tpu.memref_slice %arg6[%dma_wait3A_150, %dma_wait3A_151] : memref<2048x16xi32, #tpu.memory_space<vmem>> -> memref<512x16xi32, #tpu.memory_space<vmem>>
    tpu.wait_dma2 semaphore(%arg14 : memref<!tpu.dma_semaphore, #tpu.memory_space<semaphore_mem>>) src(%dma_wait3A_152 : memref<512x16xi32, #tpu.memory_space<vmem>>) dst(%dma_wait3A_149 : memref<512x16xi32, #tpu.memory_space<hbm>>)
    return
  }
}

</mosaic_0001>

<sc_bundles>
// kernel: _sample.4.cloned.1.call-start
scs
__scs_entry_jumppad:
0x0: {  	(pc) =	sbr.rel $0x88, $3  }
0x1: {  	(tag) =	ssettag $0x0;
	lr =	simm.s32 $0x1  }
0x2: {  	[smem:$0x3F9D] =	sst lr;
	_ =	strace $0xD0000000  }
0x3: {  	_ = 	snop  }
0x4: {  	_ = 	snop  }
0x5: {  	_ = 	snop  }
0x6: {  	_ = 	snop  }
0x7: {  	_ = 	snop  }
__scs_overlays_trampoline_lowered:
0x8: {  	[smem:$0x3FAC] =	sst s0  }
0x9: {  	[smem:$0x3FAD] =	sst s1  }
0xa: {  	[smem:$0x3FAE] =	sst s2  }
0xb: {  	[smem:$0x3FAF] =	sst s3  }
0xc: {  	[smem:$0x3FB0] =	sst s4  }
0xd: {  	[smem:$0x3FB1] =	sst s5  }
0xe: {  	[smem:$0x3FB2] =	sst s6  }
0xf: {  	[smem:$0x3FB3] =	sst s7  }
0x10: {  	[smem:$0x3FB4] =	sst s8  }
0x11: {  	[smem:$0x3FB5] =	sst s9;
	s0 =	simm.s32 @!p0 $0x0  }
0x12: {  	s1 =	sld [smem:$0x3F9B];
	s0 =	simm.s32 @p0 $0x1  }
0x13: {  	[smem:$0x3FB6] =	sst s0;
	s0 =	simm.s32 @!p1 $0x0  }
0x14: {  	s2 =	sld [smem:$0x3F9A];
	s0 =	simm.s32 @p1 $0x1  }
0x15: {  	[smem:$0x3FB7] =	sst s0;
	s0 =	simm.s32 @!p2 $0x0  }
0x16: {  	s3 =	sld [smem:$0x3FDB];
	s0 =	simm.s32 @p2 $0x1  }
0x17: {  	s4 =	simm.s32 $0x1BF5;
	[smem:$0x3FB9] =	sst s0  }
0x18: {  	s0 =	sld [smem:$0x3F9C];
	_ =	swait.ge [sflag:s4], $0x0  }
0x19: {  	s7 =	sld [smem:$0x3F9D]  }
0x1a: {  	s8 =	sadd.s32 $0xFFFFE003, lr  }
0x1b: {  	s9 =	sadd.s32 $0xFFFFFEF7, lr;
	s5 =	simm.s32 $0xFFFFFFFF;
	p2 =	slt.u32 s8, $0xFFFFF086  }
0x1c: {  	p1 =	slt.u32 s9, $0xF7A;
	s5 =	simm.s32 @!p2 $0x0  }
0x1d: {  	s5 =	simm.s32 @p1 $0x1;
	p0 =	seq.s32 s7, s2  }
0x1e: {  	s7 =	smul.u32 @!p0 $0xF7A, s2;
	p2 =	seq.s32 @!p0 s5, $0x0  }
0x1f: {  	s9 =	smul.u32 $0xF7A, s1;
	s8 =	simm.s32 @!p0 $0x1BF5;
	p2 =	por !p2, p0  }
0x20: {  	[sflag:s8] =	ssyncset.s32 @!p0 $0xFFFFF086;
	s6 =	sadd.s32 @!p0 s3, s7;
	s7 =	simm.s32 @!p0 $0x108  }
0x21: {  	s3 =	sadd.s32 s3, s9;
	s6 =	sadd.s32 @!p0 $0x88, s6;
	s7 =	simm.s32 @p2 $0x1082  }
0x22: {  	[simem:s7], [sflag:s8] =	dma.local @!p0 [hbm:s6], $0xF7A  }
0x23: {  	s9 =	sor.u32 $0xD0000000, s2;
	s6 =	simm.s32 $0x108;
	_ =	swait.ge @!p0 [sflag:s8], $0x0  }
0x24: {  	s3 =	sadd.s32 $0x88, s3;
	s6 =	simm.s32 @!p1 $0x1082;
	[sflag:s4] =	ssyncset.s32 $0xFFFFF086  }
0x25: {  	[simem:s6], [sflag:s4] =	dma.local [hbm:s3], $0xF7A  }
0x26: {  	[smem:$0x3F9D] =	sst s1;
	(tag) =	ssettag s2;
	_ =	strace s9  }
0x27: {  	s1 =	sld [smem:$0x3FAD]  }
0x28: {  	s2 =	sld [smem:$0x3FAE]  }
0x29: {  	s4 =	sld [smem:$0x3FB0]  }
0x2a: {  	p0 =	seq.s32 s5, $0x0;
	s5 =	sld [smem:$0x3FB1]  }
0x2b: {  	s6 =	sld [smem:$0x3FB2]  }
0x2c: {  	s7 =	sld [smem:$0x3FB3]  }
0x2d: {  	s3 =	simm.s32 $0x108;
	s8 =	sld [smem:$0x3FB4]  }
0x2e: {  	s3 =	simm.s32 @!p0 $0x1082;
	s9 =	sld [smem:$0x3FB5]  }
0x2f: {  	lr =	sadd.s32 s0, s3;
	s0 =	sld [smem:$0x3FAC]  }
0x30: {  	s3 =	sld [smem:$0x3FAF]  }
0x31: {  	[smem:$0x3FB8] =	sst s10  }
0x32: {  	s10 =	sld [smem:$0x3FB6];
	_ =	sdelay $0x3  }
0x33: {  	p0 =	seq.s32 s10, $0x1;
	s10 =	sld [smem:$0x3FB8];
	_ =	sdelay $0x3  }
0x34: {  	[smem:$0x3FB8] =	sst s10  }
0x35: {  	s10 =	sld [smem:$0x3FB7];
	_ =	sdelay $0x3  }
0x36: {  	p1 =	seq.s32 s10, $0x1;
	s10 =	sld [smem:$0x3FB8];
	_ =	sdelay $0x3  }
0x37: {  	[smem:$0x3FB8] =	sst s10  }
0x38: {  	s10 =	sld [smem:$0x3FB9]  }
0x39: {  	_ = 	snop;
	(pc) =	sbr.ind lr, $3  }
0x3a: {  	_ = 	snop  }
0x3b: {  	_ = 	snop  }
0x3c: {  	p2 =	seq.s32 s10, $0x1;
	s10 =	sld [smem:$0x3FB8]  }
0x3d: {  	_ =	shalt  }
0x3e: {  	_ =	shalt  }
0x3f: {  	_ =	shalt  }
0x40: {  	_ =	shalt  }
0x41: {  	_ =	shalt  }
0x42: {  	_ =	shalt  }
0x43: {  	_ =	shalt  }
0x44: {  	_ =	shalt  }
0x45: {  	_ =	shalt  }
0x46: {  	_ =	shalt  }
0x47: {  	_ =	shalt  }
0x48: {  	_ =	shalt  }
0x49: {  	_ =	shalt  }
0x4a: {  	_ =	shalt  }
0x4b: {  	_ =	shalt  }
0x4c: {  	_ =	shalt  }
0x4d: {  	_ =	shalt  }
0x4e: {  	_ =	shalt  }
0x4f: {  	_ =	shalt  }
0x50: {  	_ =	shalt  }
0x51: {  	_ =	shalt  }
0x52: {  	_ =	shalt  }
0x53: {  	_ =	shalt  }
0x54: {  	_ =	shalt  }
0x55: {  	_ =	shalt  }
0x56: {  	_ =	shalt  }
0x57: {  	_ =	shalt  }
0x58: {  	_ =	shalt  }
0x59: {  	_ =	shalt  }
0x5a: {  	_ =	shalt  }
0x5b: {  	_ =	shalt  }
0x5c: {  	_ =	shalt  }
0x5d: {  	_ =	shalt  }
0x5e: {  	_ =	shalt  }
0x5f: {  	_ =	shalt  }
0x60: {  	_ =	shalt  }
0x61: {  	_ =	shalt  }
0x62: {  	_ =	shalt  }
0x63: {  	_ =	shalt  }
0x64: {  	_ =	shalt  }
0x65: {  	_ =	shalt  }
0x66: {  	_ =	shalt  }
0x67: {  	_ =	shalt  }
0x68: {  	_ =	shalt  }
0x69: {  	_ =	shalt  }
0x6a: {  	_ =	shalt  }
0x6b: {  	_ =	shalt  }
0x6c: {  	_ =	shalt  }
0x6d: {  	_ =	shalt  }
0x6e: {  	_ =	shalt  }
0x6f: {  	_ =	shalt  }
0x70: {  	_ =	shalt  }
0x71: {  	_ =	shalt  }
0x72: {  	_ =	shalt  }
0x73: {  	_ =	shalt  }
0x74: {  	_ =	shalt  }
0x75: {  	_ =	shalt  }
0x76: {  	_ =	shalt  }
0x77: {  	_ =	shalt  }
0x78: {  	_ =	shalt  }
0x79: {  	_ =	shalt  }
0x7a: {  	_ =	shalt  }
0x7b: {  	_ =	shalt  }
0x7c: {  	_ =	shalt  }
0x7d: {  	_ =	shalt  }
0x7e: {  	_ =	shalt  }
0x7f: {  	_ =	shalt  }
0x80: {  	_ =	shalt  }
0x81: {  	_ =	shalt  }
0x82: {  	_ =	shalt  }
0x83: {  	_ =	shalt  }
0x84: {  	_ =	shalt  }
0x85: {  	_ =	shalt  }
0x86: {  	_ =	shalt  }
0x87: {  	_ =	shalt  }
.Lfunc_end0:
.L_simem_size_0:
called_computation_lowered:
.L_overlay_start_0:
0x88: {  	s2 =	sld [smem:$0x3FD9]  }
0x89: {  	s3 =	sld [smem:$0x3FFE];
	_ =	sdelay $0x1  }
0x8a: {  	s1 =	srdreg.scid  }
0x8b: {  	s0 =	sand.u32 $0x1, s1  }
0x8c: {  	s17 =	sshll.u32 s0, $0xA;
	s2 =	sadd.s32 s3, s2  }
0x8d: {  	s2 =	sadd.s32 s2, s17  }
0x8e: {  	[smem:$0x3FC4] =	sst s2  }
0x8f: {  	_ = 	snop  }
0x90: {  	s2 =	sld [smem:$0x3FC8]  }
0x91: {  	s18 =	sld [smem:$0x3FC7]  }
0x92: {  	s4 =	sld [smem:$0x3FD0];
	(tm) =	ssettm $0x1  }
0x93: {  	s5 =	sld [smem:$0x3FFB];
	_ =	sdelay $0x3  }
0x94: {  	_ =	strace s5  }
0x95: {  	s5 =	sld [smem:$0x3FFC];
	_ =	sdelay $0x3  }
0x96: {  	_ =	strace s5  }
0x97: {  	s5 =	sld [smem:$0x3FFD];
	_ =	sdelay $0x3  }
0x98: {  	_ =	strace s5  }
0x99: {  	_ =	strace $0x8FFFFFFF  }
0x9a: {  	s19 =	sld [smem:$0x3FDB];
	_ =	sdelay $0x1  }
0x9b: {  	s6 =	simm.s32 $_scs_section_size  }
0x9c: {  	s7 =	simm.s32 $_size__tile_overlayer_lowered;
	s8 =	simm.s32 $_tile_overlayer_lowered  }
0x9d: {  	s22 =	simm.s32 $0x1BFF;
	s21 =	sshll.u32 s8, $0x1;
	s5 =	sadd.s32 s6, s19  }
0x9e: {  	s9 =	simm.s32 $0x0;
	s20 =	sshll.u32 s7, $0x1;
	s7 =	sadd.s32 s21, s5  }
0x9f: {  	[timem:s9], [sflag:s22] =	dma.local [hbm:s7], s20  }
0xa0: {  	_ =	swait.ge [sflag:s22], s20  }
0xa1: {  	s6 =	ssub.s32 $0x0, s20;
	[sflag:s22] =	ssyncset.done $0x0  }
0xa2: {  	[sflag:s22] =	ssyncadd.s32 s6;
	_ =	sdelay $0x1  }
0xa3: {  	s23 =	simm.s32 $0x1B8B  }
0xa4: {  	_ =	swait.ge [sflag:s23], $0x1  }
0xa5: {  	[sflag:s23] =	ssyncset.done $0x0  }
0xa6: {  	s25 =	simm.s32 $0x1B8E;
	s24 =	sld [smem:$0x3FFE];
	[sflag:s23] =	ssyncadd.s32 $0xFFFFFFFF  }
0xa7: {  	s26 =	simm.s32 $execute0_lowered;
	[smem:$0x3FD2] =	sst s25  }
0xa8: {  	s7 =	sshll.u32 s26, $0x1;
	_ =	strace $0x80000046;
	[dreg:$0x1] =	wrdreg $0xFFFFFFFF  }
0xa9: {  	s28 =	simm.s32 $_size_execute0_lowered;
	s5 =	sadd.s32 s5, s7;
	[dreg:$0x0] =	wrdreg $0x0  }
0xaa: {  	s7 =	sshll.u32 s28, $0x1;
	[dreg:$0x2] =	wrdreg s5  }
0xab: {  	[dreg:$0x3] =	wrdreg s7  }
0xac: {  	[dreg:$0x4] =	wrdreg $0xC0  }
0xad: {  	_ =	task [dreg:s9], $0x5FFFF  }
0xae: {  	[dreg:$0x1] =	wrdreg $0xFFFFFFFF  }
0xaf: {  	[dreg:$0x0] =	wrdreg $0x60  }
0xb0: {  	[dreg:$0x2] =	wrdreg s2  }
0xb1: {  	[dreg:$0x3] =	wrdreg s18  }
0xb2: {  	[dreg:$0x4] =	wrdreg s4  }
0xb3: {  	[dreg:$0x5] =	wrdreg s24  }
0xb4: {  	[dreg:$0x6] =	wrdreg $0x9  }
0xb5: {  	_ =	task.clear_ibuf [dreg:s9], $0x7FFFF;
	_ =	strace $0x90000046  }
0xb6: {  	s29 =	simm.s32 $0x9;
	_ =	strace $0x80000048  }
0xb7: {  	_ =	swait.ge [sflag:s29], $0x1  }
0xb8: {  	[sflag:s29] =	ssyncadd.s32 $0xFFFFFFFF  }
0xb9: {  	_ =	strace $0x90000048  }
0xba: {  	_ =	sfence  }
0xbb: {  	s30 =	sld [smem:$0x0];
	_ =	sdelay $0x2  }
0xbc: {  	s31 =	sshll.u32 s1, $0xD;
	s1 =	sshrl.u32 s1, $0x2  }
0xbd: {  	s3 =	sand.u32 $0x4000, s31;
	s1 =	sadd.s32 s1, s30  }
0xbe: {  	s0 =	sor.u32 s3, s0;
	s1 =	sshll.u32 s1, $0x11  }
0xbf: {  	s0 =	sor.u32 s1, s0  }
0xc0: {  	s0 =	sadd.s32 $0x8F2B, s0  }
0xc1: {  	[sflag:s0] =	ssyncadd.remote.s32 $0x1  }
0xc2: {  	_ =	sfence.sel $0xFFFF  }
0xc3: {  	[dreg:$0x0] =	wrdreg $0xFFFFFFFF;
	(pc) =	sbr.abs _section_cstart, $3  }
0xc4: {  	[dreg:$0x1] =	wrdreg $0xFFFFFFFF  }
0xc5: {  	_ =	task.clear_ibuf [dreg:s9], $0x2FFFF;
	_ =	strace $0x9FFFFFFF  }
0xc6: {  	(tm) =	ssettm $0x7FFFFFFF  }
0xc7: {  	_ =	shalt  }
tec
execute0_lowered:
.L_overlay_start_1:
0x0: {  	(tag) =	ssettag $0x1  }
0x1: {  	s1 =	srdreg.scid;
	s3 =	stileid.u32  }
0x2: {  	s2 =	sand.u32 $0x1, s1;
	s3 =	sshll.u32 s3, $0x1  }
0x3: {  	s4 =	sor.u32 s2, s3  }
0x4: {  	s0 =	rddreg [dreg:$0x1];
	s5 =	smul.u32 $0xC80, s4  }
0x5: {  	s1 =	rddreg [dreg:$0x3];
	s3 =	simm.s32 $0x0;
	s7 =	smul.u32 $0x1900, s4  }
0x6: {  	s8 =	sadd.s32 $0x800, s1;
	[smem:$0x7FF] =	sst s3;
	s19 =	sadd.s32 $0x180, s5  }
0x7: {  	s7 =	sadd.s32 s8, s7;
	s20 =	sadd.s32 $0x300, s5;
	s21 =	sadd.s32 $0x480, s5  }
0x8: {  	s22 =	sadd.s32 $0x600, s5;
	s23 =	sadd.s32 $0x780, s5;
	s24 =	sadd.s32 $0x900, s5  }
0x9: {  	s25 =	sadd.s32 $0xA80, s5;
	[dreg:$0x5] =	wrdreg s7;
	s9 =	sshll.u32 s19, $0x1  }
0xa: {  	s10 =	sshll.u32 s20, $0x1;
	s11 =	sshll.u32 s21, $0x1;
	s9 =	sadd.s32 s8, s9  }
0xb: {  	s12 =	sshll.u32 s22, $0x1;
	s10 =	sadd.s32 s8, s10;
	[dreg:$0x6] =	wrdreg s9  }
0xc: {  	s13 =	sshll.u32 s23, $0x1;
	s11 =	sadd.s32 s8, s11;
	[dreg:$0x7] =	wrdreg s10  }
0xd: {  	s14 =	sshll.u32 s24, $0x1;
	s12 =	sadd.s32 s8, s12;
	[dreg:$0x8] =	wrdreg s11  }
0xe: {  	s15 =	sshll.u32 s25, $0x1;
	s14 =	sadd.s32 s8, s14;
	[dreg:$0x9] =	wrdreg s12  }
0xf: {  	s13 =	sadd.s32 s8, s13;
	[dreg:$0xb] =	wrdreg s14;
	s14 =	sadd.s32 $0xC00, s5  }
0x10: {  	s15 =	sadd.s32 s8, s15;
	[dreg:$0xa] =	wrdreg s13;
	s16 =	sshll.u32 s14, $0x1  }
0x11: {  	[dreg:$0xc] =	wrdreg s15;
	s8 =	sadd.s32 s8, s16  }
0x12: {  	[dreg:$0xd] =	wrdreg s8;
	s8 =	sadd.s32 s0, s5  }
0x13: {  	s17 =	sadd.s32 s0, s19;
	_ =	strace $0x80000047;
	[dreg:$0xe] =	wrdreg s8  }
0x14: {  	s18 =	sadd.s32 s0, s20;
	[dreg:$0xf] =	wrdreg s17  }
0x15: {  	s19 =	sadd.s32 s0, s21;
	[dreg:$0x10] =	wrdreg s18  }
0x16: {  	s26 =	smul.u32 $0x6400, s4;
	s20 =	sadd.s32 s0, s22;
	[dreg:$0x11] =	wrdreg s19  }
0x17: {  	p0 =	seq.s32 s4, $0x1F;
	s21 =	sadd.s32 s0, s23;
	[dreg:$0x12] =	wrdreg s20  }
0x18: {  	s22 =	sadd.s32 s0, s24;
	s16 =	sshrl.u32 s26, $0x3;
	[dreg:$0x13] =	wrdreg s21  }
0x19: {  	s23 =	sadd.s32 s0, s25;
	s4 =	sadd.s32 s0, s16;
	[dreg:$0x14] =	wrdreg s22  }
0x1a: {  	[dreg:$0x15] =	wrdreg s23;
	s24 =	sadd.s32 $0x80, s4  }
0x1b: {  	s2 =	ssub.s32 $0x2, s2;
	s25 =	sadd.s32 $0x100, s4;
	[dreg:$0x16] =	wrdreg s24  }
0x1c: {  	s6 =	sshrl.u32 s2, $0x1;
	s26 =	sadd.s32 $0x200, s4;
	[dreg:$0x17] =	wrdreg s25  }
0x1d: {  	s2 =	ssub.s32 s2, s6;
	s6 =	sadd.s32 $0x280, s4;
	[dreg:$0x18] =	wrdreg s26  }
0x1e: {  	s7 =	sadd.s32 $0x380, s4;
	[dreg:$0x19] =	wrdreg s6  }
0x1f: {  	s8 =	sadd.s32 $0x400, s4;
	[dreg:$0x1a] =	wrdreg s7  }
0x20: {  	s9 =	sadd.s32 $0x500, s4;
	[dreg:$0x1b] =	wrdreg s8  }
0x21: {  	s10 =	sadd.s32 $0x580, s4;
	[dreg:$0x1c] =	wrdreg s9  }
0x22: {  	s11 =	sadd.s32 $0x680, s4;
	[dreg:$0x1d] =	wrdreg s10  }
0x23: {  	s12 =	sadd.s32 $0x700, s4;
	[dreg:$0x1e] =	wrdreg s11  }
0x24: {  	s13 =	sadd.s32 $0x800, s4;
	[dreg:$0x1f] =	wrdreg s12  }
0x25: {  	s15 =	sadd.s32 $0x880, s4;
	[smem:$0x7EE] =	sst s13  }
0x26: {  	s16 =	sadd.s32 $0x980, s4;
	[smem:$0x7EF] =	sst s15  }
0x27: {  	s17 =	sadd.s32 $0xA00, s4;
	[smem:$0x7F0] =	sst s16  }
0x28: {  	v0 =	vimm.s32 $0xB80;
	vm0 =	vcmask $0x300;
	s18 =	sadd.s32 $0xB00, s4;
	[smem:$0x7F1] =	sst s17  }
0x29: {  	v0 =	vsel vm0, $0x0, v0;
	vm0 =	vcmask $0x704;
	s4 =	sadd.s32 $0xB80, s4;
	[smem:$0x7F2] =	sst s18  }
0x2a: {  	v0 =	vsel vm0, $0x80, v0;
	vm0 =	vcmask $0xB08;
	s19 =	sadd.s32 s0, s14;
	[smem:$0x7F3] =	sst s4  }
0x2b: {  	s28 =	simm.s32 $0x5080;
	v0 =	vsel vm0, $0x100, v0;
	vm0 =	vcmask $0xF0C;
	s20 =	sadd.s32 $0x18380, s0;
	[smem:$0x7F4] =	sst s19  }
0x2c: {  	s29 =	simm.s32 $0x5880;
	v0 =	vsel vm0, $0x180, v0;
	vm0 =	vcmask $0x1310;
	s21 =	sadd.s32 $0x18400, s0;
	[smem:$0x7F5] =	sst s20  }
0x2d: {  	s30 =	simm.s32 $0x1;
	v0 =	vsel vm0, $0x200, v0;
	vm0 =	vcmask $0x1714;
	s22 =	sadd.s32 $0x18480, s0;
	[smem:$0x7F6] =	sst s21  }
0x2e: {  	s31 =	simm.s32 $0x6080;
	v0 =	vsel vm0, $0x280, v0;
	vm0 =	vcmask $0x1B18;
	s23 =	sadd.s32 $0x18500, s0;
	[smem:$0x7F7] =	sst s22  }
0x2f: {  	v0 =	vsel vm0, $0x300, v0;
	vm0 =	vcmask $0x1F1C;
	s14 =	smax.u32 s2, $0x1;
	[smem:$0x7F8] =	sst s23;
	s24 =	sadd.s32 $0x18580, s0  }
0x30: {  	v0 =	vsel vm0, $0x380, v0;
	vm0 =	vcmask $0x2320;
	s0 =	sadd.s32 $0x18600, s0;
	s25 =	sadd.s32 $0x30F00, s1;
	s26 =	sadd.s32 $0x31500, s1  }
0x31: {  	v3 =	vlaneseq.u32;
	v1 =	vsel vm0, $0x800, v0;
	vm0 =	vcmask $0x2724;
	s16 =	simm.s32 $0x5;
	s17 =	simm.s32 $0x80;
	s18 =	simm.s32 $0x880  }
0x32: {  	vm1 =	vcmask $0x3330;
	v1 =	vsel vm0, $0x880, v1;
	vm0 =	vcmask $0x2B28;
	s19 =	simm.s32 $0x1080;
	s20 =	simm.s32 $0x1880;
	[smem:$0x7FD] =	sst s14  }
.Ltmp0:
0x33: {  	v2 =	vshrl.u32 v3, $0x3;
	v4 =	vsel vm0, $0x900, v1;
	vm0 =	vcmask $0x2F2C;
	s21 =	simm.s32 $0x2080;
	[smem:$0x7F9] =	sst s24;
	(pc) =	sbr.rel .LBB2_1-.Ltmp0, $4  }
0x34: {  	v0 =	vand.u32 $0x7, v3;
	v1 =	vmul.u32 $0x8, v2;
	v2 =	vsel vm0, $0x980, v4;
	s22 =	simm.s32 $0x2880;
	s23 =	simm.s32 $0x3080;
	[smem:$0x7FA] =	sst s0  }
0x35: {  	vm0 =	vmmov $0xff;
	v4 =	vsel vm1, $0xA00, v2;
	vm1 =	vcmask $0x3734;
	s11 =	simm.s32 $0x3;
	s1 =	simm.s32 $0x4;
	[smem:$0x7FB] =	sst s25  }
0x36: {  	v2 =	vor.u32 $0x8, v3;
	s4 =	simm.s32 $0x0;
	[smem:$0x7FC] =	sst s26;
	s24 =	simm.s32 $0x3880;
	v5 =	vsel vm1, $0xA80, v4;
	vm1 =	vcmask $0x3B38  }
0x37: {  	v3 =	vmul.u32 $0x100, v3;
	s25 =	simm.s32 $0x4080;
	s26 =	simm.s32 $0x4880;
	s0 =	simm.s32 $0x2;
	v4 =	vmul.u32 $0x80, v0;
	v5 =	vsel vm1, $0xB00, v5  }
.LBB2_23:
0x38: {  	_ =	sdelay $0x2  }
0x39: {  	[tilespmem:s5+$0x30] =	vst v11;
	s2 =	sadd.s32 $0x80, s5  }
0x3a: {  	v7 =	vld.idx.msk [tilespmem:v7+s17+$0x0], $0xffff;
	[tilespmem:s2+$0xFFFFFFC0] =	vst v9  }
0x3b: {  	v8 =	vld.idx.msk [tilespmem:v8+s17+$0x0], $0xffff;
	[tilespmem:s2+$0xFFFFFFD0] =	vst v12  }
0x3c: {  	v55 =	vor.u32 s8, v6;
	v56 =	vld.idx.msk [tilespmem:v15+s17+$0x0], $0xffff;
	[tilespmem:s2+$0xFFFFFFE0] =	vst v14  }
0x3d: {  	v57 =	vor.u32 s10, v6;
	v58 =	vld.idx.msk [tilespmem:v16+s17+$0x0], $0xffff;
	[tilespmem:s2+$0xFFFFFFF0] =	vst v17  }
0x3e: {  	v59 =	vor.u32 s12, v6;
	v60 =	vld.idx.msk [tilespmem:v19+s17+$0x0], $0xffff;
	[tilespmem:s2+$0x0] =	vst v18  }
0x3f: {  	v13 =	vld.idx.msk [tilespmem:v13+s17+$0x0], $0xffff;
	v6 =	vor.u32 s7, v6;
	[tilespmem:s2+$0x10] =	vst v7  }
0x40: {  	v61 =	vld.idx.msk [tilespmem:v10+s17+$0x0], $0xffff;
	[tilespmem:s2+$0x20] =	vst v8  }
0x41: {  	v7 =	vld.idx.msk [tilespmem:v55+s17+$0x0], $0xffff;
	[tilespmem:s2+$0x30] =	vst v56;
	s2 =	sadd.s32 $0x80, s2  }
0x42: {  	v62 =	vld.idx.msk [tilespmem:v57+s17+$0x0], $0xffff;
	[tilespmem:s2+$0xFFFFFFC0] =	vst v58  }
0x43: {  	v63 =	vld.idx.msk [tilespmem:v59+s17+$0x0], $0xffff;
	[tilespmem:s2+$0xFFFFFFD0] =	vst v60  }
0x44: {  	v6 =	vld.idx.msk [tilespmem:v6+s17+$0x0], $0xffff;
	[tilespmem:s2+$0xFFFFFFE0] =	vst v13  }
0x45: {  	[tilespmem:s2+$0x0] =	vst v61  }
0x46: {  	[tilespmem:s2+$0xFFFFFFF0] =	vst v7  }
0x47: {  	[tilespmem:s2+$0x10] =	vst v62  }
0x48: {  	[tilespmem:s2+$0x20] =	vst v63  }
0x49: {  	[tilespmem:s2+$0x30] =	vst v6  }
0x4a: {  	s2 =	sld [smem:$0x7FB];
	_ =	sdelay $0x2  }
0x4b: {  	[hbm4b:s2+s3] =	stream.linear.scatter [tilespmem:s31], [sflag:$0x3], $0x3000, $0x38;
	[tilespmem:$0x9080] =	vst v63  }
0x4c: {  	_ =	swait.ge [sflag:s11], $0x3000  }
0x4d: {  	[sflag:s11] =	ssyncset.done $0x0  }
0x4e: {  	[sflag:s11] =	ssyncadd.s32 $0xFFFFD000  }
0x4f: {  	s13 =	rddreg [dreg:$0x2]  }
0x50: {  	[tilespmem:s31], [sflag:$0x5] =	stream.linear.gather [hbm4b:s13+s3], $0x200, $0x38;
	[tilespmem:$0x9080] =	vst v63  }
0x51: {  	_ =	swait.ge [sflag:s16], $0x200  }
0x52: {  	s15 =	sld [smem:$0x7FC]  }
0x53: {  	[sflag:s16] =	ssyncset.done $0x0  }
0x54: {  	[sflag:s16] =	ssyncadd.s32 $0xFFFFFE00  }
0x55: {  	[hbm4b:s15+s3] =	stream.linear.scatter [tilespmem:s31], [sflag:$0x5], $0x200, $0x38;
	[tilespmem:$0x9080] =	vst v63  }
0x56: {  	_ =	swait.ge [sflag:s16], $0x200  }
0x57: {  	[sflag:s16] =	ssyncset.done $0x0  }
0x58: {  	[sflag:s16] =	ssyncadd.s32 $0xFFFFFE00  }
.LBB2_24:
0x59: {  	s4 =	sadd.s32 $0x1, s4  }
0x5a: {  	p1 =	sne.s32 s4, s14  }
.Ltmp1:
0x5b: {  	_ = 	snop;
	(pc) =	sbr.rel @!p1 .LBB2_25-.Ltmp1, $1  }
0x5c: {  	_ =	sdelay $0x3  }
.LBB2_1:
0x5d: {  	s2 =	rddreg [dreg:$0x0]  }
0x5e: {  	[tilespmem:s3], [sflag:$0x5] =	stream.linear.gather [hbm4b:s2+s3], $0x80, $0x38;
	[tilespmem:$0x9080] =	vst v63  }
0x5f: {  	_ =	swait.ge [sflag:s16], $0x80  }
0x60: {  	[sflag:s16] =	ssyncset.done $0x0  }
0x61: {  	[sflag:s16] =	ssyncadd.s32 $0xFFFFFF80  }
0x62: {  	v6 =	vld [tilespmem:$0x0];
	_ =	sdelay $0x4  }
0x63: {  	v7 =	vshrl.u32 v6, $0x3  }
0x64: {  	v7 =	vmul.u32 $0x1870, v7  }
.Ltmp2:
0x65: {  	v6 =	vand.u32 $0x7, v6;
	(pc) =	sbr.rel @!p0 .LBB2_2-.Ltmp2, $3  }
0x66: {  	v7 =	vor.u32 v6, v7  }
0x67: {  	v6 =	vperm.xlane v7, v0;
	v7 =	vperm.xlane v7, v2;
	_ =	sdelay $0x1  }
0x68: {  	v6 =	vadd.s32 v1, v6;
	v7 =	vadd.s32 v1, v7  }
0x69: {  	_ = 	snop  }
0x6a: {  	s5 =	sld [smem:$0x7F5];
	_ =	sdelay $0x1  }
0x6b: {  	s2 =	simm.s32 $0x0  }
0x6c: {  	[tilespmem:s17], [sflag:$0x1] =	stream.indirect_vreg.gather [hbm4b:s5+s2], $0x80, v6, vm0, $0xb8;
	[tilespmem:$0x9080] =	vst v63  }
0x6d: {  	s15 =	sld [smem:$0x7F6]  }
0x6e: {  	[tilespmem:s18], [sflag:$0x1] =	stream.indirect_vreg.gather [hbm4b:s5+s2], $0x80, v7, vm0, $0xb8;
	[tilespmem:$0x9080] =	vst v63  }
0x6f: {  	_ = 	snop  }
0x70: {  	[tilespmem:s19], [sflag:$0x1] =	stream.indirect_vreg.gather [hbm4b:s15+s2], $0x80, v6, vm0, $0xb8;
	[tilespmem:$0x9080] =	vst v63  }
0x71: {  	s6 =	sld [smem:$0x7F7]  }
0x72: {  	[tilespmem:s20], [sflag:$0x1] =	stream.indirect_vreg.gather [hbm4b:s15+s2], $0x80, v7, vm0, $0xb8;
	[tilespmem:$0x9080] =	vst v63  }
0x73: {  	_ = 	snop  }
0x74: {  	[tilespmem:s21], [sflag:$0x1] =	stream.indirect_vreg.gather [hbm4b:s6+s2], $0x80, v6, vm0, $0xb8;
	[tilespmem:$0x9080] =	vst v63  }
0x75: {  	s7 =	sld [smem:$0x7F8]  }
0x76: {  	[tilespmem:s22], [sflag:$0x1] =	stream.indirect_vreg.gather [hbm4b:s6+s2], $0x80, v7, vm0, $0xb8;
	[tilespmem:$0x9080] =	vst v63  }
0x77: {  	_ = 	snop  }
0x78: {  	[tilespmem:s23], [sflag:$0x1] =	stream.indirect_vreg.gather [hbm4b:s7+s2], $0x80, v6, vm0, $0xb8;
	[tilespmem:$0x9080] =	vst v63  }
0x79: {  	s8 =	sld [smem:$0x7F9]  }
0x7a: {  	[tilespmem:s24], [sflag:$0x1] =	stream.indirect_vreg.gather [hbm4b:s7+s2], $0x80, v7, vm0, $0xb8;
	[tilespmem:$0x9080] =	vst v63  }
0x7b: {  	_ = 	snop  }
0x7c: {  	[tilespmem:s25], [sflag:$0x1] =	stream.indirect_vreg.gather [hbm4b:s8+s2], $0x80, v6, vm0, $0xb8;
	[tilespmem:$0x9080] =	vst v63  }
0x7d: {  	s9 =	sld [smem:$0x7FA]  }
0x7e: {  	[tilespmem:s26], [sflag:$0x1] =	stream.indirect_vreg.gather [hbm4b:s8+s2], $0x80, v7, vm0, $0xb8;
	[tilespmem:$0x9080] =	vst v63  }
0x7f: {  	_ = 	snop  }
0x80: {  	[tilespmem:s28], [sflag:$0x1] =	stream.indirect_vreg.gather [hbm4b:s9+s2], $0x80, v6, vm0, $0xb8;
	[tilespmem:$0x9080] =	vst v63  }
0x81: {  	_ = 	snop  }
0x82: {  	[tilespmem:s29], [sflag:$0x1] =	stream.indirect_vreg.gather [hbm4b:s9+s2], $0x80, v7, vm0, $0xb8;
	[tilespmem:$0x9080] =	vst v63  }
0x83: {  	_ =	swait.ge [sflag:s30], $0x800  }
0x84: {  	[sflag:s30] =	ssyncset.done $0x0  }
0x85: {  	[sflag:s30] =	ssyncadd.s32 $0xFFFFF800  }
0x86: {  	_ =	swait.ge [sflag:s30], $0x800  }
0x87: {  	[sflag:s30] =	ssyncset.done $0x0  }
0x88: {  	[sflag:s30] =	ssyncadd.s32 $0xFFFFF800  }
0x89: {  	_ =	swait.ge [sflag:s30], $0x800  }
0x8a: {  	s2 =	sand.u32 $0x70, s2;
	[sflag:s30] =	ssyncset.done $0x0  }
0x8b: {  	v6 =	vmov s2;
	[sflag:s30] =	ssyncadd.s32 $0xFFFFF800  }
0x8c: {  	v6 =	vshll.u32 v6, $0x8;
	_ =	swait.ge [sflag:s30], $0x800  }
0x8d: {  	v6 =	vor.u32 v3, v6;
	[sflag:s30] =	ssyncset.done $0x0  }
0x8e: {  	s10 =	simm.s32 $0x0;
	v6 =	vand.u32 $0x7800, v6;
	[sflag:s30] =	ssyncadd.s32 $0xFFFFF800  }
0x8f: {  	s2 =	sand.u32 $0x78, s10;
	v6 =	vor.u32 v4, v6;
	_ =	swait.ge [sflag:s30], $0x800  }
0x90: {  	s13 =	simm.s32 $0x1;
	s12 =	sor.u32 $0x1, s2;
	v7 =	vor.u32 s2, v6;
	[sflag:s30] =	ssyncset.done $0x0  }
0x91: {  	s5 =	sand.u32 $0x70, s13;
	s6 =	sor.u32 $0x2, s2;
	v8 =	vor.u32 s12, v6;
	[sflag:s30] =	ssyncadd.s32 $0xFFFFF800  }
0x92: {  	v10 =	vmov s5;
	s7 =	sor.u32 $0x3, s2;
	v9 =	vor.u32 s6, v6;
	_ =	swait.ge [sflag:s30], $0x800  }
0x93: {  	v10 =	vshll.u32 v10, $0x8;
	s15 =	sor.u32 $0x4, s2;
	v11 =	vor.u32 s7, v6;
	[sflag:s30] =	ssyncset.done $0x0  }
0x94: {  	v10 =	vor.u32 v3, v10;
	s10 =	simm.s32 $0x8;
	s8 =	sor.u32 $0x5, s2;
	v12 =	vor.u32 s15, v6;
	[sflag:s30] =	ssyncadd.s32 $0xFFFFF800  }
0x95: {  	v10 =	vand.u32 $0x7800, v10;
	s9 =	sor.u32 $0x6, s2;
	v13 =	vor.u32 s8, v6;
	s7 =	sand.u32 $0x78, s10;
	v7 =	vld.idx.msk [tilespmem:v7+s17+$0x0], $0xffff  }
0x96: {  	v10 =	vor.u32 v4, v10;
	v14 =	vor.u32 s9, v6;
	s12 =	sor.u32 $0x1, s7;
	v8 =	vld.idx.msk [tilespmem:v8+s17+$0x0], $0xffff  }
0x97: {  	s13 =	sor.u32 $0x2, s7;
	v17 =	vor.u32 s12, v10;
	v15 =	vld.idx.msk [tilespmem:v9+s17+$0x0], $0xffff  }
0x98: {  	s2 =	sor.u32 $0x7, s2;
	v19 =	vor.u32 s13, v10;
	v16 =	vld.idx.msk [tilespmem:v11+s17+$0x0], $0xffff  }
0x99: {  	v6 =	vor.u32 s2, v6;
	v18 =	vld.idx.msk [tilespmem:v12+s17+$0x0], $0xffff  }
0x9a: {  	s15 =	simm.s32 $0x2;
	s8 =	sor.u32 $0x3, s7;
	v9 =	vor.u32 s7, v10;
	v20 =	vld.idx.msk [tilespmem:v13+s17+$0x0], $0xffff  }
0x9b: {  	s5 =	simm.s32 $0x60C0;
	s2 =	sand.u32 $0x70, s15;
	s9 =	sor.u32 $0x4, s7;
	v21 =	vor.u32 s8, v10;
	v22 =	vld.idx.msk [tilespmem:v14+s17+$0x0], $0xffff  }
0x9c: {  	v23 =	vor.u32 s9, v10;
	v11 =	vmov s2;
	v12 =	vld.idx.msk [tilespmem:v17+s17+$0x0], $0xffff;
	[tilespmem:s5+$0xFFFFFFC0] =	vst v7  }
0x9d: {  	s10 =	sor.u32 $0x5, s7;
	v14 =	vld.idx.msk [tilespmem:v19+s17+$0x0], $0xffff;
	v7 =	vshll.u32 v11, $0x8;
	[tilespmem:s5+$0xFFFFFFD0] =	vst v8  }
0x9e: {  	s6 =	simm.s32 $0x10;
	s12 =	sor.u32 $0x6, s7;
	v11 =	vld.idx.msk [tilespmem:v6+s17+$0x0], $0xffff;
	[tilespmem:s5+$0xFFFFFFE0] =	vst v15;
	v6 =	vor.u32 v3, v7;
	v7 =	vor.u32 s10, v10  }
0x9f: {  	s13 =	sand.u32 $0x78, s6;
	s7 =	sor.u32 $0x7, s7;
	v9 =	vld.idx.msk [tilespmem:v9+s17+$0x0], $0xffff;
	[tilespmem:s5+$0xFFFFFFF0] =	vst v16;
	v8 =	vor.u32 s12, v10;
	v6 =	vand.u32 $0x7800, v6  }
0xa0: {  	s9 =	sor.u32 $0x2, s13;
	s8 =	sor.u32 $0x3, s13;
	v17 =	vld.idx.msk [tilespmem:v21+s17+$0x0], $0xffff;
	v15 =	vor.u32 s7, v10;
	[tilespmem:s5+$0x0] =	vst v18;
	v6 =	vor.u32 v4, v6  }
0xa1: {  	s15 =	sor.u32 $0x4, s13;
	s12 =	sor.u32 $0x1, s13;
	[tilespmem:s5+$0x10] =	vst v20;
	s7 =	sor.u32 $0x7, s13;
	v18 =	vld.idx.msk [tilespmem:v23+s17+$0x0], $0xffff;
	v16 =	vor.u32 s13, v6  }
0xa2: {  	[tilespmem:s5+$0x20] =	vst v22;
	s10 =	sor.u32 $0x5, s13;
	v13 =	vor.u32 s9, v6;
	v19 =	vor.u32 s12, v6;
	s12 =	sor.u32 $0x6, s13;
	v10 =	vor.u32 s15, v6;
	s9 =	simm.s32 $0x3  }
.LBB2_22:
0xa3: {  	s6 =	sadd.s32 $0x8, s6;
	s2 =	sand.u32 $0x70, s9;
	v20 =	vor.u32 s12, v6;
	v21 =	vld.idx.msk [tilespmem:v7+s17+$0x0], $0xffff;
	v7 =	vor.u32 s10, v6;
	[tilespmem:s5+$0x30] =	vst v11;
	s5 =	sadd.s32 $0x80, s5  }
0xa4: {  	v22 =	vor.u32 s8, v6;
	v11 =	vmov s2;
	p1 =	slt.u32 s6, $0x2F8;
	[tilespmem:s5+$0xFFFFFFC0] =	vst v9;
	v23 =	vld.idx.msk [tilespmem:v8+s17+$0x0], $0xffff;
	v8 =	vmov v20  }
0xa5: {  	v9 =	vshll.u32 v11, $0x8;
	[tilespmem:s5+$0xFFFFFFD0] =	vst v12;
	v11 =	vld.idx.msk [tilespmem:v15+s17+$0x0], $0xffff  }
.Ltmp3:
0xa6: {  	v12 =	vor.u32 v3, v9;
	v9 =	vld.idx.msk [tilespmem:v16+s17+$0x0], $0xffff;
	[tilespmem:s5+$0xFFFFFFE0] =	vst v14;
	(pc) =	sbr.rel @p1 .LBB2_22-.Ltmp3, $4  }
0xa7: {  	s2 =	sand.u32 $0x78, s6;
	v16 =	vand.u32 $0x7800, v12;
	v12 =	vld.idx.msk [tilespmem:v19+s17+$0x0], $0xffff;
	[tilespmem:s5+$0xFFFFFFF0] =	vst v17  }
0xa8: {  	s10 =	sor.u32 $0x2, s2;
	s8 =	sor.u32 $0x3, s2;
	s13 =	sor.u32 $0x4, s2;
	v15 =	vor.u32 s7, v6;
	v14 =	vld.idx.msk [tilespmem:v13+s17+$0x0], $0xffff;
	v6 =	vor.u32 v4, v16;
	[tilespmem:s5+$0x0] =	vst v18  }
0xa9: {  	s7 =	sor.u32 $0x1, s2;
	s12 =	sor.u32 $0x6, s2;
	v16 =	vor.u32 s2, v6;
	v13 =	vor.u32 s10, v6;
	s10 =	sor.u32 $0x5, s2;
	v17 =	vld.idx.msk [tilespmem:v22+s17+$0x0], $0xffff;
	[tilespmem:s5+$0x10] =	vst v21  }
0xaa: {  	s9 =	sadd.s32 $0x1, s9;
	v19 =	vor.u32 s7, v6;
	s7 =	sor.u32 $0x7, s2;
	v18 =	vld.idx.msk [tilespmem:v10+s17+$0x0], $0xffff;
	v10 =	vor.u32 s13, v6;
	[tilespmem:s5+$0x20] =	vst v23  }
.Ltmp4:
0xab: {  	_ = 	snop;
	(pc) =	sbr.rel .LBB2_23-.Ltmp4, $1  }
0xac: {  	_ =	sdelay $0x3  }
.LBB2_2:
0xad: {  	_ =	sdelay $0x2  }
0xae: {  	s5 =	simm.s32 $0x0;
	s2 =	rddreg [dreg:$0xe]  }
0xaf: {  	[tilespmem:s17], [sflag:$0x1] =	stream.indirect_vreg.gather [hbm4b:s2+s5], $0x80, v6, vm0, $0xb8;
	[tilespmem:$0x9080] =	vst v63  }
0xb0: {  	_ = 	snop  }
0xb1: {  	[tilespmem:s18], [sflag:$0x1] =	stream.indirect_vreg.gather [hbm4b:s2+s5], $0x80, v7, vm0, $0xb8;
	[tilespmem:$0x9080] =	vst v63  }
0xb2: {  	s7 =	rddreg [dreg:$0x16]  }
0xb3: {  	[tilespmem:s19], [sflag:$0x1] =	stream.indirect_vreg.gather [hbm4b:s7+s5], $0x80, v6, vm0, $0xb8;
	[tilespmem:$0x9080] =	vst v63  }
0xb4: {  	_ = 	snop  }
0xb5: {  	[tilespmem:s20], [sflag:$0x1] =	stream.indirect_vreg.gather [hbm4b:s7+s5], $0x80, v7, vm0, $0xb8;
	[tilespmem:$0x9080] =	vst v63  }
0xb6: {  	s8 =	rddreg [dreg:$0x17]  }
0xb7: {  	[tilespmem:s21], [sflag:$0x1] =	stream.indirect_vreg.gather [hbm4b:s8+s5], $0x80, v6, vm0, $0xb8;
	[tilespmem:$0x9080] =	vst v63  }
0xb8: {  	_ = 	snop  }
0xb9: {  	[tilespmem:s22], [sflag:$0x1] =	stream.indirect_vreg.gather [hbm4b:s8+s5], $0x80, v7, vm0, $0xb8;
	[tilespmem:$0x9080] =	vst v63  }
0xba: {  	s9 =	rddreg [dreg:$0xf]  }
0xbb: {  	[tilespmem:s23], [sflag:$0x2] =	stream.indirect_vreg.gather [hbm4b:s9+s5], $0x80, v6, vm0, $0xb8;
	[tilespmem:$0x9080] =	vst v63  }
0xbc: {  	_ = 	snop  }
0xbd: {  	[tilespmem:s24], [sflag:$0x2] =	stream.indirect_vreg.gather [hbm4b:s9+s5], $0x80, v7, vm0, $0xb8;
	[tilespmem:$0x9080] =	vst v63  }
0xbe: {  	s10 =	rddreg [dreg:$0x18]  }
0xbf: {  	[tilespmem:s25], [sflag:$0x2] =	stream.indirect_vreg.gather [hbm4b:s10+s5], $0x80, v6, vm0, $0xb8;
	[tilespmem:$0x9080] =	vst v63  }
0xc0: {  	_ = 	snop  }
0xc1: {  	[tilespmem:s26], [sflag:$0x2] =	stream.indirect_vreg.gather [hbm4b:s10+s5], $0x80, v7, vm0, $0xb8;
	[tilespmem:$0x9080] =	vst v63  }
0xc2: {  	s12 =	rddreg [dreg:$0x19]  }
0xc3: {  	[tilespmem:s28], [sflag:$0x2] =	stream.indirect_vreg.gather [hbm4b:s12+s5], $0x80, v6, vm0, $0xb8;
	[tilespmem:$0x9080] =	vst v63  }
0xc4: {  	s6 =	sand.u32 $0x30, s5  }
0xc5: {  	v8 =	vmov s6;
	[tilespmem:s29], [sflag:$0x2] =	stream.indirect_vreg.gather [hbm4b:s12+s5], $0x80, v7, vm0, $0xb8;
	[tilespmem:$0x9080] =	vst v63  }
0xc6: {  	v8 =	vshll.u32 v8, $0x8;
	_ =	swait.ge [sflag:s30], $0x800  }
0xc7: {  	v8 =	vor.u32 v3, v8;
	[sflag:s30] =	ssyncset.done $0x0  }
0xc8: {  	s13 =	simm.s32 $0x0;
	v8 =	vand.u32 $0x3800, v8;
	[sflag:s30] =	ssyncadd.s32 $0xFFFFF800  }
0xc9: {  	v8 =	vor.u32 v4, v8;
	s5 =	sand.u32 $0x78, s13;
	_ =	swait.ge [sflag:s30], $0x800  }
0xca: {  	s15 =	simm.s32 $0x1;
	v9 =	vor.u32 s5, v8;
	s14 =	sor.u32 $0x1, s5;
	[sflag:s30] =	ssyncset.done $0x0  }
0xcb: {  	s6 =	sand.u32 $0x30, s15;
	s7 =	sor.u32 $0x2, s5;
	v10 =	vor.u32 s14, v8;
	[sflag:s30] =	ssyncadd.s32 $0xFFFFF800  }
0xcc: {  	v12 =	vmov s6;
	s8 =	sor.u32 $0x3, s5;
	v11 =	vor.u32 s7, v8;
	_ =	swait.ge [sflag:s30], $0x800  }
0xcd: {  	v12 =	vshll.u32 v12, $0x8;
	s2 =	sor.u32 $0x4, s5;
	v13 =	vor.u32 s8, v8;
	[sflag:s30] =	ssyncset.done $0x0  }
0xce: {  	v12 =	vor.u32 v3, v12;
	s12 =	simm.s32 $0x8;
	s9 =	sor.u32 $0x5, s5;
	v14 =	vor.u32 s2, v8;
	[sflag:s30] =	ssyncadd.s32 $0xFFFFF800  }
0xcf: {  	v12 =	vand.u32 $0x3800, v12;
	s10 =	sor.u32 $0x6, s5;
	v15 =	vor.u32 s9, v8;
	s7 =	sand.u32 $0x78, s12;
	v9 =	vld.idx.msk [tilespmem:v9+s17+$0x0], $0xffff  }
0xd0: {  	v12 =	vor.u32 v4, v12;
	v16 =	vor.u32 s10, v8;
	s13 =	sor.u32 $0x1, s7;
	v10 =	vld.idx.msk [tilespmem:v10+s17+$0x0], $0xffff  }
0xd1: {  	s6 =	sor.u32 $0x2, s7;
	v19 =	vor.u32 s13, v12;
	v17 =	vld.idx.msk [tilespmem:v11+s17+$0x0], $0xffff  }
0xd2: {  	s5 =	sor.u32 $0x7, s5;
	v21 =	vor.u32 s6, v12;
	v18 =	vld.idx.msk [tilespmem:v13+s17+$0x0], $0xffff  }
0xd3: {  	v8 =	vor.u32 s5, v8;
	v20 =	vld.idx.msk [tilespmem:v14+s17+$0x0], $0xffff  }
0xd4: {  	s14 =	simm.s32 $0x2;
	s9 =	sor.u32 $0x3, s7;
	v11 =	vor.u32 s7, v12;
	v22 =	vld.idx.msk [tilespmem:v15+s17+$0x0], $0xffff  }
0xd5: {  	s5 =	simm.s32 $0x60C0;
	s15 =	sand.u32 $0x30, s14;
	s2 =	sor.u32 $0x4, s7;
	v23 =	vor.u32 s9, v12;
	v24 =	vld.idx.msk [tilespmem:v16+s17+$0x0], $0xffff  }
0xd6: {  	v25 =	vor.u32 s2, v12;
	v13 =	vmov s15;
	v14 =	vld.idx.msk [tilespmem:v19+s17+$0x0], $0xffff;
	[tilespmem:s5+$0xFFFFFFC0] =	vst v9  }
0xd7: {  	s10 =	sor.u32 $0x5, s7;
	v16 =	vld.idx.msk [tilespmem:v21+s17+$0x0], $0xffff;
	v9 =	vshll.u32 v13, $0x8;
	[tilespmem:s5+$0xFFFFFFD0] =	vst v10  }
0xd8: {  	s12 =	sor.u32 $0x6, s7;
	s6 =	simm.s32 $0x10;
	v13 =	vld.idx.msk [tilespmem:v8+s17+$0x0], $0xffff;
	[tilespmem:s5+$0xFFFFFFE0] =	vst v17;
	v8 =	vor.u32 v3, v9;
	v9 =	vor.u32 s10, v12  }
0xd9: {  	s13 =	sand.u32 $0x78, s6;
	s7 =	sor.u32 $0x7, s7;
	v11 =	vld.idx.msk [tilespmem:v11+s17+$0x0], $0xffff;
	[tilespmem:s5+$0xFFFFFFF0] =	vst v18;
	v10 =	vor.u32 s12, v12;
	v8 =	vand.u32 $0x3800, v8  }
0xda: {  	s9 =	simm.s32 $0x3;
	s14 =	sor.u32 $0x2, s13;
	v19 =	vld.idx.msk [tilespmem:v23+s17+$0x0], $0xffff;
	v17 =	vor.u32 s7, v12;
	[tilespmem:s5+$0x0] =	vst v20;
	v8 =	vor.u32 v4, v8  }
0xdb: {  	s8 =	sor.u32 $0x3, s13;
	s15 =	sor.u32 $0x4, s13;
	s12 =	sor.u32 $0x1, s13;
	[tilespmem:s5+$0x10] =	vst v22;
	v20 =	vld.idx.msk [tilespmem:v25+s17+$0x0], $0xffff;
	v18 =	vor.u32 s13, v8  }
0xdc: {  	s7 =	sor.u32 $0x7, s13;
	[tilespmem:s5+$0x20] =	vst v24;
	s10 =	sor.u32 $0x5, s13;
	v15 =	vor.u32 s14, v8;
	v21 =	vor.u32 s12, v8;
	s12 =	sor.u32 $0x6, s13;
	v12 =	vor.u32 s15, v8  }
.LBB2_3:
0xdd: {  	s6 =	sadd.s32 $0x8, s6;
	s13 =	sand.u32 $0x30, s9;
	v22 =	vor.u32 s12, v8;
	v23 =	vld.idx.msk [tilespmem:v9+s17+$0x0], $0xffff;
	v9 =	vor.u32 s10, v8;
	[tilespmem:s5+$0x30] =	vst v13;
	s5 =	sadd.s32 $0x80, s5  }
0xde: {  	v24 =	vor.u32 s8, v8;
	v13 =	vmov s13;
	p1 =	slt.u32 s6, $0x178;
	[tilespmem:s5+$0xFFFFFFC0] =	vst v11;
	v25 =	vld.idx.msk [tilespmem:v10+s17+$0x0], $0xffff;
	v10 =	vmov v22  }
0xdf: {  	v11 =	vshll.u32 v13, $0x8;
	[tilespmem:s5+$0xFFFFFFD0] =	vst v14;
	v13 =	vld.idx.msk [tilespmem:v17+s17+$0x0], $0xffff  }
.Ltmp5:
0xe0: {  	v14 =	vor.u32 v3, v11;
	v11 =	vld.idx.msk [tilespmem:v18+s17+$0x0], $0xffff;
	[tilespmem:s5+$0xFFFFFFE0] =	vst v16;
	(pc) =	sbr.rel @p1 .LBB2_3-.Ltmp5, $4  }
0xe1: {  	s13 =	sand.u32 $0x78, s6;
	v18 =	vand.u32 $0x3800, v14;
	v14 =	vld.idx.msk [tilespmem:v21+s17+$0x0], $0xffff;
	[tilespmem:s5+$0xFFFFFFF0] =	vst v19  }
0xe2: {  	s10 =	sor.u32 $0x2, s13;
	s8 =	sor.u32 $0x3, s13;
	s14 =	sor.u32 $0x4, s13;
	v17 =	vor.u32 s7, v8;
	v16 =	vld.idx.msk [tilespmem:v15+s17+$0x0], $0xffff;
	v8 =	vor.u32 v4, v18;
	[tilespmem:s5+$0x0] =	vst v20  }
0xe3: {  	s7 =	sor.u32 $0x1, s13;
	s12 =	sor.u32 $0x6, s13;
	v18 =	vor.u32 s13, v8;
	v15 =	vor.u32 s10, v8;
	s10 =	sor.u32 $0x5, s13;
	v19 =	vld.idx.msk [tilespmem:v24+s17+$0x0], $0xffff;
	[tilespmem:s5+$0x10] =	vst v23  }
0xe4: {  	s9 =	sadd.s32 $0x1, s9;
	v21 =	vor.u32 s7, v8;
	s7 =	sor.u32 $0x7, s13;
	v20 =	vld.idx.msk [tilespmem:v12+s17+$0x0], $0xffff;
	v12 =	vor.u32 s14, v8;
	[tilespmem:s5+$0x20] =	vst v25  }
0xe5: {  	_ =	sdelay $0x2  }
0xe6: {  	[tilespmem:s5+$0x30] =	vst v13;
	s6 =	sadd.s32 $0x80, s5  }
0xe7: {  	v9 =	vld.idx.msk [tilespmem:v9+s17+$0x0], $0xffff;
	[tilespmem:s6+$0xFFFFFFC0] =	vst v11  }
0xe8: {  	v10 =	vld.idx.msk [tilespmem:v10+s17+$0x0], $0xffff;
	[tilespmem:s6+$0xFFFFFFD0] =	vst v14  }
0xe9: {  	v13 =	vld.idx.msk [tilespmem:v17+s17+$0x0], $0xffff;
	v17 =	vor.u32 s12, v8;
	[tilespmem:s6+$0xFFFFFFE0] =	vst v16  }
0xea: {  	v15 =	vld.idx.msk [tilespmem:v15+s17+$0x0], $0xffff;
	v11 =	vor.u32 s8, v8;
	[tilespmem:s6+$0xFFFFFFF0] =	vst v19  }
0xeb: {  	v14 =	vor.u32 s10, v8;
	v16 =	vld.idx.msk [tilespmem:v18+s17+$0x0], $0xffff;
	[tilespmem:s6+$0x0] =	vst v20  }
0xec: {  	v8 =	vor.u32 s7, v8;
	v18 =	vld.idx.msk [tilespmem:v21+s17+$0x0], $0xffff;
	[tilespmem:s6+$0x10] =	vst v9  }
0xed: {  	[tilespmem:s6+$0x20] =	vst v10;
	v10 =	vld.idx.msk [tilespmem:v12+s17+$0x0], $0xffff  }
0xee: {  	s5 =	sadd.s32 $0x80, s6;
	[tilespmem:s6+$0x30] =	vst v13;
	v12 =	vld.idx.msk [tilespmem:v17+s17+$0x0], $0xffff  }
0xef: {  	[tilespmem:s5+$0xFFFFFFE0] =	vst v15;
	v9 =	vld.idx.msk [tilespmem:v11+s17+$0x0], $0xffff  }
0xf0: {  	v11 =	vld.idx.msk [tilespmem:v14+s17+$0x0], $0xffff;
	[tilespmem:s5+$0xFFFFFFC0] =	vst v16  }
0xf1: {  	v8 =	vld.idx.msk [tilespmem:v8+s17+$0x0], $0xffff;
	[tilespmem:s5+$0xFFFFFFD0] =	vst v18  }
0xf2: {  	[tilespmem:s5+$0x0] =	vst v10  }
0xf3: {  	[tilespmem:s5+$0x20] =	vst v12  }
0xf4: {  	[tilespmem:s5+$0xFFFFFFF0] =	vst v9  }
0xf5: {  	[tilespmem:s5+$0x10] =	vst v11  }
0xf6: {  	[tilespmem:s5+$0x30] =	vst v8  }
0xf7: {  	s8 =	simm.s32 $0x0;
	s2 =	rddreg [dreg:$0x5]  }
0xf8: {  	[hbm4b:s2+s8] =	stream.linear.scatter [tilespmem:s31], [sflag:$0x3], $0x1800, $0x38;
	[tilespmem:$0x9080] =	vst v63  }
0xf9: {  	s9 =	rddreg [dreg:$0x10]  }
0xfa: {  	[tilespmem:s17], [sflag:$0x1] =	stream.indirect_vreg.gather [hbm4b:s9+s8], $0x80, v6, vm0, $0xb8;
	[tilespmem:$0x9080] =	vst v63  }
0xfb: {  	_ = 	snop  }
0xfc: {  	[tilespmem:s18], [sflag:$0x1] =	stream.indirect_vreg.gather [hbm4b:s9+s8], $0x80, v7, vm0, $0xb8;
	[tilespmem:$0x9080] =	vst v63  }
0xfd: {  	s10 =	rddreg [dreg:$0x1a]  }
0xfe: {  	[tilespmem:s19], [sflag:$0x1] =	stream.indirect_vreg.gather [hbm4b:s10+s8], $0x80, v6, vm0, $0xb8;
	[tilespmem:$0x9080] =	vst v63  }
0xff: {  	_ = 	snop  }
0x100: {  	[tilespmem:s20], [sflag:$0x1] =	stream.indirect_vreg.gather [hbm4b:s10+s8], $0x80, v7, vm0, $0xb8;
	[tilespmem:$0x9080] =	vst v63  }
0x101: {  	s6 =	sand.u32 $0x30, s8;
	s12 =	rddreg [dreg:$0x1b]  }
0x102: {  	[tilespmem:s21], [sflag:$0x1] =	stream.indirect_vreg.gather [hbm4b:s12+s8], $0x80, v6, vm0, $0xb8;
	[tilespmem:$0x9080] =	vst v63  }
0x103: {  	s6 =	sadd.s32 $0x30, s6  }
0x104: {  	v8 =	vmov s6;
	[tilespmem:s22], [sflag:$0x1] =	stream.indirect_vreg.gather [hbm4b:s12+s8], $0x80, v7, vm0, $0xb8;
	[tilespmem:$0x9080] =	vst v63  }
0x105: {  	v8 =	vshll.u32 v8, $0x8;
	_ =	swait.ge [sflag:s0], $0x800  }
0x106: {  	v8 =	vor.u32 v3, v8;
	[sflag:s0] =	ssyncset.done $0x0  }
0x107: {  	s13 =	simm.s32 $0x0;
	v8 =	vand.u32 $0x7800, v8;
	[sflag:s0] =	ssyncadd.s32 $0xFFFFF800  }
0x108: {  	s5 =	sand.u32 $0x78, s13;
	v8 =	vor.u32 v4, v8;
	_ =	swait.ge [sflag:s0], $0x800  }
0x109: {  	s15 =	simm.s32 $0x1;
	s14 =	sor.u32 $0x7, s5;
	v9 =	vor.u32 s5, v8;
	[sflag:s0] =	ssyncset.done $0x0  }
0x10a: {  	s7 =	sand.u32 $0x30, s15;
	s2 =	sor.u32 $0x1, s5;
	v10 =	vor.u32 s14, v8;
	[sflag:s0] =	ssyncadd.s32 $0xFFFFF800  }
0x10b: {  	s6 =	sadd.s32 $0x30, s7;
	v11 =	vor.u32 s2, v8;
	s8 =	sor.u32 $0x4, s5;
	_ =	swait.ge [sflag:s0], $0x800  }
0x10c: {  	v13 =	vmov s6;
	s9 =	sor.u32 $0x6, s5;
	v12 =	vor.u32 s8, v8;
	[sflag:s0] =	ssyncset.done $0x0  }
0x10d: {  	v13 =	vshll.u32 v13, $0x8;
	v14 =	vor.u32 s9, v8;
	s10 =	sor.u32 $0x5, s5;
	[sflag:s0] =	ssyncadd.s32 $0xFFFFF800  }
0x10e: {  	v13 =	vor.u32 v3, v13;
	v15 =	vor.u32 s10, v8;
	s12 =	sor.u32 $0x3, s5;
	s5 =	sor.u32 $0x2, s5;
	v16 =	vld.idx.msk [tilespmem:v9+s17+$0x0], $0xffff  }
0x10f: {  	s13 =	simm.s32 $0x8;
	v13 =	vand.u32 $0x7800, v13;
	v17 =	vor.u32 s5, v8;
	v10 =	vld.idx.msk [tilespmem:v10+s17+$0x0], $0xffff  }
0x110: {  	s14 =	sand.u32 $0x78, s13;
	v13 =	vor.u32 v4, v13;
	v9 =	vor.u32 s12, v8;
	v11 =	vld.idx.msk [tilespmem:v11+s17+$0x0], $0xffff  }
0x111: {  	s15 =	simm.s32 $0x2;
	s6 =	sor.u32 $0x7, s14;
	v18 =	vor.u32 s14, v13;
	v12 =	vld.idx.msk [tilespmem:v12+s17+$0x0], $0xffff  }
0x112: {  	s7 =	sand.u32 $0x30, s15;
	v19 =	vor.u32 s6, v13;
	s9 =	sor.u32 $0x4, s14;
	v14 =	vld.idx.msk [tilespmem:v14+s17+$0x0], $0xffff  }
0x113: {  	s7 =	sadd.s32 $0x30, s7;
	s2 =	sor.u32 $0x1, s14;
	s6 =	simm.s32 $0x78F0;
	v25 =	vld.idx.msk [tilespmem:v15+s17+$0x0], $0xffff;
	v15 =	vor.u32 s9, v13  }
0x114: {  	v21 =	vmov s7;
	v20 =	vor.u32 s2, v13;
	v17 =	vld.idx.msk [tilespmem:v17+s17+$0x0], $0xffff;
	[tilespmem:s6+$0x0] =	vst v10  }
0x115: {  	s13 =	sor.u32 $0x6, s14;
	s10 =	simm.s32 $0x10;
	s12 =	sor.u32 $0x3, s14;
	v8 =	vld.idx.msk [tilespmem:v9+s17+$0x0], $0xffff;
	v9 =	vshll.u32 v21, $0x8;
	[tilespmem:s6+$0xFFFFFFA0] =	vst v11  }
0x116: {  	s7 =	sand.u32 $0x78, s10;
	s9 =	sor.u32 $0x2, s14;
	s14 =	sor.u32 $0x5, s14;
	v11 =	vld.idx.msk [tilespmem:v18+s17+$0x0], $0xffff;
	v10 =	vor.u32 s12, v13;
	[tilespmem:s6+$0xFFFFFF90] =	vst v16;
	v16 =	vor.u32 s13, v13;
	v21 =	vor.u32 v3, v9  }
0x117: {  	s10 =	simm.s32 $0x3;
	s15 =	sor.u32 $0x1, s7;
	s2 =	sor.u32 $0x3, s7;
	[tilespmem:s6+$0xFFFFFFD0] =	vst v12;
	v18 =	vld.idx.msk [tilespmem:v19+s17+$0x0], $0xffff;
	v9 =	vor.u32 s9, v13;
	v13 =	vor.u32 s14, v13;
	v12 =	vand.u32 $0x7800, v21  }
0x118: {  	s8 =	simm.s32 $0x18;
	s5 =	simm.s32 $0x7970;
	s13 =	sor.u32 $0x7, s7;
	[tilespmem:s6+$0xFFFFFFF0] =	vst v14;
	v22 =	vld.idx.msk [tilespmem:v15+s17+$0x0], $0xffff;
	v23 =	vor.u32 v4, v12  }
0x119: {  	s12 =	sor.u32 $0x5, s7;
	s14 =	sor.u32 $0x2, s7;
	v21 =	vld.idx.msk [tilespmem:v20+s17+$0x0], $0xffff;
	v14 =	vor.u32 s7, v23;
	v12 =	vor.u32 s15, v23;
	s15 =	sor.u32 $0x6, s7;
	v20 =	vor.u32 s13, v23  }
0x11a: {  	[tilespmem:s6+$0xFFFFFFE0] =	vst v25;
	s9 =	simm.s32 $0x18;
	s13 =	sor.u32 $0x4, s7;
	v15 =	vor.u32 s14, v23;
	v19 =	vor.u32 s2, v23;
	s7 =	simm.s32 $0x7970;
	v24 =	vor.u32 s15, v23  }
.LBB2_5:
0x11b: {  	s8 =	sadd.s32 $0x8, s8;
	s14 =	sand.u32 $0x30, s10;
	v25 =	vor.u32 s13, v23;
	v28 =	vor.u32 s12, v23;
	v26 =	vld.idx.msk [tilespmem:v16+s17+$0x0], $0xffff;
	s5 =	sadd.s32 $0x80, s5;
	[tilespmem:s6+$0xFFFFFFB0] =	vst v17;
	v16 =	vmov v24  }
0x11c: {  	v23 =	vmov v11;
	p1 =	slt.u32 s8, $0x178;
	s12 =	sadd.s32 $0x30, s14;
	v27 =	vld.idx.msk [tilespmem:v13+s17+$0x0], $0xffff;
	[tilespmem:s6+$0xFFFFFFC0] =	vst v8;
	v13 =	vmov v28;
	s6 =	smov.u32 s7  }
0x11d: {  	s7 =	smov.u32 s5;
	v11 =	vmov s12;
	v8 =	vld.idx.msk [tilespmem:v10+s17+$0x0], $0xffff;
	[tilespmem:s6+$0x0] =	vst v18;
	v10 =	vmov v19  }
0x11e: {  	v11 =	vshll.u32 v11, $0x8;
	[tilespmem:s6+$0xFFFFFFA0] =	vst v21;
	v17 =	vld.idx.msk [tilespmem:v9+s17+$0x0], $0xffff;
	v9 =	vmov v15  }
.Ltmp6:
0x11f: {  	v15 =	vor.u32 v3, v11;
	v11 =	vld.idx.msk [tilespmem:v14+s17+$0x0], $0xffff;
	[tilespmem:s6+$0xFFFFFFD0] =	vst v22;
	(pc) =	sbr.rel @p1 .LBB2_5-.Ltmp6, $4  }
0x120: {  	s12 =	sand.u32 $0x78, s9;
	s9 =	smov.u32 s8;
	v14 =	vand.u32 $0x7800, v15;
	v18 =	vld.idx.msk [tilespmem:v20+s17+$0x0], $0xffff;
	[tilespmem:s6+$0xFFFFFF90] =	vst v23  }
0x121: {  	s13 =	sor.u32 $0x1, s12;
	s14 =	sor.u32 $0x3, s12;
	s15 =	sor.u32 $0x7, s12;
	v23 =	vor.u32 v4, v14;
	v21 =	vld.idx.msk [tilespmem:v12+s17+$0x0], $0xffff;
	[tilespmem:s6+$0xFFFFFFF0] =	vst v26  }
0x122: {  	s2 =	sor.u32 $0x6, s12;
	v14 =	vor.u32 s12, v23;
	v12 =	vor.u32 s13, v23;
	s13 =	sor.u32 $0x2, s12;
	v20 =	vor.u32 s15, v23;
	v22 =	vld.idx.msk [tilespmem:v25+s17+$0x0], $0xffff  }
0x123: {  	s10 =	sadd.s32 $0x1, s10;
	v19 =	vor.u32 s14, v23;
	v24 =	vor.u32 s2, v23;
	v15 =	vor.u32 s13, v23;
	s13 =	sor.u32 $0x4, s12;
	s12 =	sor.u32 $0x5, s12;
	[tilespmem:s6+$0xFFFFFFE0] =	vst v27  }
0x124: {  	_ =	sdelay $0x3  }
0x125: {  	[tilespmem:s6+$0xFFFFFFB0] =	vst v17;
	v16 =	vld.idx.msk [tilespmem:v16+s17+$0x0], $0xffff  }
0x126: {  	s2 =	sand.u32 $0x30, s10;
	[tilespmem:s6+$0xFFFFFFC0] =	vst v8;
	v13 =	vld.idx.msk [tilespmem:v13+s17+$0x0], $0xffff  }
0x127: {  	v8 =	vor.u32 s13, v23;
	v9 =	vld.idx.msk [tilespmem:v9+s17+$0x0], $0xffff;
	[tilespmem:s7+$0xFFFFFF90] =	vst v11;
	s2 =	sadd.s32 $0x30, s2  }
0x128: {  	v10 =	vld.idx.msk [tilespmem:v10+s17+$0x0], $0xffff;
	[tilespmem:s7+$0x0] =	vst v18;
	v17 =	vmov s2  }
0x129: {  	v20 =	vld.idx.msk [tilespmem:v20+s17+$0x0], $0xffff;
	[tilespmem:s7+$0xFFFFFFA0] =	vst v21;
	v17 =	vshll.u32 v17, $0x8  }
0x12a: {  	v12 =	vld.idx.msk [tilespmem:v12+s17+$0x0], $0xffff;
	v18 =	vor.u32 s12, v23;
	[tilespmem:s7+$0xFFFFFFD0] =	vst v22;
	v17 =	vor.u32 v3, v17  }
0x12b: {  	s14 =	sand.u32 $0x78, s9;
	v19 =	vld.idx.msk [tilespmem:v19+s17+$0x0], $0xffff;
	v11 =	vand.u32 $0x7800, v17;
	[tilespmem:s7+$0xFFFFFFF0] =	vst v16  }
0x12c: {  	s15 =	sor.u32 $0x7, s14;
	v8 =	vld.idx.msk [tilespmem:v8+s17+$0x0], $0xffff;
	[tilespmem:s7+$0xFFFFFFE0] =	vst v13;
	v11 =	vor.u32 v4, v11  }
0x12d: {  	s8 =	sor.u32 $0x1, s14;
	v13 =	vld.idx.msk [tilespmem:v14+s17+$0x0], $0xffff;
	[tilespmem:s7+$0xFFFFFFB0] =	vst v9;
	v14 =	vor.u32 s15, v11  }
0x12e: {  	s5 =	sadd.s32 $0x80, s5;
	v16 =	vld.idx.msk [tilespmem:v24+s17+$0x0], $0xffff;
	[tilespmem:s7+$0xFFFFFFC0] =	vst v10;
	v9 =	vor.u32 s8, v11  }
0x12f: {  	s9 =	sor.u32 $0x6, s14;
	[tilespmem:s5+$0x0] =	vst v20;
	v17 =	vld.idx.msk [tilespmem:v18+s17+$0x0], $0xffff;
	v18 =	vor.u32 s14, v11  }
0x130: {  	[tilespmem:s5+$0xFFFFFFA0] =	vst v12;
	v12 =	vld.idx.msk [tilespmem:v15+s17+$0x0], $0xffff;
	s8 =	sor.u32 $0x4, s14;
	v15 =	vor.u32 s9, v11  }
0x131: {  	s10 =	sor.u32 $0x5, s14;
	[tilespmem:s5+$0xFFFFFFC0] =	vst v19;
	v10 =	vor.u32 s8, v11  }
0x132: {  	s12 =	sor.u32 $0x2, s14;
	s2 =	sor.u32 $0x3, s14;
	[tilespmem:s5+$0xFFFFFFD0] =	vst v8;
	v8 =	vor.u32 s10, v11;
	v14 =	vld.idx.msk [tilespmem:v14+s17+$0x0], $0xffff  }
0x133: {  	[tilespmem:s5+$0xFFFFFF90] =	vst v13;
	v13 =	vor.u32 s12, v11;
	v11 =	vor.u32 s2, v11;
	v9 =	vld.idx.msk [tilespmem:v9+s17+$0x0], $0xffff  }
0x134: {  	[tilespmem:s5+$0xFFFFFFF0] =	vst v16;
	v16 =	vld.idx.msk [tilespmem:v18+s17+$0x0], $0xffff  }
0x135: {  	[tilespmem:s5+$0xFFFFFFB0] =	vst v12;
	v12 =	vld.idx.msk [tilespmem:v15+s17+$0x0], $0xffff  }
0x136: {  	s13 =	sadd.s32 $0x80, s5;
	[tilespmem:s5+$0xFFFFFFE0] =	vst v17;
	v10 =	vld.idx.msk [tilespmem:v10+s17+$0x0], $0xffff  }
0x137: {  	v8 =	vld.idx.msk [tilespmem:v8+s17+$0x0], $0xffff;
	[tilespmem:s13+$0x0] =	vst v14  }
0x138: {  	v11 =	vld.idx.msk [tilespmem:v11+s17+$0x0], $0xffff;
	[tilespmem:s13+$0xFFFFFFA0] =	vst v9  }
0x139: {  	v9 =	vld.idx.msk [tilespmem:v13+s17+$0x0], $0xffff;
	[tilespmem:s13+$0xFFFFFF90] =	vst v16  }
0x13a: {  	[tilespmem:s13+$0xFFFFFFF0] =	vst v12  }
0x13b: {  	[tilespmem:s13+$0xFFFFFFD0] =	vst v10  }
0x13c: {  	[tilespmem:s13+$0xFFFFFFE0] =	vst v8  }
0x13d: {  	[tilespmem:s13+$0xFFFFFFC0] =	vst v11  }
0x13e: {  	[tilespmem:s13+$0xFFFFFFB0] =	vst v9  }
0x13f: {  	s14 =	simm.s32 $0x0;
	s15 =	simm.s32 $0x7880;
	s5 =	rddreg [dreg:$0x6]  }
0x140: {  	[hbm4b:s5+s14] =	stream.linear.scatter [tilespmem:s15], [sflag:$0x4], $0x1800, $0x38;
	[tilespmem:$0x9080] =	vst v63  }
0x141: {  	s6 =	rddreg [dreg:$0x11]  }
0x142: {  	[tilespmem:s23], [sflag:$0x2] =	stream.indirect_vreg.gather [hbm4b:s6+s14], $0x80, v6, vm0, $0xb8;
	[tilespmem:$0x9080] =	vst v63  }
0x143: {  	_ = 	snop  }
0x144: {  	[tilespmem:s24], [sflag:$0x2] =	stream.indirect_vreg.gather [hbm4b:s6+s14], $0x80, v7, vm0, $0xb8;
	[tilespmem:$0x9080] =	vst v63  }
0x145: {  	s7 =	rddreg [dreg:$0x1c]  }
0x146: {  	[tilespmem:s25], [sflag:$0x2] =	stream.indirect_vreg.gather [hbm4b:s7+s14], $0x80, v6, vm0, $0xb8;
	[tilespmem:$0x9080] =	vst v63  }
0x147: {  	_ = 	snop  }
0x148: {  	[tilespmem:s26], [sflag:$0x2] =	stream.indirect_vreg.gather [hbm4b:s7+s14], $0x80, v7, vm0, $0xb8;
	[tilespmem:$0x9080] =	vst v63  }
0x149: {  	s8 =	rddreg [dreg:$0x1d]  }
0x14a: {  	[tilespmem:s28], [sflag:$0x2] =	stream.indirect_vreg.gather [hbm4b:s8+s14], $0x80, v6, vm0, $0xb8;
	[tilespmem:$0x9080] =	vst v63  }
0x14b: {  	_ = 	snop  }
0x14c: {  	[tilespmem:s29], [sflag:$0x2] =	stream.indirect_vreg.gather [hbm4b:s8+s14], $0x80, v7, vm0, $0xb8;
	[tilespmem:$0x9080] =	vst v63  }
0x14d: {  	_ =	swait.ge [sflag:s11], $0x1800  }
0x14e: {  	s2 =	sand.u32 $0x30, s14;
	[sflag:s11] =	ssyncset.done $0x0  }
0x14f: {  	v8 =	vmov s2;
	[sflag:s11] =	ssyncadd.s32 $0xFFFFE800  }
0x150: {  	v8 =	vshll.u32 v8, $0x8;
	_ =	swait.ge [sflag:s30], $0x800  }
0x151: {  	v8 =	vor.u32 v3, v8;
	[sflag:s30] =	ssyncset.done $0x0  }
0x152: {  	s9 =	simm.s32 $0x0;
	v8 =	vand.u32 $0x3800, v8;
	[sflag:s30] =	ssyncadd.s32 $0xFFFFF800  }
0x153: {  	s2 =	sand.u32 $0x78, s9;
	v8 =	vor.u32 v4, v8;
	_ =	swait.ge [sflag:s30], $0x800  }
0x154: {  	s10 =	sor.u32 $0x1, s2;
	s13 =	simm.s32 $0x1;
	v9 =	vor.u32 s2, v8;
	[sflag:s30] =	ssyncset.done $0x0  }
0x155: {  	s12 =	sor.u32 $0x2, s2;
	s5 =	sand.u32 $0x30, s13;
	v10 =	vor.u32 s10, v8;
	[sflag:s30] =	ssyncadd.s32 $0xFFFFF800  }
0x156: {  	v11 =	vor.u32 s12, v8;
	v12 =	vmov s5;
	s14 =	sor.u32 $0x3, s2;
	_ =	swait.ge [sflag:s30], $0x800  }
0x157: {  	s15 =	sor.u32 $0x4, s2;
	v12 =	vshll.u32 v12, $0x8;
	v13 =	vor.u32 s14, v8;
	[sflag:s30] =	ssyncset.done $0x0  }
0x158: {  	v14 =	vor.u32 s15, v8;
	s10 =	simm.s32 $0x8;
	v12 =	vor.u32 v3, v12;
	s8 =	sor.u32 $0x5, s2;
	[sflag:s30] =	ssyncadd.s32 $0xFFFFF800  }
0x159: {  	s9 =	sor.u32 $0x6, s2;
	v12 =	vand.u32 $0x3800, v12;
	s7 =	sand.u32 $0x78, s10;
	v15 =	vor.u32 s8, v8;
	v9 =	vld.idx.msk [tilespmem:v9+s17+$0x0], $0xffff  }
0x15a: {  	v16 =	vor.u32 s9, v8;
	v12 =	vor.u32 v4, v12;
	s12 =	sor.u32 $0x1, s7;
	v10 =	vld.idx.msk [tilespmem:v10+s17+$0x0], $0xffff  }
0x15b: {  	s13 =	sor.u32 $0x2, s7;
	v19 =	vor.u32 s12, v12;
	v17 =	vld.idx.msk [tilespmem:v11+s17+$0x0], $0xffff  }
0x15c: {  	v21 =	vor.u32 s13, v12;
	s2 =	sor.u32 $0x7, s2;
	v18 =	vld.idx.msk [tilespmem:v13+s17+$0x0], $0xffff  }
0x15d: {  	v8 =	vor.u32 s2, v8;
	v20 =	vld.idx.msk [tilespmem:v14+s17+$0x0], $0xffff  }
0x15e: {  	s15 =	sor.u32 $0x3, s7;
	s14 =	simm.s32 $0x2;
	v11 =	vor.u32 s7, v12;
	v22 =	vld.idx.msk [tilespmem:v15+s17+$0x0], $0xffff  }
0x15f: {  	s5 =	simm.s32 $0x60C0;
	s9 =	sor.u32 $0x4, s7;
	v23 =	vor.u32 s15, v12;
	s2 =	sand.u32 $0x30, s14;
	v63 =	vld.idx.msk [tilespmem:v16+s17+$0x0], $0xffff  }
0x160: {  	v25 =	vor.u32 s9, v12;
	v13 =	vmov s2;
	v14 =	vld.idx.msk [tilespmem:v19+s17+$0x0], $0xffff;
	[tilespmem:s5+$0xFFFFFFC0] =	vst v9  }
0x161: {  	s10 =	sor.u32 $0x5, s7;
	v16 =	vld.idx.msk [tilespmem:v21+s17+$0x0], $0xffff;
	v9 =	vshll.u32 v13, $0x8;
	[tilespmem:s5+$0xFFFFFFD0] =	vst v10  }
0x162: {  	s6 =	simm.s32 $0x10;
	s12 =	sor.u32 $0x6, s7;
	v13 =	vld.idx.msk [tilespmem:v8+s17+$0x0], $0xffff;
	[tilespmem:s5+$0xFFFFFFE0] =	vst v17;
	v8 =	vor.u32 v3, v9;
	v9 =	vor.u32 s10, v12  }
0x163: {  	s7 =	sor.u32 $0x7, s7;
	s2 =	sand.u32 $0x78, s6;
	v11 =	vld.idx.msk [tilespmem:v11+s17+$0x0], $0xffff;
	[tilespmem:s5+$0xFFFFFFF0] =	vst v18;
	v10 =	vor.u32 s12, v12;
	v8 =	vand.u32 $0x3800, v8  }
0x164: {  	s9 =	simm.s32 $0x3;
	v19 =	vld.idx.msk [tilespmem:v23+s17+$0x0], $0xffff;
	s13 =	sor.u32 $0x2, s2;
	v17 =	vor.u32 s7, v12;
	[tilespmem:s5+$0x0] =	vst v20;
	v8 =	vor.u32 v4, v8  }
0x165: {  	s8 =	sor.u32 $0x3, s2;
	s14 =	sor.u32 $0x4, s2;
	s15 =	sor.u32 $0x1, s2;
	[tilespmem:s5+$0x10] =	vst v22;
	v20 =	vld.idx.msk [tilespmem:v25+s17+$0x0], $0xffff;
	v18 =	vor.u32 s2, v8  }
0x166: {  	s12 =	sor.u32 $0x6, s2;
	s7 =	sor.u32 $0x7, s2;
	[tilespmem:s5+$0x20] =	vst v63;
	s10 =	sor.u32 $0x5, s2;
	v15 =	vor.u32 s13, v8;
	v21 =	vor.u32 s15, v8;
	v12 =	vor.u32 s14, v8  }
.LBB2_7:
0x167: {  	s6 =	sadd.s32 $0x8, s6;
	s2 =	sand.u32 $0x30, s9;
	v22 =	vor.u32 s12, v8;
	v23 =	vld.idx.msk [tilespmem:v9+s17+$0x0], $0xffff;
	v9 =	vor.u32 s10, v8;
	[tilespmem:s5+$0x30] =	vst v13;
	s5 =	sadd.s32 $0x80, s5  }
0x168: {  	v24 =	vor.u32 s8, v8;
	v13 =	vmov s2;
	p1 =	slt.u32 s6, $0x178;
	[tilespmem:s5+$0xFFFFFFC0] =	vst v11;
	v25 =	vld.idx.msk [tilespmem:v10+s17+$0x0], $0xffff;
	v10 =	vmov v22  }
0x169: {  	v11 =	vshll.u32 v13, $0x8;
	[tilespmem:s5+$0xFFFFFFD0] =	vst v14;
	v13 =	vld.idx.msk [tilespmem:v17+s17+$0x0], $0xffff  }
.Ltmp7:
0x16a: {  	v14 =	vor.u32 v3, v11;
	v11 =	vld.idx.msk [tilespmem:v18+s17+$0x0], $0xffff;
	[tilespmem:s5+$0xFFFFFFE0] =	vst v16;
	(pc) =	sbr.rel @p1 .LBB2_7-.Ltmp7, $4  }
0x16b: {  	s2 =	sand.u32 $0x78, s6;
	v18 =	vand.u32 $0x3800, v14;
	v14 =	vld.idx.msk [tilespmem:v21+s17+$0x0], $0xffff;
	[tilespmem:s5+$0xFFFFFFF0] =	vst v19  }
0x16c: {  	s10 =	sor.u32 $0x2, s2;
	s8 =	sor.u32 $0x3, s2;
	s13 =	sor.u32 $0x4, s2;
	v17 =	vor.u32 s7, v8;
	v16 =	vld.idx.msk [tilespmem:v15+s17+$0x0], $0xffff;
	v8 =	vor.u32 v4, v18;
	[tilespmem:s5+$0x0] =	vst v20  }
0x16d: {  	s7 =	sor.u32 $0x1, s2;
	s12 =	sor.u32 $0x6, s2;
	v18 =	vor.u32 s2, v8;
	v15 =	vor.u32 s10, v8;
	s10 =	sor.u32 $0x5, s2;
	v19 =	vld.idx.msk [tilespmem:v24+s17+$0x0], $0xffff;
	[tilespmem:s5+$0x10] =	vst v23  }
0x16e: {  	s9 =	sadd.s32 $0x1, s9;
	v21 =	vor.u32 s7, v8;
	s7 =	sor.u32 $0x7, s2;
	v20 =	vld.idx.msk [tilespmem:v12+s17+$0x0], $0xffff;
	v12 =	vor.u32 s13, v8;
	[tilespmem:s5+$0x20] =	vst v25  }
0x16f: {  	_ =	sdelay $0x2  }
0x170: {  	[tilespmem:s5+$0x30] =	vst v13;
	s2 =	sadd.s32 $0x80, s5  }
0x171: {  	v9 =	vld.idx.msk [tilespmem:v9+s17+$0x0], $0xffff;
	[tilespmem:s2+$0xFFFFFFC0] =	vst v11  }
0x172: {  	v10 =	vld.idx.msk [tilespmem:v10+s17+$0x0], $0xffff;
	[tilespmem:s2+$0xFFFFFFD0] =	vst v14  }
0x173: {  	v13 =	vld.idx.msk [tilespmem:v17+s17+$0x0], $0xffff;
	v17 =	vor.u32 s12, v8;
	[tilespmem:s2+$0xFFFFFFE0] =	vst v16  }
0x174: {  	v15 =	vld.idx.msk [tilespmem:v15+s17+$0x0], $0xffff;
	v11 =	vor.u32 s8, v8;
	[tilespmem:s2+$0xFFFFFFF0] =	vst v19  }
0x175: {  	v14 =	vor.u32 s10, v8;
	v16 =	vld.idx.msk [tilespmem:v18+s17+$0x0], $0xffff;
	[tilespmem:s2+$0x0] =	vst v20  }
0x176: {  	v8 =	vor.u32 s7, v8;
	v18 =	vld.idx.msk [tilespmem:v21+s17+$0x0], $0xffff;
	[tilespmem:s2+$0x10] =	vst v9  }
0x177: {  	[tilespmem:s2+$0x20] =	vst v10;
	v10 =	vld.idx.msk [tilespmem:v12+s17+$0x0], $0xffff  }
0x178: {  	[tilespmem:s2+$0x30] =	vst v13;
	s2 =	sadd.s32 $0x80, s2;
	v12 =	vld.idx.msk [tilespmem:v17+s17+$0x0], $0xffff  }
0x179: {  	v9 =	vld.idx.msk [tilespmem:v11+s17+$0x0], $0xffff;
	[tilespmem:s2+$0xFFFFFFE0] =	vst v15  }
0x17a: {  	v11 =	vld.idx.msk [tilespmem:v14+s17+$0x0], $0xffff;
	[tilespmem:s2+$0xFFFFFFC0] =	vst v16  }
0x17b: {  	v8 =	vld.idx.msk [tilespmem:v8+s17+$0x0], $0xffff;
	[tilespmem:s2+$0xFFFFFFD0] =	vst v18  }
0x17c: {  	[tilespmem:s2+$0x0] =	vst v10  }
0x17d: {  	[tilespmem:s2+$0x20] =	vst v12  }
0x17e: {  	[tilespmem:s2+$0xFFFFFFF0] =	vst v9  }
0x17f: {  	[tilespmem:s2+$0x10] =	vst v11  }
0x180: {  	[tilespmem:s2+$0x30] =	vst v8  }
0x181: {  	s12 =	simm.s32 $0x0;
	s13 =	rddreg [dreg:$0x7]  }
0x182: {  	[hbm4b:s13+s12] =	stream.linear.scatter [tilespmem:s31], [sflag:$0x3], $0x1800, $0x38;
	[tilespmem:$0x9080] =	vst v63  }
0x183: {  	s14 =	rddreg [dreg:$0x12]  }
0x184: {  	[tilespmem:s17], [sflag:$0x1] =	stream.indirect_vreg.gather [hbm4b:s14+s12], $0x80, v6, vm0, $0xb8;
	[tilespmem:$0x9080] =	vst v63  }
0x185: {  	_ = 	snop  }
0x186: {  	[tilespmem:s18], [sflag:$0x1] =	stream.indirect_vreg.gather [hbm4b:s14+s12], $0x80, v7, vm0, $0xb8;
	[tilespmem:$0x9080] =	vst v63  }
0x187: {  	s15 =	rddreg [dreg:$0x1e]  }
0x188: {  	[tilespmem:s19], [sflag:$0x1] =	stream.indirect_vreg.gather [hbm4b:s15+s12], $0x80, v6, vm0, $0xb8;
	[tilespmem:$0x9080] =	vst v63  }
0x189: {  	_ = 	snop  }
0x18a: {  	[tilespmem:s20], [sflag:$0x1] =	stream.indirect_vreg.gather [hbm4b:s15+s12], $0x80, v7, vm0, $0xb8;
	[tilespmem:$0x9080] =	vst v63  }
0x18b: {  	s6 =	rddreg [dreg:$0x1f]  }
0x18c: {  	[tilespmem:s21], [sflag:$0x1] =	stream.indirect_vreg.gather [hbm4b:s6+s12], $0x80, v6, vm0, $0xb8;
	[tilespmem:$0x9080] =	vst v63  }
0x18d: {  	_ = 	snop  }
0x18e: {  	[tilespmem:s22], [sflag:$0x1] =	stream.indirect_vreg.gather [hbm4b:s6+s12], $0x80, v7, vm0, $0xb8;
	[tilespmem:$0x9080] =	vst v63  }
0x18f: {  	s2 =	sand.u32 $0x30, s12;
	_ =	swait.ge [sflag:s1], $0x1800  }
0x190: {  	s2 =	sadd.s32 $0x30, s2;
	[sflag:s1] =	ssyncset.done $0x0  }
0x191: {  	v8 =	vmov s2;
	[sflag:s1] =	ssyncadd.s32 $0xFFFFE800  }
0x192: {  	v8 =	vshll.u32 v8, $0x8;
	_ =	swait.ge [sflag:s0], $0x800  }
0x193: {  	v8 =	vor.u32 v3, v8;
	[sflag:s0] =	ssyncset.done $0x0  }
0x194: {  	s7 =	simm.s32 $0x0;
	v8 =	vand.u32 $0x7800, v8;
	[sflag:s0] =	ssyncadd.s32 $0xFFFFF800  }
0x195: {  	s2 =	sand.u32 $0x78, s7;
	v8 =	vor.u32 v4, v8;
	_ =	swait.ge [sflag:s0], $0x800  }
0x196: {  	s8 =	sor.u32 $0x7, s2;
	v9 =	vor.u32 s2, v8;
	s6 =	simm.s32 $0x1;
	[sflag:s0] =	ssyncset.done $0x0  }
0x197: {  	s9 =	sor.u32 $0x1, s2;
	v10 =	vor.u32 s8, v8;
	s10 =	sand.u32 $0x30, s6;
	[sflag:s0] =	ssyncadd.s32 $0xFFFFF800  }
0x198: {  	v11 =	vor.u32 s9, v8;
	s12 =	sor.u32 $0x4, s2;
	s5 =	sadd.s32 $0x30, s10;
	_ =	swait.ge [sflag:s0], $0x800  }
0x199: {  	s13 =	sor.u32 $0x6, s2;
	v12 =	vor.u32 s12, v8;
	v13 =	vmov s5;
	[sflag:s0] =	ssyncset.done $0x0  }
0x19a: {  	s14 =	sor.u32 $0x5, s2;
	v14 =	vor.u32 s13, v8;
	v13 =	vshll.u32 v13, $0x8;
	[sflag:s0] =	ssyncadd.s32 $0xFFFFF800  }
0x19b: {  	v15 =	vor.u32 s14, v8;
	s15 =	sor.u32 $0x3, s2;
	s2 =	sor.u32 $0x2, s2;
	v13 =	vor.u32 v3, v13;
	v16 =	vld.idx.msk [tilespmem:v9+s17+$0x0], $0xffff  }
0x19c: {  	s7 =	simm.s32 $0x8;
	v17 =	vor.u32 s2, v8;
	v13 =	vand.u32 $0x7800, v13;
	v10 =	vld.idx.msk [tilespmem:v10+s17+$0x0], $0xffff  }
0x19d: {  	s2 =	sand.u32 $0x78, s7;
	v13 =	vor.u32 v4, v13;
	v9 =	vor.u32 s15, v8;
	v11 =	vld.idx.msk [tilespmem:v11+s17+$0x0], $0xffff  }
0x19e: {  	s8 =	simm.s32 $0x2;
	s5 =	sor.u32 $0x7, s2;
	v18 =	vor.u32 s2, v13;
	v12 =	vld.idx.msk [tilespmem:v12+s17+$0x0], $0xffff  }
0x19f: {  	s10 =	sand.u32 $0x30, s8;
	s12 =	sor.u32 $0x4, s2;
	v19 =	vor.u32 s5, v13;
	v14 =	vld.idx.msk [tilespmem:v14+s17+$0x0], $0xffff  }
0x1a0: {  	s6 =	simm.s32 $0x78F0;
	s9 =	sor.u32 $0x1, s2;
	s5 =	sadd.s32 $0x30, s10;
	v25 =	vld.idx.msk [tilespmem:v15+s17+$0x0], $0xffff;
	v15 =	vor.u32 s12, v13  }
0x1a1: {  	v20 =	vor.u32 s9, v13;
	v21 =	vmov s5;
	v17 =	vld.idx.msk [tilespmem:v17+s17+$0x0], $0xffff;
	[tilespmem:s6+$0x0] =	vst v10  }
0x1a2: {  	s13 =	simm.s32 $0x10;
	s14 =	sor.u32 $0x3, s2;
	s9 =	sor.u32 $0x6, s2;
	v8 =	vld.idx.msk [tilespmem:v9+s17+$0x0], $0xffff;
	v9 =	vshll.u32 v21, $0x8;
	[tilespmem:s6+$0xFFFFFFA0] =	vst v11  }
0x1a3: {  	s7 =	simm.s32 $0x7970;
	s15 =	sor.u32 $0x2, s2;
	s2 =	sor.u32 $0x5, s2;
	v11 =	vld.idx.msk [tilespmem:v18+s17+$0x0], $0xffff;
	v10 =	vor.u32 s14, v13;
	[tilespmem:s6+$0xFFFFFF90] =	vst v16;
	v16 =	vor.u32 s9, v13;
	v21 =	vor.u32 v3, v9  }
0x1a4: {  	s8 =	simm.s32 $0x18;
	s10 =	sand.u32 $0x78, s13;
	s5 =	simm.s32 $0x7970;
	[tilespmem:s6+$0xFFFFFFD0] =	vst v12;
	v18 =	vld.idx.msk [tilespmem:v19+s17+$0x0], $0xffff;
	v9 =	vor.u32 s15, v13;
	v13 =	vor.u32 s2, v13;
	v12 =	vand.u32 $0x7800, v21  }
0x1a5: {  	s13 =	sor.u32 $0x7, s10;
	s12 =	sor.u32 $0x1, s10;
	[tilespmem:s6+$0xFFFFFFF0] =	vst v14;
	s14 =	sor.u32 $0x2, s10;
	v22 =	vld.idx.msk [tilespmem:v15+s17+$0x0], $0xffff;
	v23 =	vor.u32 v4, v12  }
0x1a6: {  	s9 =	simm.s32 $0x18;
	s2 =	sor.u32 $0x3, s10;
	s15 =	sor.u32 $0x6, s10;
	v21 =	vld.idx.msk [tilespmem:v20+s17+$0x0], $0xffff;
	v14 =	vor.u32 s10, v23;
	v12 =	vor.u32 s12, v23;
	v20 =	vor.u32 s13, v23  }
0x1a7: {  	[tilespmem:s6+$0xFFFFFFE0] =	vst v25;
	s13 =	sor.u32 $0x4, s10;
	s12 =	sor.u32 $0x5, s10;
	v15 =	vor.u32 s14, v23;
	v19 =	vor.u32 s2, v23;
	v24 =	vor.u32 s15, v23;
	s10 =	simm.s32 $0x3  }
.LBB2_9:
0x1a8: {  	s8 =	sadd.s32 $0x8, s8;
	s2 =	sand.u32 $0x30, s10;
	v25 =	vor.u32 s13, v23;
	v28 =	vor.u32 s12, v23;
	v26 =	vld.idx.msk [tilespmem:v16+s17+$0x0], $0xffff;
	s5 =	sadd.s32 $0x80, s5;
	[tilespmem:s6+$0xFFFFFFB0] =	vst v17;
	v16 =	vmov v24  }
0x1a9: {  	v23 =	vmov v11;
	p1 =	slt.u32 s8, $0x178;
	s2 =	sadd.s32 $0x30, s2;
	v27 =	vld.idx.msk [tilespmem:v13+s17+$0x0], $0xffff;
	[tilespmem:s6+$0xFFFFFFC0] =	vst v8;
	v13 =	vmov v28;
	s6 =	smov.u32 s7  }
0x1aa: {  	s7 =	smov.u32 s5;
	v11 =	vmov s2;
	v8 =	vld.idx.msk [tilespmem:v10+s17+$0x0], $0xffff;
	[tilespmem:s6+$0x0] =	vst v18;
	v10 =	vmov v19  }
0x1ab: {  	v11 =	vshll.u32 v11, $0x8;
	[tilespmem:s6+$0xFFFFFFA0] =	vst v21;
	v17 =	vld.idx.msk [tilespmem:v9+s17+$0x0], $0xffff;
	v9 =	vmov v15  }
.Ltmp8:
0x1ac: {  	v15 =	vor.u32 v3, v11;
	v11 =	vld.idx.msk [tilespmem:v14+s17+$0x0], $0xffff;
	[tilespmem:s6+$0xFFFFFFD0] =	vst v22;
	(pc) =	sbr.rel @p1 .LBB2_9-.Ltmp8, $4  }
0x1ad: {  	s2 =	sand.u32 $0x78, s9;
	s9 =	smov.u32 s8;
	v14 =	vand.u32 $0x7800, v15;
	v18 =	vld.idx.msk [tilespmem:v20+s17+$0x0], $0xffff;
	[tilespmem:s6+$0xFFFFFF90] =	vst v23  }
0x1ae: {  	s12 =	sor.u32 $0x1, s2;
	s13 =	sor.u32 $0x3, s2;
	s14 =	sor.u32 $0x7, s2;
	v23 =	vor.u32 v4, v14;
	v21 =	vld.idx.msk [tilespmem:v12+s17+$0x0], $0xffff;
	[tilespmem:s6+$0xFFFFFFF0] =	vst v26  }
0x1af: {  	s15 =	sor.u32 $0x6, s2;
	v14 =	vor.u32 s2, v23;
	v12 =	vor.u32 s12, v23;
	s12 =	sor.u32 $0x2, s2;
	v20 =	vor.u32 s14, v23;
	v22 =	vld.idx.msk [tilespmem:v25+s17+$0x0], $0xffff  }
0x1b0: {  	s10 =	sadd.s32 $0x1, s10;
	v19 =	vor.u32 s13, v23;
	s13 =	sor.u32 $0x4, s2;
	v24 =	vor.u32 s15, v23;
	v15 =	vor.u32 s12, v23;
	s12 =	sor.u32 $0x5, s2;
	[tilespmem:s6+$0xFFFFFFE0] =	vst v27  }
0x1b1: {  	_ =	sdelay $0x3  }
0x1b2: {  	[tilespmem:s6+$0xFFFFFFB0] =	vst v17;
	v16 =	vld.idx.msk [tilespmem:v16+s17+$0x0], $0xffff  }
0x1b3: {  	s2 =	sand.u32 $0x30, s10;
	[tilespmem:s6+$0xFFFFFFC0] =	vst v8;
	v13 =	vld.idx.msk [tilespmem:v13+s17+$0x0], $0xffff  }
0x1b4: {  	v8 =	vor.u32 s13, v23;
	v9 =	vld.idx.msk [tilespmem:v9+s17+$0x0], $0xffff;
	[tilespmem:s7+$0xFFFFFF90] =	vst v11;
	s2 =	sadd.s32 $0x30, s2  }
0x1b5: {  	v10 =	vld.idx.msk [tilespmem:v10+s17+$0x0], $0xffff;
	[tilespmem:s7+$0x0] =	vst v18;
	v17 =	vmov s2  }
0x1b6: {  	v20 =	vld.idx.msk [tilespmem:v20+s17+$0x0], $0xffff;
	[tilespmem:s7+$0xFFFFFFA0] =	vst v21;
	v17 =	vshll.u32 v17, $0x8  }
0x1b7: {  	v12 =	vld.idx.msk [tilespmem:v12+s17+$0x0], $0xffff;
	v18 =	vor.u32 s12, v23;
	[tilespmem:s7+$0xFFFFFFD0] =	vst v22;
	v17 =	vor.u32 v3, v17  }
0x1b8: {  	s14 =	sand.u32 $0x78, s9;
	v19 =	vld.idx.msk [tilespmem:v19+s17+$0x0], $0xffff;
	v11 =	vand.u32 $0x7800, v17;
	[tilespmem:s7+$0xFFFFFFF0] =	vst v16  }
0x1b9: {  	s15 =	sor.u32 $0x7, s14;
	v8 =	vld.idx.msk [tilespmem:v8+s17+$0x0], $0xffff;
	[tilespmem:s7+$0xFFFFFFE0] =	vst v13;
	v11 =	vor.u32 v4, v11  }
0x1ba: {  	s8 =	sor.u32 $0x1, s14;
	v13 =	vld.idx.msk [tilespmem:v14+s17+$0x0], $0xffff;
	[tilespmem:s7+$0xFFFFFFB0] =	vst v9;
	v14 =	vor.u32 s15, v11  }
0x1bb: {  	s5 =	sadd.s32 $0x80, s5;
	v16 =	vld.idx.msk [tilespmem:v24+s17+$0x0], $0xffff;
	[tilespmem:s7+$0xFFFFFFC0] =	vst v10;
	v9 =	vor.u32 s8, v11  }
0x1bc: {  	s9 =	sor.u32 $0x6, s14;
	[tilespmem:s5+$0x0] =	vst v20;
	v17 =	vld.idx.msk [tilespmem:v18+s17+$0x0], $0xffff;
	v18 =	vor.u32 s14, v11  }
0x1bd: {  	[tilespmem:s5+$0xFFFFFFA0] =	vst v12;
	v12 =	vld.idx.msk [tilespmem:v15+s17+$0x0], $0xffff;
	s8 =	sor.u32 $0x4, s14;
	v15 =	vor.u32 s9, v11  }
0x1be: {  	s10 =	sor.u32 $0x5, s14;
	[tilespmem:s5+$0xFFFFFFC0] =	vst v19;
	v10 =	vor.u32 s8, v11  }
0x1bf: {  	s12 =	sor.u32 $0x2, s14;
	s2 =	sor.u32 $0x3, s14;
	[tilespmem:s5+$0xFFFFFFD0] =	vst v8;
	v8 =	vor.u32 s10, v11;
	v14 =	vld.idx.msk [tilespmem:v14+s17+$0x0], $0xffff  }
0x1c0: {  	[tilespmem:s5+$0xFFFFFF90] =	vst v13;
	v13 =	vor.u32 s12, v11;
	v11 =	vor.u32 s2, v11;
	v9 =	vld.idx.msk [tilespmem:v9+s17+$0x0], $0xffff  }
0x1c1: {  	[tilespmem:s5+$0xFFFFFFF0] =	vst v16;
	v16 =	vld.idx.msk [tilespmem:v18+s17+$0x0], $0xffff  }
0x1c2: {  	[tilespmem:s5+$0xFFFFFFB0] =	vst v12;
	v12 =	vld.idx.msk [tilespmem:v15+s17+$0x0], $0xffff  }
0x1c3: {  	s13 =	sadd.s32 $0x80, s5;
	[tilespmem:s5+$0xFFFFFFE0] =	vst v17;
	v10 =	vld.idx.msk [tilespmem:v10+s17+$0x0], $0xffff  }
0x1c4: {  	v8 =	vld.idx.msk [tilespmem:v8+s17+$0x0], $0xffff;
	[tilespmem:s13+$0x0] =	vst v14  }
0x1c5: {  	v11 =	vld.idx.msk [tilespmem:v11+s17+$0x0], $0xffff;
	[tilespmem:s13+$0xFFFFFFA0] =	vst v9  }
0x1c6: {  	v9 =	vld.idx.msk [tilespmem:v13+s17+$0x0], $0xffff;
	[tilespmem:s13+$0xFFFFFF90] =	vst v16  }
0x1c7: {  	[tilespmem:s13+$0xFFFFFFF0] =	vst v12  }
0x1c8: {  	[tilespmem:s13+$0xFFFFFFD0] =	vst v10  }
0x1c9: {  	[tilespmem:s13+$0xFFFFFFE0] =	vst v8  }
0x1ca: {  	[tilespmem:s13+$0xFFFFFFC0] =	vst v11  }
0x1cb: {  	[tilespmem:s13+$0xFFFFFFB0] =	vst v9  }
0x1cc: {  	s14 =	simm.s32 $0x0;
	s15 =	simm.s32 $0x7880;
	s5 =	rddreg [dreg:$0x8]  }
0x1cd: {  	[hbm4b:s5+s14] =	stream.linear.scatter [tilespmem:s15], [sflag:$0x4], $0x1800, $0x38;
	[tilespmem:$0x9080] =	vst v63  }
0x1ce: {  	s6 =	rddreg [dreg:$0x13]  }
0x1cf: {  	[tilespmem:s23], [sflag:$0x2] =	stream.indirect_vreg.gather [hbm4b:s6+s14], $0x80, v6, vm0, $0xb8;
	[tilespmem:$0x9080] =	vst v63  }
0x1d0: {  	s7 =	sld [smem:$0x7EE]  }
0x1d1: {  	[tilespmem:s24], [sflag:$0x2] =	stream.indirect_vreg.gather [hbm4b:s6+s14], $0x80, v7, vm0, $0xb8;
	[tilespmem:$0x9080] =	vst v63  }
0x1d2: {  	_ = 	snop  }
0x1d3: {  	[tilespmem:s25], [sflag:$0x2] =	stream.indirect_vreg.gather [hbm4b:s7+s14], $0x80, v6, vm0, $0xb8;
	[tilespmem:$0x9080] =	vst v63  }
0x1d4: {  	s8 =	sld [smem:$0x7EF]  }
0x1d5: {  	[tilespmem:s26], [sflag:$0x2] =	stream.indirect_vreg.gather [hbm4b:s7+s14], $0x80, v7, vm0, $0xb8;
	[tilespmem:$0x9080] =	vst v63  }
0x1d6: {  	_ = 	snop  }
0x1d7: {  	[tilespmem:s28], [sflag:$0x2] =	stream.indirect_vreg.gather [hbm4b:s8+s14], $0x80, v6, vm0, $0xb8;
	[tilespmem:$0x9080] =	vst v63  }
0x1d8: {  	_ = 	snop  }
0x1d9: {  	[tilespmem:s29], [sflag:$0x2] =	stream.indirect_vreg.gather [hbm4b:s8+s14], $0x80, v7, vm0, $0xb8;
	[tilespmem:$0x9080] =	vst v63  }
0x1da: {  	_ =	swait.ge [sflag:s11], $0x1800  }
0x1db: {  	s2 =	sand.u32 $0x30, s14;
	[sflag:s11] =	ssyncset.done $0x0  }
0x1dc: {  	v8 =	vmov s2;
	[sflag:s11] =	ssyncadd.s32 $0xFFFFE800  }
0x1dd: {  	v8 =	vshll.u32 v8, $0x8;
	_ =	swait.ge [sflag:s30], $0x800  }
0x1de: {  	v8 =	vor.u32 v3, v8;
	[sflag:s30] =	ssyncset.done $0x0  }
0x1df: {  	s9 =	simm.s32 $0x0;
	v8 =	vand.u32 $0x3800, v8;
	[sflag:s30] =	ssyncadd.s32 $0xFFFFF800  }
0x1e0: {  	s2 =	sand.u32 $0x78, s9;
	v8 =	vor.u32 v4, v8;
	_ =	swait.ge [sflag:s30], $0x800  }
0x1e1: {  	s10 =	sor.u32 $0x1, s2;
	s13 =	simm.s32 $0x1;
	v9 =	vor.u32 s2, v8;
	[sflag:s30] =	ssyncset.done $0x0  }
0x1e2: {  	s12 =	sor.u32 $0x2, s2;
	s5 =	sand.u32 $0x30, s13;
	v10 =	vor.u32 s10, v8;
	[sflag:s30] =	ssyncadd.s32 $0xFFFFF800  }
0x1e3: {  	v11 =	vor.u32 s12, v8;
	v12 =	vmov s5;
	s14 =	sor.u32 $0x3, s2;
	_ =	swait.ge [sflag:s30], $0x800  }
0x1e4: {  	s15 =	sor.u32 $0x4, s2;
	v12 =	vshll.u32 v12, $0x8;
	v13 =	vor.u32 s14, v8;
	[sflag:s30] =	ssyncset.done $0x0  }
0x1e5: {  	v14 =	vor.u32 s15, v8;
	s10 =	simm.s32 $0x8;
	v12 =	vor.u32 v3, v12;
	s8 =	sor.u32 $0x5, s2;
	[sflag:s30] =	ssyncadd.s32 $0xFFFFF800  }
0x1e6: {  	s9 =	sor.u32 $0x6, s2;
	v12 =	vand.u32 $0x3800, v12;
	s7 =	sand.u32 $0x78, s10;
	v15 =	vor.u32 s8, v8;
	v9 =	vld.idx.msk [tilespmem:v9+s17+$0x0], $0xffff  }
0x1e7: {  	v16 =	vor.u32 s9, v8;
	v12 =	vor.u32 v4, v12;
	s12 =	sor.u32 $0x1, s7;
	v10 =	vld.idx.msk [tilespmem:v10+s17+$0x0], $0xffff  }
0x1e8: {  	s13 =	sor.u32 $0x2, s7;
	v19 =	vor.u32 s12, v12;
	v17 =	vld.idx.msk [tilespmem:v11+s17+$0x0], $0xffff  }
0x1e9: {  	v21 =	vor.u32 s13, v12;
	s2 =	sor.u32 $0x7, s2;
	v18 =	vld.idx.msk [tilespmem:v13+s17+$0x0], $0xffff  }
0x1ea: {  	v8 =	vor.u32 s2, v8;
	v20 =	vld.idx.msk [tilespmem:v14+s17+$0x0], $0xffff  }
0x1eb: {  	s15 =	sor.u32 $0x3, s7;
	s14 =	simm.s32 $0x2;
	v11 =	vor.u32 s7, v12;
	v22 =	vld.idx.msk [tilespmem:v15+s17+$0x0], $0xffff  }
0x1ec: {  	s5 =	simm.s32 $0x60C0;
	s9 =	sor.u32 $0x4, s7;
	v23 =	vor.u32 s15, v12;
	s2 =	sand.u32 $0x30, s14;
	v63 =	vld.idx.msk [tilespmem:v16+s17+$0x0], $0xffff  }
0x1ed: {  	v25 =	vor.u32 s9, v12;
	v13 =	vmov s2;
	v14 =	vld.idx.msk [tilespmem:v19+s17+$0x0], $0xffff;
	[tilespmem:s5+$0xFFFFFFC0] =	vst v9  }
0x1ee: {  	s10 =	sor.u32 $0x5, s7;
	v16 =	vld.idx.msk [tilespmem:v21+s17+$0x0], $0xffff;
	v9 =	vshll.u32 v13, $0x8;
	[tilespmem:s5+$0xFFFFFFD0] =	vst v10  }
0x1ef: {  	s6 =	simm.s32 $0x10;
	s12 =	sor.u32 $0x6, s7;
	v13 =	vld.idx.msk [tilespmem:v8+s17+$0x0], $0xffff;
	[tilespmem:s5+$0xFFFFFFE0] =	vst v17;
	v8 =	vor.u32 v3, v9;
	v9 =	vor.u32 s10, v12  }
0x1f0: {  	s7 =	sor.u32 $0x7, s7;
	s2 =	sand.u32 $0x78, s6;
	v11 =	vld.idx.msk [tilespmem:v11+s17+$0x0], $0xffff;
	[tilespmem:s5+$0xFFFFFFF0] =	vst v18;
	v10 =	vor.u32 s12, v12;
	v8 =	vand.u32 $0x3800, v8  }
0x1f1: {  	s9 =	simm.s32 $0x3;
	v19 =	vld.idx.msk [tilespmem:v23+s17+$0x0], $0xffff;
	s13 =	sor.u32 $0x2, s2;
	v17 =	vor.u32 s7, v12;
	[tilespmem:s5+$0x0] =	vst v20;
	v8 =	vor.u32 v4, v8  }
0x1f2: {  	s8 =	sor.u32 $0x3, s2;
	s14 =	sor.u32 $0x4, s2;
	s15 =	sor.u32 $0x1, s2;
	[tilespmem:s5+$0x10] =	vst v22;
	v20 =	vld.idx.msk [tilespmem:v25+s17+$0x0], $0xffff;
	v18 =	vor.u32 s2, v8  }
0x1f3: {  	s12 =	sor.u32 $0x6, s2;
	s7 =	sor.u32 $0x7, s2;
	[tilespmem:s5+$0x20] =	vst v63;
	s10 =	sor.u32 $0x5, s2;
	v15 =	vor.u32 s13, v8;
	v21 =	vor.u32 s15, v8;
	v12 =	vor.u32 s14, v8  }
.LBB2_11:
0x1f4: {  	s6 =	sadd.s32 $0x8, s6;
	s2 =	sand.u32 $0x30, s9;
	v22 =	vor.u32 s12, v8;
	v23 =	vld.idx.msk [tilespmem:v9+s17+$0x0], $0xffff;
	v9 =	vor.u32 s10, v8;
	[tilespmem:s5+$0x30] =	vst v13;
	s5 =	sadd.s32 $0x80, s5  }
0x1f5: {  	v24 =	vor.u32 s8, v8;
	v13 =	vmov s2;
	p1 =	slt.u32 s6, $0x178;
	[tilespmem:s5+$0xFFFFFFC0] =	vst v11;
	v25 =	vld.idx.msk [tilespmem:v10+s17+$0x0], $0xffff;
	v10 =	vmov v22  }
0x1f6: {  	v11 =	vshll.u32 v13, $0x8;
	[tilespmem:s5+$0xFFFFFFD0] =	vst v14;
	v13 =	vld.idx.msk [tilespmem:v17+s17+$0x0], $0xffff  }
.Ltmp9:
0x1f7: {  	v14 =	vor.u32 v3, v11;
	v11 =	vld.idx.msk [tilespmem:v18+s17+$0x0], $0xffff;
	[tilespmem:s5+$0xFFFFFFE0] =	vst v16;
	(pc) =	sbr.rel @p1 .LBB2_11-.Ltmp9, $4  }
0x1f8: {  	s2 =	sand.u32 $0x78, s6;
	v18 =	vand.u32 $0x3800, v14;
	v14 =	vld.idx.msk [tilespmem:v21+s17+$0x0], $0xffff;
	[tilespmem:s5+$0xFFFFFFF0] =	vst v19  }
0x1f9: {  	s10 =	sor.u32 $0x2, s2;
	s8 =	sor.u32 $0x3, s2;
	s13 =	sor.u32 $0x4, s2;
	v17 =	vor.u32 s7, v8;
	v16 =	vld.idx.msk [tilespmem:v15+s17+$0x0], $0xffff;
	v8 =	vor.u32 v4, v18;
	[tilespmem:s5+$0x0] =	vst v20  }
0x1fa: {  	s7 =	sor.u32 $0x1, s2;
	s12 =	sor.u32 $0x6, s2;
	v18 =	vor.u32 s2, v8;
	v15 =	vor.u32 s10, v8;
	s10 =	sor.u32 $0x5, s2;
	v19 =	vld.idx.msk [tilespmem:v24+s17+$0x0], $0xffff;
	[tilespmem:s5+$0x10] =	vst v23  }
0x1fb: {  	s9 =	sadd.s32 $0x1, s9;
	v21 =	vor.u32 s7, v8;
	s7 =	sor.u32 $0x7, s2;
	v20 =	vld.idx.msk [tilespmem:v12+s17+$0x0], $0xffff;
	v12 =	vor.u32 s13, v8;
	[tilespmem:s5+$0x20] =	vst v25  }
0x1fc: {  	_ =	sdelay $0x2  }
0x1fd: {  	[tilespmem:s5+$0x30] =	vst v13;
	s2 =	sadd.s32 $0x80, s5  }
0x1fe: {  	v9 =	vld.idx.msk [tilespmem:v9+s17+$0x0], $0xffff;
	[tilespmem:s2+$0xFFFFFFC0] =	vst v11  }
0x1ff: {  	v10 =	vld.idx.msk [tilespmem:v10+s17+$0x0], $0xffff;
	[tilespmem:s2+$0xFFFFFFD0] =	vst v14  }
0x200: {  	v13 =	vld.idx.msk [tilespmem:v17+s17+$0x0], $0xffff;
	v17 =	vor.u32 s12, v8;
	[tilespmem:s2+$0xFFFFFFE0] =	vst v16  }
0x201: {  	v15 =	vld.idx.msk [tilespmem:v15+s17+$0x0], $0xffff;
	v11 =	vor.u32 s8, v8;
	[tilespmem:s2+$0xFFFFFFF0] =	vst v19  }
0x202: {  	v14 =	vor.u32 s10, v8;
	v16 =	vld.idx.msk [tilespmem:v18+s17+$0x0], $0xffff;
	[tilespmem:s2+$0x0] =	vst v20  }
0x203: {  	v8 =	vor.u32 s7, v8;
	v18 =	vld.idx.msk [tilespmem:v21+s17+$0x0], $0xffff;
	[tilespmem:s2+$0x10] =	vst v9  }
0x204: {  	[tilespmem:s2+$0x20] =	vst v10;
	v10 =	vld.idx.msk [tilespmem:v12+s17+$0x0], $0xffff  }
0x205: {  	[tilespmem:s2+$0x30] =	vst v13;
	s2 =	sadd.s32 $0x80, s2;
	v12 =	vld.idx.msk [tilespmem:v17+s17+$0x0], $0xffff  }
0x206: {  	v9 =	vld.idx.msk [tilespmem:v11+s17+$0x0], $0xffff;
	[tilespmem:s2+$0xFFFFFFE0] =	vst v15  }
0x207: {  	v11 =	vld.idx.msk [tilespmem:v14+s17+$0x0], $0xffff;
	[tilespmem:s2+$0xFFFFFFC0] =	vst v16  }
0x208: {  	v8 =	vld.idx.msk [tilespmem:v8+s17+$0x0], $0xffff;
	[tilespmem:s2+$0xFFFFFFD0] =	vst v18  }
0x209: {  	[tilespmem:s2+$0x0] =	vst v10  }
0x20a: {  	[tilespmem:s2+$0x20] =	vst v12  }
0x20b: {  	[tilespmem:s2+$0xFFFFFFF0] =	vst v9  }
0x20c: {  	[tilespmem:s2+$0x10] =	vst v11  }
0x20d: {  	[tilespmem:s2+$0x30] =	vst v8  }
0x20e: {  	s12 =	simm.s32 $0x0;
	s13 =	rddreg [dreg:$0x9]  }
0x20f: {  	[hbm4b:s13+s12] =	stream.linear.scatter [tilespmem:s31], [sflag:$0x3], $0x1800, $0x38;
	[tilespmem:$0x9080] =	vst v63  }
0x210: {  	s14 =	rddreg [dreg:$0x14]  }
0x211: {  	[tilespmem:s17], [sflag:$0x1] =	stream.indirect_vreg.gather [hbm4b:s14+s12], $0x80, v6, vm0, $0xb8;
	[tilespmem:$0x9080] =	vst v63  }
0x212: {  	s15 =	sld [smem:$0x7F0]  }
0x213: {  	[tilespmem:s18], [sflag:$0x1] =	stream.indirect_vreg.gather [hbm4b:s14+s12], $0x80, v7, vm0, $0xb8;
	[tilespmem:$0x9080] =	vst v63  }
0x214: {  	_ = 	snop  }
0x215: {  	[tilespmem:s19], [sflag:$0x1] =	stream.indirect_vreg.gather [hbm4b:s15+s12], $0x80, v6, vm0, $0xb8;
	[tilespmem:$0x9080] =	vst v63  }
0x216: {  	s6 =	sld [smem:$0x7F1]  }
0x217: {  	[tilespmem:s20], [sflag:$0x1] =	stream.indirect_vreg.gather [hbm4b:s15+s12], $0x80, v7, vm0, $0xb8;
	[tilespmem:$0x9080] =	vst v63  }
0x218: {  	_ = 	snop  }
0x219: {  	[tilespmem:s21], [sflag:$0x1] =	stream.indirect_vreg.gather [hbm4b:s6+s12], $0x80, v6, vm0, $0xb8;
	[tilespmem:$0x9080] =	vst v63  }
0x21a: {  	_ = 	snop  }
0x21b: {  	[tilespmem:s22], [sflag:$0x1] =	stream.indirect_vreg.gather [hbm4b:s6+s12], $0x80, v7, vm0, $0xb8;
	[tilespmem:$0x9080] =	vst v63  }
0x21c: {  	s2 =	sand.u32 $0x30, s12;
	_ =	swait.ge [sflag:s1], $0x1800  }
0x21d: {  	s2 =	sadd.s32 $0x30, s2;
	[sflag:s1] =	ssyncset.done $0x0  }
0x21e: {  	v8 =	vmov s2;
	[sflag:s1] =	ssyncadd.s32 $0xFFFFE800  }
0x21f: {  	v8 =	vshll.u32 v8, $0x8;
	_ =	swait.ge [sflag:s0], $0x800  }
0x220: {  	v8 =	vor.u32 v3, v8;
	[sflag:s0] =	ssyncset.done $0x0  }
0x221: {  	s7 =	simm.s32 $0x0;
	v8 =	vand.u32 $0x7800, v8;
	[sflag:s0] =	ssyncadd.s32 $0xFFFFF800  }
0x222: {  	s2 =	sand.u32 $0x78, s7;
	v8 =	vor.u32 v4, v8;
	_ =	swait.ge [sflag:s0], $0x800  }
0x223: {  	s8 =	sor.u32 $0x7, s2;
	v9 =	vor.u32 s2, v8;
	s6 =	simm.s32 $0x1;
	[sflag:s0] =	ssyncset.done $0x0  }
0x224: {  	s9 =	sor.u32 $0x1, s2;
	v10 =	vor.u32 s8, v8;
	s10 =	sand.u32 $0x30, s6;
	[sflag:s0] =	ssyncadd.s32 $0xFFFFF800  }
0x225: {  	v11 =	vor.u32 s9, v8;
	s12 =	sor.u32 $0x4, s2;
	s5 =	sadd.s32 $0x30, s10;
	_ =	swait.ge [sflag:s0], $0x800  }
0x226: {  	s13 =	sor.u32 $0x6, s2;
	v12 =	vor.u32 s12, v8;
	v13 =	vmov s5;
	[sflag:s0] =	ssyncset.done $0x0  }
0x227: {  	s14 =	sor.u32 $0x5, s2;
	v14 =	vor.u32 s13, v8;
	v13 =	vshll.u32 v13, $0x8;
	[sflag:s0] =	ssyncadd.s32 $0xFFFFF800  }
0x228: {  	v15 =	vor.u32 s14, v8;
	s15 =	sor.u32 $0x3, s2;
	s2 =	sor.u32 $0x2, s2;
	v13 =	vor.u32 v3, v13;
	v16 =	vld.idx.msk [tilespmem:v9+s17+$0x0], $0xffff  }
0x229: {  	s7 =	simm.s32 $0x8;
	v17 =	vor.u32 s2, v8;
	v13 =	vand.u32 $0x7800, v13;
	v10 =	vld.idx.msk [tilespmem:v10+s17+$0x0], $0xffff  }
0x22a: {  	s2 =	sand.u32 $0x78, s7;
	v13 =	vor.u32 v4, v13;
	v9 =	vor.u32 s15, v8;
	v11 =	vld.idx.msk [tilespmem:v11+s17+$0x0], $0xffff  }
0x22b: {  	s8 =	simm.s32 $0x2;
	s5 =	sor.u32 $0x7, s2;
	v18 =	vor.u32 s2, v13;
	v12 =	vld.idx.msk [tilespmem:v12+s17+$0x0], $0xffff  }
0x22c: {  	s10 =	sand.u32 $0x30, s8;
	s12 =	sor.u32 $0x4, s2;
	v19 =	vor.u32 s5, v13;
	v14 =	vld.idx.msk [tilespmem:v14+s17+$0x0], $0xffff  }
0x22d: {  	s6 =	simm.s32 $0x78F0;
	s9 =	sor.u32 $0x1, s2;
	s5 =	sadd.s32 $0x30, s10;
	v25 =	vld.idx.msk [tilespmem:v15+s17+$0x0], $0xffff;
	v15 =	vor.u32 s12, v13  }
0x22e: {  	v20 =	vor.u32 s9, v13;
	v21 =	vmov s5;
	v17 =	vld.idx.msk [tilespmem:v17+s17+$0x0], $0xffff;
	[tilespmem:s6+$0x0] =	vst v10  }
0x22f: {  	s13 =	simm.s32 $0x10;
	s14 =	sor.u32 $0x3, s2;
	s9 =	sor.u32 $0x6, s2;
	v8 =	vld.idx.msk [tilespmem:v9+s17+$0x0], $0xffff;
	v9 =	vshll.u32 v21, $0x8;
	[tilespmem:s6+$0xFFFFFFA0] =	vst v11  }
0x230: {  	s7 =	simm.s32 $0x7970;
	s15 =	sor.u32 $0x2, s2;
	s2 =	sor.u32 $0x5, s2;
	v11 =	vld.idx.msk [tilespmem:v18+s17+$0x0], $0xffff;
	v10 =	vor.u32 s14, v13;
	[tilespmem:s6+$0xFFFFFF90] =	vst v16;
	v16 =	vor.u32 s9, v13;
	v21 =	vor.u32 v3, v9  }
0x231: {  	s8 =	simm.s32 $0x18;
	s10 =	sand.u32 $0x78, s13;
	s5 =	simm.s32 $0x7970;
	[tilespmem:s6+$0xFFFFFFD0] =	vst v12;
	v18 =	vld.idx.msk [tilespmem:v19+s17+$0x0], $0xffff;
	v9 =	vor.u32 s15, v13;
	v13 =	vor.u32 s2, v13;
	v12 =	vand.u32 $0x7800, v21  }
0x232: {  	s13 =	sor.u32 $0x7, s10;
	s12 =	sor.u32 $0x1, s10;
	[tilespmem:s6+$0xFFFFFFF0] =	vst v14;
	s14 =	sor.u32 $0x2, s10;
	v22 =	vld.idx.msk [tilespmem:v15+s17+$0x0], $0xffff;
	v23 =	vor.u32 v4, v12  }
0x233: {  	s9 =	simm.s32 $0x18;
	s2 =	sor.u32 $0x3, s10;
	s15 =	sor.u32 $0x6, s10;
	v21 =	vld.idx.msk [tilespmem:v20+s17+$0x0], $0xffff;
	v14 =	vor.u32 s10, v23;
	v12 =	vor.u32 s12, v23;
	v20 =	vor.u32 s13, v23  }
0x234: {  	[tilespmem:s6+$0xFFFFFFE0] =	vst v25;
	s13 =	sor.u32 $0x4, s10;
	s12 =	sor.u32 $0x5, s10;
	v15 =	vor.u32 s14, v23;
	v19 =	vor.u32 s2, v23;
	v24 =	vor.u32 s15, v23;
	s10 =	simm.s32 $0x3  }
.LBB2_13:
0x235: {  	s8 =	sadd.s32 $0x8, s8;
	s2 =	sand.u32 $0x30, s10;
	v25 =	vor.u32 s13, v23;
	v28 =	vor.u32 s12, v23;
	v26 =	vld.idx.msk [tilespmem:v16+s17+$0x0], $0xffff;
	s5 =	sadd.s32 $0x80, s5;
	[tilespmem:s6+$0xFFFFFFB0] =	vst v17;
	v16 =	vmov v24  }
0x236: {  	v23 =	vmov v11;
	p1 =	slt.u32 s8, $0x178;
	s2 =	sadd.s32 $0x30, s2;
	v27 =	vld.idx.msk [tilespmem:v13+s17+$0x0], $0xffff;
	[tilespmem:s6+$0xFFFFFFC0] =	vst v8;
	v13 =	vmov v28;
	s6 =	smov.u32 s7  }
0x237: {  	s7 =	smov.u32 s5;
	v11 =	vmov s2;
	v8 =	vld.idx.msk [tilespmem:v10+s17+$0x0], $0xffff;
	[tilespmem:s6+$0x0] =	vst v18;
	v10 =	vmov v19  }
0x238: {  	v11 =	vshll.u32 v11, $0x8;
	[tilespmem:s6+$0xFFFFFFA0] =	vst v21;
	v17 =	vld.idx.msk [tilespmem:v9+s17+$0x0], $0xffff;
	v9 =	vmov v15  }
.Ltmp10:
0x239: {  	v15 =	vor.u32 v3, v11;
	v11 =	vld.idx.msk [tilespmem:v14+s17+$0x0], $0xffff;
	[tilespmem:s6+$0xFFFFFFD0] =	vst v22;
	(pc) =	sbr.rel @p1 .LBB2_13-.Ltmp10, $4  }
0x23a: {  	s2 =	sand.u32 $0x78, s9;
	s9 =	smov.u32 s8;
	v14 =	vand.u32 $0x7800, v15;
	v18 =	vld.idx.msk [tilespmem:v20+s17+$0x0], $0xffff;
	[tilespmem:s6+$0xFFFFFF90] =	vst v23  }
0x23b: {  	s12 =	sor.u32 $0x1, s2;
	s13 =	sor.u32 $0x3, s2;
	s14 =	sor.u32 $0x7, s2;
	v23 =	vor.u32 v4, v14;
	v21 =	vld.idx.msk [tilespmem:v12+s17+$0x0], $0xffff;
	[tilespmem:s6+$0xFFFFFFF0] =	vst v26  }
0x23c: {  	s15 =	sor.u32 $0x6, s2;
	v14 =	vor.u32 s2, v23;
	v12 =	vor.u32 s12, v23;
	s12 =	sor.u32 $0x2, s2;
	v20 =	vor.u32 s14, v23;
	v22 =	vld.idx.msk [tilespmem:v25+s17+$0x0], $0xffff  }
0x23d: {  	s10 =	sadd.s32 $0x1, s10;
	v19 =	vor.u32 s13, v23;
	s13 =	sor.u32 $0x4, s2;
	v24 =	vor.u32 s15, v23;
	v15 =	vor.u32 s12, v23;
	s12 =	sor.u32 $0x5, s2;
	[tilespmem:s6+$0xFFFFFFE0] =	vst v27  }
0x23e: {  	_ =	sdelay $0x3  }
0x23f: {  	[tilespmem:s6+$0xFFFFFFB0] =	vst v17;
	v16 =	vld.idx.msk [tilespmem:v16+s17+$0x0], $0xffff  }
0x240: {  	s2 =	sand.u32 $0x30, s10;
	[tilespmem:s6+$0xFFFFFFC0] =	vst v8;
	v13 =	vld.idx.msk [tilespmem:v13+s17+$0x0], $0xffff  }
0x241: {  	v8 =	vor.u32 s13, v23;
	v9 =	vld.idx.msk [tilespmem:v9+s17+$0x0], $0xffff;
	[tilespmem:s7+$0xFFFFFF90] =	vst v11;
	s2 =	sadd.s32 $0x30, s2  }
0x242: {  	v10 =	vld.idx.msk [tilespmem:v10+s17+$0x0], $0xffff;
	[tilespmem:s7+$0x0] =	vst v18;
	v17 =	vmov s2  }
0x243: {  	v20 =	vld.idx.msk [tilespmem:v20+s17+$0x0], $0xffff;
	[tilespmem:s7+$0xFFFFFFA0] =	vst v21;
	v17 =	vshll.u32 v17, $0x8  }
0x244: {  	v12 =	vld.idx.msk [tilespmem:v12+s17+$0x0], $0xffff;
	v18 =	vor.u32 s12, v23;
	[tilespmem:s7+$0xFFFFFFD0] =	vst v22;
	v17 =	vor.u32 v3, v17  }
0x245: {  	s14 =	sand.u32 $0x78, s9;
	v19 =	vld.idx.msk [tilespmem:v19+s17+$0x0], $0xffff;
	v11 =	vand.u32 $0x7800, v17;
	[tilespmem:s7+$0xFFFFFFF0] =	vst v16  }
0x246: {  	s15 =	sor.u32 $0x7, s14;
	v8 =	vld.idx.msk [tilespmem:v8+s17+$0x0], $0xffff;
	[tilespmem:s7+$0xFFFFFFE0] =	vst v13;
	v11 =	vor.u32 v4, v11  }
0x247: {  	s8 =	sor.u32 $0x1, s14;
	v13 =	vld.idx.msk [tilespmem:v14+s17+$0x0], $0xffff;
	[tilespmem:s7+$0xFFFFFFB0] =	vst v9;
	v14 =	vor.u32 s15, v11  }
0x248: {  	s5 =	sadd.s32 $0x80, s5;
	v16 =	vld.idx.msk [tilespmem:v24+s17+$0x0], $0xffff;
	[tilespmem:s7+$0xFFFFFFC0] =	vst v10;
	v9 =	vor.u32 s8, v11  }
0x249: {  	s9 =	sor.u32 $0x6, s14;
	[tilespmem:s5+$0x0] =	vst v20;
	v17 =	vld.idx.msk [tilespmem:v18+s17+$0x0], $0xffff;
	v18 =	vor.u32 s14, v11  }
0x24a: {  	[tilespmem:s5+$0xFFFFFFA0] =	vst v12;
	v12 =	vld.idx.msk [tilespmem:v15+s17+$0x0], $0xffff;
	s8 =	sor.u32 $0x4, s14;
	v15 =	vor.u32 s9, v11  }
0x24b: {  	s10 =	sor.u32 $0x5, s14;
	[tilespmem:s5+$0xFFFFFFC0] =	vst v19;
	v10 =	vor.u32 s8, v11  }
0x24c: {  	s12 =	sor.u32 $0x2, s14;
	s2 =	sor.u32 $0x3, s14;
	[tilespmem:s5+$0xFFFFFFD0] =	vst v8;
	v8 =	vor.u32 s10, v11;
	v14 =	vld.idx.msk [tilespmem:v14+s17+$0x0], $0xffff  }
0x24d: {  	[tilespmem:s5+$0xFFFFFF90] =	vst v13;
	v13 =	vor.u32 s12, v11;
	v11 =	vor.u32 s2, v11;
	v9 =	vld.idx.msk [tilespmem:v9+s17+$0x0], $0xffff  }
0x24e: {  	[tilespmem:s5+$0xFFFFFFF0] =	vst v16;
	v16 =	vld.idx.msk [tilespmem:v18+s17+$0x0], $0xffff  }
0x24f: {  	[tilespmem:s5+$0xFFFFFFB0] =	vst v12;
	v12 =	vld.idx.msk [tilespmem:v15+s17+$0x0], $0xffff  }
0x250: {  	s13 =	sadd.s32 $0x80, s5;
	[tilespmem:s5+$0xFFFFFFE0] =	vst v17;
	v10 =	vld.idx.msk [tilespmem:v10+s17+$0x0], $0xffff  }
0x251: {  	v8 =	vld.idx.msk [tilespmem:v8+s17+$0x0], $0xffff;
	[tilespmem:s13+$0x0] =	vst v14  }
0x252: {  	v11 =	vld.idx.msk [tilespmem:v11+s17+$0x0], $0xffff;
	[tilespmem:s13+$0xFFFFFFA0] =	vst v9  }
0x253: {  	v9 =	vld.idx.msk [tilespmem:v13+s17+$0x0], $0xffff;
	[tilespmem:s13+$0xFFFFFF90] =	vst v16  }
0x254: {  	[tilespmem:s13+$0xFFFFFFF0] =	vst v12  }
0x255: {  	[tilespmem:s13+$0xFFFFFFD0] =	vst v10  }
0x256: {  	[tilespmem:s13+$0xFFFFFFE0] =	vst v8  }
0x257: {  	[tilespmem:s13+$0xFFFFFFC0] =	vst v11  }
0x258: {  	[tilespmem:s13+$0xFFFFFFB0] =	vst v9  }
0x259: {  	s14 =	simm.s32 $0x0;
	s15 =	simm.s32 $0x7880;
	s5 =	rddreg [dreg:$0xa]  }
0x25a: {  	[hbm4b:s5+s14] =	stream.linear.scatter [tilespmem:s15], [sflag:$0x4], $0x1800, $0x38;
	[tilespmem:$0x9080] =	vst v63  }
0x25b: {  	s6 =	rddreg [dreg:$0x15]  }
0x25c: {  	[tilespmem:s23], [sflag:$0x2] =	stream.indirect_vreg.gather [hbm4b:s6+s14], $0x80, v6, vm0, $0xb8;
	[tilespmem:$0x9080] =	vst v63  }
0x25d: {  	s7 =	sld [smem:$0x7F2]  }
0x25e: {  	[tilespmem:s24], [sflag:$0x2] =	stream.indirect_vreg.gather [hbm4b:s6+s14], $0x80, v7, vm0, $0xb8;
	[tilespmem:$0x9080] =	vst v63  }
0x25f: {  	_ = 	snop  }
0x260: {  	[tilespmem:s25], [sflag:$0x2] =	stream.indirect_vreg.gather [hbm4b:s7+s14], $0x80, v6, vm0, $0xb8;
	[tilespmem:$0x9080] =	vst v63  }
0x261: {  	s8 =	sld [smem:$0x7F3]  }
0x262: {  	[tilespmem:s26], [sflag:$0x2] =	stream.indirect_vreg.gather [hbm4b:s7+s14], $0x80, v7, vm0, $0xb8;
	[tilespmem:$0x9080] =	vst v63  }
0x263: {  	_ = 	snop  }
0x264: {  	[tilespmem:s28], [sflag:$0x2] =	stream.indirect_vreg.gather [hbm4b:s8+s14], $0x80, v6, vm0, $0xb8;
	[tilespmem:$0x9080] =	vst v63  }
0x265: {  	_ = 	snop  }
0x266: {  	[tilespmem:s29], [sflag:$0x2] =	stream.indirect_vreg.gather [hbm4b:s8+s14], $0x80, v7, vm0, $0xb8;
	[tilespmem:$0x9080] =	vst v63  }
0x267: {  	_ =	swait.ge [sflag:s11], $0x1800  }
0x268: {  	s2 =	sand.u32 $0x30, s14;
	[sflag:s11] =	ssyncset.done $0x0  }
0x269: {  	v8 =	vmov s2;
	[sflag:s11] =	ssyncadd.s32 $0xFFFFE800  }
0x26a: {  	v8 =	vshll.u32 v8, $0x8;
	_ =	swait.ge [sflag:s30], $0x800  }
0x26b: {  	v8 =	vor.u32 v3, v8;
	[sflag:s30] =	ssyncset.done $0x0  }
0x26c: {  	s9 =	simm.s32 $0x0;
	v8 =	vand.u32 $0x3800, v8;
	[sflag:s30] =	ssyncadd.s32 $0xFFFFF800  }
0x26d: {  	s2 =	sand.u32 $0x78, s9;
	v8 =	vor.u32 v4, v8;
	_ =	swait.ge [sflag:s30], $0x800  }
0x26e: {  	s10 =	sor.u32 $0x1, s2;
	s13 =	simm.s32 $0x1;
	v9 =	vor.u32 s2, v8;
	[sflag:s30] =	ssyncset.done $0x0  }
0x26f: {  	s12 =	sor.u32 $0x2, s2;
	s5 =	sand.u32 $0x30, s13;
	v10 =	vor.u32 s10, v8;
	[sflag:s30] =	ssyncadd.s32 $0xFFFFF800  }
0x270: {  	v11 =	vor.u32 s12, v8;
	v12 =	vmov s5;
	s14 =	sor.u32 $0x3, s2;
	_ =	swait.ge [sflag:s30], $0x800  }
0x271: {  	s15 =	sor.u32 $0x4, s2;
	v12 =	vshll.u32 v12, $0x8;
	v13 =	vor.u32 s14, v8;
	[sflag:s30] =	ssyncset.done $0x0  }
0x272: {  	v14 =	vor.u32 s15, v8;
	s10 =	simm.s32 $0x8;
	v12 =	vor.u32 v3, v12;
	s8 =	sor.u32 $0x5, s2;
	[sflag:s30] =	ssyncadd.s32 $0xFFFFF800  }
0x273: {  	s9 =	sor.u32 $0x6, s2;
	v12 =	vand.u32 $0x3800, v12;
	s7 =	sand.u32 $0x78, s10;
	v15 =	vor.u32 s8, v8;
	v9 =	vld.idx.msk [tilespmem:v9+s17+$0x0], $0xffff  }
0x274: {  	v16 =	vor.u32 s9, v8;
	v12 =	vor.u32 v4, v12;
	s12 =	sor.u32 $0x1, s7;
	v10 =	vld.idx.msk [tilespmem:v10+s17+$0x0], $0xffff  }
0x275: {  	s13 =	sor.u32 $0x2, s7;
	v19 =	vor.u32 s12, v12;
	v17 =	vld.idx.msk [tilespmem:v11+s17+$0x0], $0xffff  }
0x276: {  	v21 =	vor.u32 s13, v12;
	s2 =	sor.u32 $0x7, s2;
	v18 =	vld.idx.msk [tilespmem:v13+s17+$0x0], $0xffff  }
0x277: {  	v8 =	vor.u32 s2, v8;
	v20 =	vld.idx.msk [tilespmem:v14+s17+$0x0], $0xffff  }
0x278: {  	s15 =	sor.u32 $0x3, s7;
	s14 =	simm.s32 $0x2;
	v11 =	vor.u32 s7, v12;
	v22 =	vld.idx.msk [tilespmem:v15+s17+$0x0], $0xffff  }
0x279: {  	s5 =	simm.s32 $0x60C0;
	s9 =	sor.u32 $0x4, s7;
	v23 =	vor.u32 s15, v12;
	s2 =	sand.u32 $0x30, s14;
	v63 =	vld.idx.msk [tilespmem:v16+s17+$0x0], $0xffff  }
0x27a: {  	v25 =	vor.u32 s9, v12;
	v13 =	vmov s2;
	v14 =	vld.idx.msk [tilespmem:v19+s17+$0x0], $0xffff;
	[tilespmem:s5+$0xFFFFFFC0] =	vst v9  }
0x27b: {  	s10 =	sor.u32 $0x5, s7;
	v16 =	vld.idx.msk [tilespmem:v21+s17+$0x0], $0xffff;
	v9 =	vshll.u32 v13, $0x8;
	[tilespmem:s5+$0xFFFFFFD0] =	vst v10  }
0x27c: {  	s6 =	simm.s32 $0x10;
	s12 =	sor.u32 $0x6, s7;
	v13 =	vld.idx.msk [tilespmem:v8+s17+$0x0], $0xffff;
	[tilespmem:s5+$0xFFFFFFE0] =	vst v17;
	v8 =	vor.u32 v3, v9;
	v9 =	vor.u32 s10, v12  }
0x27d: {  	s7 =	sor.u32 $0x7, s7;
	s2 =	sand.u32 $0x78, s6;
	v11 =	vld.idx.msk [tilespmem:v11+s17+$0x0], $0xffff;
	[tilespmem:s5+$0xFFFFFFF0] =	vst v18;
	v10 =	vor.u32 s12, v12;
	v8 =	vand.u32 $0x3800, v8  }
0x27e: {  	s9 =	simm.s32 $0x3;
	v19 =	vld.idx.msk [tilespmem:v23+s17+$0x0], $0xffff;
	s13 =	sor.u32 $0x2, s2;
	v17 =	vor.u32 s7, v12;
	[tilespmem:s5+$0x0] =	vst v20;
	v8 =	vor.u32 v4, v8  }
0x27f: {  	s8 =	sor.u32 $0x3, s2;
	s14 =	sor.u32 $0x4, s2;
	s15 =	sor.u32 $0x1, s2;
	[tilespmem:s5+$0x10] =	vst v22;
	v20 =	vld.idx.msk [tilespmem:v25+s17+$0x0], $0xffff;
	v18 =	vor.u32 s2, v8  }
0x280: {  	s12 =	sor.u32 $0x6, s2;
	s7 =	sor.u32 $0x7, s2;
	[tilespmem:s5+$0x20] =	vst v63;
	s10 =	sor.u32 $0x5, s2;
	v15 =	vor.u32 s13, v8;
	v21 =	vor.u32 s15, v8;
	v12 =	vor.u32 s14, v8  }
.LBB2_15:
0x281: {  	s6 =	sadd.s32 $0x8, s6;
	s2 =	sand.u32 $0x30, s9;
	v22 =	vor.u32 s12, v8;
	v23 =	vld.idx.msk [tilespmem:v9+s17+$0x0], $0xffff;
	v9 =	vor.u32 s10, v8;
	[tilespmem:s5+$0x30] =	vst v13;
	s5 =	sadd.s32 $0x80, s5  }
0x282: {  	v24 =	vor.u32 s8, v8;
	v13 =	vmov s2;
	p1 =	slt.u32 s6, $0x178;
	[tilespmem:s5+$0xFFFFFFC0] =	vst v11;
	v25 =	vld.idx.msk [tilespmem:v10+s17+$0x0], $0xffff;
	v10 =	vmov v22  }
0x283: {  	v11 =	vshll.u32 v13, $0x8;
	[tilespmem:s5+$0xFFFFFFD0] =	vst v14;
	v13 =	vld.idx.msk [tilespmem:v17+s17+$0x0], $0xffff  }
.Ltmp11:
0x284: {  	v14 =	vor.u32 v3, v11;
	v11 =	vld.idx.msk [tilespmem:v18+s17+$0x0], $0xffff;
	[tilespmem:s5+$0xFFFFFFE0] =	vst v16;
	(pc) =	sbr.rel @p1 .LBB2_15-.Ltmp11, $4  }
0x285: {  	s2 =	sand.u32 $0x78, s6;
	v18 =	vand.u32 $0x3800, v14;
	v14 =	vld.idx.msk [tilespmem:v21+s17+$0x0], $0xffff;
	[tilespmem:s5+$0xFFFFFFF0] =	vst v19  }
0x286: {  	s10 =	sor.u32 $0x2, s2;
	s8 =	sor.u32 $0x3, s2;
	s13 =	sor.u32 $0x4, s2;
	v17 =	vor.u32 s7, v8;
	v16 =	vld.idx.msk [tilespmem:v15+s17+$0x0], $0xffff;
	v8 =	vor.u32 v4, v18;
	[tilespmem:s5+$0x0] =	vst v20  }
0x287: {  	s7 =	sor.u32 $0x1, s2;
	s12 =	sor.u32 $0x6, s2;
	v18 =	vor.u32 s2, v8;
	v15 =	vor.u32 s10, v8;
	s10 =	sor.u32 $0x5, s2;
	v19 =	vld.idx.msk [tilespmem:v24+s17+$0x0], $0xffff;
	[tilespmem:s5+$0x10] =	vst v23  }
0x288: {  	s9 =	sadd.s32 $0x1, s9;
	v21 =	vor.u32 s7, v8;
	s7 =	sor.u32 $0x7, s2;
	v20 =	vld.idx.msk [tilespmem:v12+s17+$0x0], $0xffff;
	v12 =	vor.u32 s13, v8;
	[tilespmem:s5+$0x20] =	vst v25  }
0x289: {  	_ =	sdelay $0x2  }
0x28a: {  	[tilespmem:s5+$0x30] =	vst v13;
	s2 =	sadd.s32 $0x80, s5  }
0x28b: {  	v9 =	vld.idx.msk [tilespmem:v9+s17+$0x0], $0xffff;
	[tilespmem:s2+$0xFFFFFFC0] =	vst v11  }
0x28c: {  	v10 =	vld.idx.msk [tilespmem:v10+s17+$0x0], $0xffff;
	[tilespmem:s2+$0xFFFFFFD0] =	vst v14  }
0x28d: {  	v13 =	vld.idx.msk [tilespmem:v17+s17+$0x0], $0xffff;
	v17 =	vor.u32 s12, v8;
	[tilespmem:s2+$0xFFFFFFE0] =	vst v16  }
0x28e: {  	v15 =	vld.idx.msk [tilespmem:v15+s17+$0x0], $0xffff;
	v11 =	vor.u32 s8, v8;
	[tilespmem:s2+$0xFFFFFFF0] =	vst v19  }
0x28f: {  	v14 =	vor.u32 s10, v8;
	v16 =	vld.idx.msk [tilespmem:v18+s17+$0x0], $0xffff;
	[tilespmem:s2+$0x0] =	vst v20  }
0x290: {  	v8 =	vor.u32 s7, v8;
	v18 =	vld.idx.msk [tilespmem:v21+s17+$0x0], $0xffff;
	[tilespmem:s2+$0x10] =	vst v9  }
0x291: {  	[tilespmem:s2+$0x20] =	vst v10;
	v10 =	vld.idx.msk [tilespmem:v12+s17+$0x0], $0xffff  }
0x292: {  	[tilespmem:s2+$0x30] =	vst v13;
	s2 =	sadd.s32 $0x80, s2;
	v12 =	vld.idx.msk [tilespmem:v17+s17+$0x0], $0xffff  }
0x293: {  	v9 =	vld.idx.msk [tilespmem:v11+s17+$0x0], $0xffff;
	[tilespmem:s2+$0xFFFFFFE0] =	vst v15  }
0x294: {  	v11 =	vld.idx.msk [tilespmem:v14+s17+$0x0], $0xffff;
	[tilespmem:s2+$0xFFFFFFC0] =	vst v16  }
0x295: {  	v8 =	vld.idx.msk [tilespmem:v8+s17+$0x0], $0xffff;
	[tilespmem:s2+$0xFFFFFFD0] =	vst v18  }
0x296: {  	[tilespmem:s2+$0x0] =	vst v10  }
0x297: {  	[tilespmem:s2+$0x20] =	vst v12  }
0x298: {  	[tilespmem:s2+$0xFFFFFFF0] =	vst v9  }
0x299: {  	[tilespmem:s2+$0x10] =	vst v11  }
0x29a: {  	[tilespmem:s2+$0x30] =	vst v8  }
0x29b: {  	s15 =	rddreg [dreg:$0xb]  }
0x29c: {  	s14 =	simm.s32 $0x0;
	s6 =	sld [smem:$0x7F4]  }
0x29d: {  	[hbm4b:s15+s14] =	stream.linear.scatter [tilespmem:s31], [sflag:$0x3], $0x1800, $0x38;
	[tilespmem:$0x9080] =	vst v63  }
0x29e: {  	_ = 	snop  }
0x29f: {  	[tilespmem:s17], [sflag:$0x1] =	stream.indirect_vreg.gather [hbm4b:s6+s14], $0x80, v6, vm0, $0xb8;
	[tilespmem:$0x9080] =	vst v63  }
0x2a0: {  	_ = 	snop  }
0x2a1: {  	[tilespmem:s18], [sflag:$0x1] =	stream.indirect_vreg.gather [hbm4b:s6+s14], $0x80, v7, vm0, $0xb8;
	[tilespmem:$0x9080] =	vst v63  }
0x2a2: {  	s2 =	sand.u32 $0x30, s14;
	_ =	swait.ge [sflag:s1], $0x1800  }
0x2a3: {  	s2 =	sadd.s32 $0x30, s2;
	[sflag:s1] =	ssyncset.done $0x0  }
0x2a4: {  	v6 =	vmov s2;
	[sflag:s1] =	ssyncadd.s32 $0xFFFFE800  }
0x2a5: {  	v6 =	vshll.u32 v6, $0x8;
	_ =	swait.ge [sflag:s0], $0x800  }
0x2a6: {  	v6 =	vor.u32 v3, v6;
	[sflag:s0] =	ssyncset.done $0x0  }
0x2a7: {  	s7 =	simm.s32 $0x0;
	v6 =	vand.u32 $0x7800, v6;
	[sflag:s0] =	ssyncadd.s32 $0xFFFFF800  }
0x2a8: {  	s2 =	sand.u32 $0x78, s7;
	v6 =	vor.u32 v4, v6;
	_ =	swait.ge [sflag:s0], $0x800  }
0x2a9: {  	s8 =	sor.u32 $0x7, s2;
	s6 =	simm.s32 $0x1;
	v7 =	vor.u32 s2, v6;
	[sflag:s0] =	ssyncset.done $0x0  }
0x2aa: {  	s9 =	sor.u32 $0x1, s2;
	s10 =	sand.u32 $0x30, s6;
	v8 =	vor.u32 s8, v6;
	[sflag:s0] =	ssyncadd.s32 $0xFFFFF800  }
0x2ab: {  	s12 =	sor.u32 $0x4, s2;
	s5 =	sadd.s32 $0x30, s10;
	v9 =	vor.u32 s9, v6;
	_ =	swait.ge [sflag:s0], $0x800  }
0x2ac: {  	s13 =	sor.u32 $0x6, s2;
	v10 =	vor.u32 s12, v6;
	v11 =	vmov s5;
	[sflag:s0] =	ssyncset.done $0x0  }
0x2ad: {  	s14 =	sor.u32 $0x5, s2;
	v12 =	vor.u32 s13, v6;
	v11 =	vshll.u32 v11, $0x8;
	[sflag:s0] =	ssyncadd.s32 $0xFFFFF800  }
0x2ae: {  	s15 =	sor.u32 $0x3, s2;
	v13 =	vor.u32 s14, v6;
	s2 =	sor.u32 $0x2, s2;
	v11 =	vor.u32 v3, v11;
	v14 =	vld.idx.msk [tilespmem:v7+s17+$0x0], $0xffff  }
0x2af: {  	s7 =	simm.s32 $0x8;
	v15 =	vor.u32 s2, v6;
	v11 =	vand.u32 $0x7800, v11;
	v8 =	vld.idx.msk [tilespmem:v8+s17+$0x0], $0xffff  }
0x2b0: {  	s2 =	sand.u32 $0x78, s7;
	v11 =	vor.u32 v4, v11;
	v7 =	vor.u32 s15, v6;
	v9 =	vld.idx.msk [tilespmem:v9+s17+$0x0], $0xffff  }
0x2b1: {  	s8 =	simm.s32 $0x2;
	s5 =	sor.u32 $0x7, s2;
	v16 =	vor.u32 s2, v11;
	v10 =	vld.idx.msk [tilespmem:v10+s17+$0x0], $0xffff  }
0x2b2: {  	s10 =	sand.u32 $0x30, s8;
	s12 =	sor.u32 $0x4, s2;
	v17 =	vor.u32 s5, v11;
	v12 =	vld.idx.msk [tilespmem:v12+s17+$0x0], $0xffff  }
0x2b3: {  	s6 =	simm.s32 $0x78F0;
	s9 =	sor.u32 $0x1, s2;
	s5 =	sadd.s32 $0x30, s10;
	v23 =	vld.idx.msk [tilespmem:v13+s17+$0x0], $0xffff;
	v13 =	vor.u32 s12, v11  }
0x2b4: {  	v18 =	vor.u32 s9, v11;
	v19 =	vmov s5;
	v15 =	vld.idx.msk [tilespmem:v15+s17+$0x0], $0xffff;
	[tilespmem:s6+$0x0] =	vst v8  }
0x2b5: {  	s13 =	simm.s32 $0x10;
	s14 =	sor.u32 $0x3, s2;
	s9 =	sor.u32 $0x6, s2;
	v6 =	vld.idx.msk [tilespmem:v7+s17+$0x0], $0xffff;
	v7 =	vshll.u32 v19, $0x8;
	[tilespmem:s6+$0xFFFFFFA0] =	vst v9  }
0x2b6: {  	s8 =	simm.s32 $0x18;
	s15 =	sor.u32 $0x2, s2;
	s2 =	sor.u32 $0x5, s2;
	v9 =	vld.idx.msk [tilespmem:v16+s17+$0x0], $0xffff;
	v8 =	vor.u32 s14, v11;
	[tilespmem:s6+$0xFFFFFF90] =	vst v14;
	v14 =	vor.u32 s9, v11;
	v19 =	vor.u32 v3, v7  }
0x2b7: {  	s7 =	simm.s32 $0x7970;
	s10 =	sand.u32 $0x78, s13;
	s5 =	simm.s32 $0x7970;
	[tilespmem:s6+$0xFFFFFFD0] =	vst v10;
	v16 =	vld.idx.msk [tilespmem:v17+s17+$0x0], $0xffff;
	v7 =	vor.u32 s15, v11;
	v11 =	vor.u32 s2, v11;
	v10 =	vand.u32 $0x7800, v19  }
0x2b8: {  	s13 =	sor.u32 $0x7, s10;
	s12 =	sor.u32 $0x1, s10;
	[tilespmem:s6+$0xFFFFFFF0] =	vst v12;
	s14 =	sor.u32 $0x2, s10;
	v20 =	vld.idx.msk [tilespmem:v13+s17+$0x0], $0xffff;
	v21 =	vor.u32 v4, v10  }
0x2b9: {  	s9 =	simm.s32 $0x18;
	s2 =	sor.u32 $0x3, s10;
	s15 =	sor.u32 $0x6, s10;
	v19 =	vld.idx.msk [tilespmem:v18+s17+$0x0], $0xffff;
	v12 =	vor.u32 s10, v21;
	v10 =	vor.u32 s12, v21;
	v18 =	vor.u32 s13, v21  }
0x2ba: {  	[tilespmem:s6+$0xFFFFFFE0] =	vst v23;
	s13 =	sor.u32 $0x4, s10;
	s12 =	sor.u32 $0x5, s10;
	v13 =	vor.u32 s14, v21;
	v17 =	vor.u32 s2, v21;
	v22 =	vor.u32 s15, v21;
	s10 =	simm.s32 $0x3  }
.LBB2_17:
0x2bb: {  	s8 =	sadd.s32 $0x8, s8;
	s2 =	sand.u32 $0x30, s10;
	v23 =	vor.u32 s13, v21;
	v26 =	vor.u32 s12, v21;
	v24 =	vld.idx.msk [tilespmem:v14+s17+$0x0], $0xffff;
	s5 =	sadd.s32 $0x80, s5;
	[tilespmem:s6+$0xFFFFFFB0] =	vst v15;
	v14 =	vmov v22  }
0x2bc: {  	v21 =	vmov v9;
	p1 =	slt.u32 s8, $0x178;
	s2 =	sadd.s32 $0x30, s2;
	v25 =	vld.idx.msk [tilespmem:v11+s17+$0x0], $0xffff;
	[tilespmem:s6+$0xFFFFFFC0] =	vst v6;
	v11 =	vmov v26;
	s6 =	smov.u32 s7  }
0x2bd: {  	s7 =	smov.u32 s5;
	v9 =	vmov s2;
	v6 =	vld.idx.msk [tilespmem:v8+s17+$0x0], $0xffff;
	[tilespmem:s6+$0x0] =	vst v16;
	v8 =	vmov v17  }
0x2be: {  	v9 =	vshll.u32 v9, $0x8;
	[tilespmem:s6+$0xFFFFFFA0] =	vst v19;
	v15 =	vld.idx.msk [tilespmem:v7+s17+$0x0], $0xffff;
	v7 =	vmov v13  }
.Ltmp12:
0x2bf: {  	v13 =	vor.u32 v3, v9;
	v9 =	vld.idx.msk [tilespmem:v12+s17+$0x0], $0xffff;
	[tilespmem:s6+$0xFFFFFFD0] =	vst v20;
	(pc) =	sbr.rel @p1 .LBB2_17-.Ltmp12, $4  }
0x2c0: {  	s2 =	sand.u32 $0x78, s9;
	s9 =	smov.u32 s8;
	v12 =	vand.u32 $0x7800, v13;
	v16 =	vld.idx.msk [tilespmem:v18+s17+$0x0], $0xffff;
	[tilespmem:s6+$0xFFFFFF90] =	vst v21  }
0x2c1: {  	s12 =	sor.u32 $0x1, s2;
	s13 =	sor.u32 $0x3, s2;
	s14 =	sor.u32 $0x7, s2;
	v21 =	vor.u32 v4, v12;
	v19 =	vld.idx.msk [tilespmem:v10+s17+$0x0], $0xffff;
	[tilespmem:s6+$0xFFFFFFF0] =	vst v24  }
0x2c2: {  	s15 =	sor.u32 $0x6, s2;
	v12 =	vor.u32 s2, v21;
	v10 =	vor.u32 s12, v21;
	s12 =	sor.u32 $0x2, s2;
	v18 =	vor.u32 s14, v21;
	v20 =	vld.idx.msk [tilespmem:v23+s17+$0x0], $0xffff  }
0x2c3: {  	s10 =	sadd.s32 $0x1, s10;
	v17 =	vor.u32 s13, v21;
	s13 =	sor.u32 $0x4, s2;
	v22 =	vor.u32 s15, v21;
	v13 =	vor.u32 s12, v21;
	s12 =	sor.u32 $0x5, s2;
	[tilespmem:s6+$0xFFFFFFE0] =	vst v25  }
0x2c4: {  	_ =	sdelay $0x3  }
0x2c5: {  	[tilespmem:s6+$0xFFFFFFB0] =	vst v15;
	v14 =	vld.idx.msk [tilespmem:v14+s17+$0x0], $0xffff  }
0x2c6: {  	s2 =	sand.u32 $0x30, s10;
	[tilespmem:s6+$0xFFFFFFC0] =	vst v6;
	v11 =	vld.idx.msk [tilespmem:v11+s17+$0x0], $0xffff  }
0x2c7: {  	v6 =	vor.u32 s13, v21;
	v7 =	vld.idx.msk [tilespmem:v7+s17+$0x0], $0xffff;
	[tilespmem:s7+$0xFFFFFF90] =	vst v9;
	s2 =	sadd.s32 $0x30, s2  }
0x2c8: {  	v8 =	vld.idx.msk [tilespmem:v8+s17+$0x0], $0xffff;
	[tilespmem:s7+$0x0] =	vst v16;
	v15 =	vmov s2  }
0x2c9: {  	v18 =	vld.idx.msk [tilespmem:v18+s17+$0x0], $0xffff;
	[tilespmem:s7+$0xFFFFFFA0] =	vst v19;
	v15 =	vshll.u32 v15, $0x8  }
0x2ca: {  	v10 =	vld.idx.msk [tilespmem:v10+s17+$0x0], $0xffff;
	[tilespmem:s7+$0xFFFFFFD0] =	vst v20;
	v15 =	vor.u32 v3, v15  }
0x2cb: {  	s9 =	sand.u32 $0x78, s9;
	v17 =	vld.idx.msk [tilespmem:v17+s17+$0x0], $0xffff;
	v16 =	vor.u32 s12, v21;
	v9 =	vand.u32 $0x7800, v15;
	[tilespmem:s7+$0xFFFFFFF0] =	vst v14  }
0x2cc: {  	s10 =	sor.u32 $0x7, s9;
	v6 =	vld.idx.msk [tilespmem:v6+s17+$0x0], $0xffff;
	[tilespmem:s7+$0xFFFFFFE0] =	vst v11;
	v9 =	vor.u32 v4, v9  }
0x2cd: {  	s8 =	sor.u32 $0x1, s9;
	v11 =	vld.idx.msk [tilespmem:v12+s17+$0x0], $0xffff;
	[tilespmem:s7+$0xFFFFFFB0] =	vst v7;
	v12 =	vor.u32 s10, v9  }
0x2ce: {  	s5 =	sadd.s32 $0x80, s5;
	s12 =	sor.u32 $0x4, s9;
	v14 =	vld.idx.msk [tilespmem:v22+s17+$0x0], $0xffff;
	[tilespmem:s7+$0xFFFFFFC0] =	vst v8;
	v7 =	vor.u32 s8, v9  }
0x2cf: {  	[tilespmem:s5+$0xFFFFFFA0] =	vst v10;
	v10 =	vld.idx.msk [tilespmem:v13+s17+$0x0], $0xffff;
	v8 =	vor.u32 s12, v9  }
0x2d0: {  	s13 =	sor.u32 $0x6, s9;
	[tilespmem:s5+$0x0] =	vst v18;
	v15 =	vld.idx.msk [tilespmem:v16+s17+$0x0], $0xffff;
	v16 =	vor.u32 s9, v9  }
0x2d1: {  	s14 =	sor.u32 $0x5, s9;
	[tilespmem:s5+$0xFFFFFFC0] =	vst v17;
	v13 =	vor.u32 s13, v9  }
0x2d2: {  	s15 =	sor.u32 $0x2, s9;
	s2 =	sor.u32 $0x3, s9;
	[tilespmem:s5+$0xFFFFFFD0] =	vst v6;
	v6 =	vor.u32 s14, v9;
	v12 =	vld.idx.msk [tilespmem:v12+s17+$0x0], $0xffff  }
0x2d3: {  	[tilespmem:s5+$0xFFFFFF90] =	vst v11;
	v11 =	vor.u32 s15, v9;
	v9 =	vor.u32 s2, v9;
	v7 =	vld.idx.msk [tilespmem:v7+s17+$0x0], $0xffff  }
0x2d4: {  	[tilespmem:s5+$0xFFFFFFF0] =	vst v14;
	v8 =	vld.idx.msk [tilespmem:v8+s17+$0x0], $0xffff  }
0x2d5: {  	[tilespmem:s5+$0xFFFFFFB0] =	vst v10;
	v14 =	vld.idx.msk [tilespmem:v16+s17+$0x0], $0xffff  }
0x2d6: {  	s7 =	sadd.s32 $0x80, s5;
	[tilespmem:s5+$0xFFFFFFE0] =	vst v15;
	v10 =	vld.idx.msk [tilespmem:v13+s17+$0x0], $0xffff  }
0x2d7: {  	v6 =	vld.idx.msk [tilespmem:v6+s17+$0x0], $0xffff;
	[tilespmem:s7+$0x0] =	vst v12  }
0x2d8: {  	v9 =	vld.idx.msk [tilespmem:v9+s17+$0x0], $0xffff;
	[tilespmem:s7+$0xFFFFFFA0] =	vst v7  }
0x2d9: {  	v7 =	vld.idx.msk [tilespmem:v11+s17+$0x0], $0xffff;
	[tilespmem:s7+$0xFFFFFFD0] =	vst v8  }
0x2da: {  	[tilespmem:s7+$0xFFFFFF90] =	vst v14  }
0x2db: {  	[tilespmem:s7+$0xFFFFFFF0] =	vst v10  }
0x2dc: {  	[tilespmem:s7+$0xFFFFFFE0] =	vst v6  }
0x2dd: {  	[tilespmem:s7+$0xFFFFFFC0] =	vst v9  }
0x2de: {  	[tilespmem:s7+$0xFFFFFFB0] =	vst v7  }
0x2df: {  	s8 =	simm.s32 $0x7880;
	s2 =	simm.s32 $0x0;
	s5 =	rddreg [dreg:$0xc]  }
0x2e0: {  	[hbm4b:s5+s2] =	stream.linear.scatter [tilespmem:s8], [sflag:$0x4], $0x1800, $0x38;
	[tilespmem:$0x9080] =	vst v63  }
0x2e1: {  	s9 =	simm.s32 $0x7;
	_ =	swait.ge [sflag:s11], $0x1800  }
0x2e2: {  	s10 =	simm.s32 $0x1;
	v6 =	vor.u32 s9, v5;
	[sflag:s11] =	ssyncset.done $0x0  }
0x2e3: {  	s12 =	simm.s32 $0x2;
	v7 =	vor.u32 s10, v5;
	[sflag:s11] =	ssyncadd.s32 $0xFFFFE800  }
0x2e4: {  	s13 =	simm.s32 $0x3;
	v8 =	vor.u32 s12, v5;
	_ =	swait.ge [sflag:s30], $0x800  }
0x2e5: {  	s14 =	simm.s32 $0x4;
	v9 =	vor.u32 s13, v5;
	[sflag:s30] =	ssyncset.done $0x0  }
0x2e6: {  	s15 =	simm.s32 $0x5;
	v10 =	vor.u32 s14, v5;
	[sflag:s30] =	ssyncadd.s32 $0xFFFFF800  }
0x2e7: {  	s6 =	simm.s32 $0x6;
	v11 =	vor.u32 s15, v5;
	v6 =	vld.idx.msk [tilespmem:v6+s17+$0x0], $0xffff  }
0x2e8: {  	v12 =	vor.u32 s6, v5;
	s7 =	simm.s32 $0xF;
	v7 =	vld.idx.msk [tilespmem:v7+s17+$0x0], $0xffff  }
0x2e9: {  	v16 =	vor.u32 s7, v5;
	v14 =	vld.idx.msk [tilespmem:v8+s17+$0x0], $0xffff  }
0x2ea: {  	v13 =	vor.u32 s2, v5;
	s9 =	simm.s32 $0xA;
	v17 =	vld.idx.msk [tilespmem:v9+s17+$0x0], $0xffff  }
0x2eb: {  	v63 =	vor.u32 s9, v5;
	s8 =	simm.s32 $0x9;
	v19 =	vld.idx.msk [tilespmem:v10+s17+$0x0], $0xffff  }
0x2ec: {  	s10 =	simm.s32 $0xB;
	s5 =	simm.s32 $0x60C0;
	v18 =	vor.u32 s8, v5;
	v10 =	vld.idx.msk [tilespmem:v11+s17+$0x0], $0xffff  }
0x2ed: {  	s12 =	simm.s32 $0xC;
	v15 =	vor.u32 s10, v5;
	v9 =	vld.idx.msk [tilespmem:v12+s17+$0x0], $0xffff;
	[tilespmem:s5+$0x30] =	vst v6  }
0x2ee: {  	s13 =	simm.s32 $0xD;
	[tilespmem:s5+$0xFFFFFFD0] =	vst v7;
	v6 =	vld.idx.msk [tilespmem:v16+s17+$0x0], $0xffff;
	v16 =	vor.u32 s12, v5  }
0x2ef: {  	s15 =	simm.s32 $0xE;
	v8 =	vld.idx.msk [tilespmem:v13+s17+$0x0], $0xffff;
	v13 =	vor.u32 s13, v5;
	[tilespmem:s5+$0xFFFFFFE0] =	vst v14  }
0x2f0: {  	s14 =	simm.s32 $0x8;
	v11 =	vld.idx.msk [tilespmem:v63+s17+$0x0], $0xffff;
	[tilespmem:s5+$0xFFFFFFF0] =	vst v17;
	v14 =	vor.u32 s15, v5  }
0x2f1: {  	s6 =	simm.s32 $0x10;
	s7 =	simm.s32 $0x18;
	s8 =	simm.s32 $0x17;
	v12 =	vor.u32 s14, v5;
	v7 =	vld.idx.msk [tilespmem:v18+s17+$0x0], $0xffff;
	[tilespmem:s5+$0x0] =	vst v19  }
.LBB2_19:
0x2f2: {  	p1 =	slt.u32 s7, $0x78;
	s2 =	sadd.s32 $0x1, s6;
	v17 =	vor.u32 s8, v5;
	v18 =	vld.idx.msk [tilespmem:v15+s17+$0x0], $0xffff;
	[tilespmem:s5+$0x10] =	vst v10  }
0x2f3: {  	v19 =	vor.u32 s2, v5;
	s2 =	sadd.s32 $0x2, s6;
	v20 =	vld.idx.msk [tilespmem:v16+s17+$0x0], $0xffff;
	[tilespmem:s5+$0x20] =	vst v9  }
0x2f4: {  	v21 =	vor.u32 s2, v5;
	s2 =	sadd.s32 $0x3, s6;
	v10 =	vld.idx.msk [tilespmem:v13+s17+$0x0], $0xffff;
	[tilespmem:s5+$0xFFFFFFC0] =	vst v8;
	s5 =	sadd.s32 $0x80, s5  }
.Ltmp13:
0x2f5: {  	v15 =	vor.u32 s2, v5;
	s2 =	sadd.s32 $0x4, s6;
	v9 =	vld.idx.msk [tilespmem:v14+s17+$0x0], $0xffff;
	[tilespmem:s5+$0x30] =	vst v6;
	(pc) =	sbr.rel @p1 .LBB2_19-.Ltmp13, $4  }
0x2f6: {  	v16 =	vor.u32 s2, v5;
	s2 =	sadd.s32 $0x5, s6;
	v8 =	vld.idx.msk [tilespmem:v12+s17+$0x0], $0xffff;
	[tilespmem:s5+$0xFFFFFFD0] =	vst v7  }
0x2f7: {  	v13 =	vor.u32 s2, v5;
	s2 =	sadd.s32 $0x6, s6;
	v6 =	vld.idx.msk [tilespmem:v17+s17+$0x0], $0xffff;
	[tilespmem:s5+$0xFFFFFFE0] =	vst v11  }
0x2f8: {  	v7 =	vld.idx.msk [tilespmem:v19+s17+$0x0], $0xffff;
	v14 =	vor.u32 s2, v5;
	[tilespmem:s5+$0xFFFFFFF0] =	vst v18  }
0x2f9: {  	s8 =	sadd.s32 $0x7, s7;
	v12 =	vor.u32 s6, v5;
	s6 =	smov.u32 s7;
	s7 =	sadd.s32 $0x8, s7;
	v11 =	vld.idx.msk [tilespmem:v21+s17+$0x0], $0xffff;
	[tilespmem:s5+$0x0] =	vst v20  }
0x2fa: {  	_ =	sdelay $0x2  }
0x2fb: {  	[tilespmem:s5+$0x10] =	vst v10  }
0x2fc: {  	v56 =	vor.u32 s8, v5;
	v15 =	vld.idx.msk [tilespmem:v15+s17+$0x0], $0xffff;
	[tilespmem:s5+$0x20] =	vst v9  }
0x2fd: {  	s2 =	sadd.s32 $0x1, s6;
	v16 =	vld.idx.msk [tilespmem:v16+s17+$0x0], $0xffff;
	s9 =	sadd.s32 $0x80, s5;
	v61 =	vor.u32 s6, v5;
	[tilespmem:s5+$0xFFFFFFC0] =	vst v8  }
0x2fe: {  	s8 =	sadd.s32 $0x2, s6;
	v13 =	vld.idx.msk [tilespmem:v13+s17+$0x0], $0xffff;
	v57 =	vor.u32 s2, v5;
	[tilespmem:s9+$0x30] =	vst v6  }
0x2ff: {  	v14 =	vld.idx.msk [tilespmem:v14+s17+$0x0], $0xffff;
	s13 =	sadd.s32 $0x5, s6;
	v58 =	vor.u32 s8, v5;
	[tilespmem:s9+$0xFFFFFFD0] =	vst v7  }
0x300: {  	v12 =	vld.idx.msk [tilespmem:v12+s17+$0x0], $0xffff;
	s14 =	sadd.s32 $0x6, s6;
	v59 =	vor.u32 s13, v5;
	[tilespmem:s9+$0xFFFFFFE0] =	vst v11  }
0x301: {  	s10 =	sadd.s32 $0x3, s6;
	v60 =	vor.u32 s14, v5;
	v10 =	vld.idx.msk [tilespmem:v56+s17+$0x0], $0xffff;
	[tilespmem:s9+$0xFFFFFFF0] =	vst v15  }
0x302: {  	s12 =	sadd.s32 $0x4, s6;
	v6 =	vor.u32 s10, v5;
	[tilespmem:s9+$0x0] =	vst v16;
	v63 =	vld.idx.msk [tilespmem:v61+s17+$0x0], $0xffff  }
0x303: {  	v7 =	vor.u32 s12, v5;
	[tilespmem:s9+$0x10] =	vst v13;
	v9 =	vld.idx.msk [tilespmem:v57+s17+$0x0], $0xffff  }
0x304: {  	[tilespmem:s9+$0x20] =	vst v14;
	v8 =	vld.idx.msk [tilespmem:v58+s17+$0x0], $0xffff  }
0x305: {  	s15 =	sadd.s32 $0x80, s9;
	[tilespmem:s9+$0xFFFFFFC0] =	vst v12;
	v11 =	vld.idx.msk [tilespmem:v59+s17+$0x0], $0xffff  }
0x306: {  	v62 =	vld.idx.msk [tilespmem:v60+s17+$0x0], $0xffff;
	[tilespmem:s15+$0x30] =	vst v10  }
0x307: {  	v6 =	vld.idx.msk [tilespmem:v6+s17+$0x0], $0xffff;
	[tilespmem:s15+$0xFFFFFFC0] =	vst v63  }
0x308: {  	v7 =	vld.idx.msk [tilespmem:v7+s17+$0x0], $0xffff;
	[tilespmem:s15+$0xFFFFFFD0] =	vst v9  }
0x309: {  	[tilespmem:s15+$0xFFFFFFE0] =	vst v8  }
0x30a: {  	[tilespmem:s15+$0x10] =	vst v11  }
0x30b: {  	[tilespmem:s15+$0x20] =	vst v62  }
0x30c: {  	[tilespmem:s15+$0xFFFFFFF0] =	vst v6  }
0x30d: {  	[tilespmem:s15+$0x0] =	vst v7  }
0x30e: {  	s2 =	rddreg [dreg:$0xd]  }
0x30f: {  	[hbm4b:s2+s3] =	stream.linear.scatter [tilespmem:s31], [sflag:$0x3], $0x800, $0x38;
	[tilespmem:$0x9080] =	vst v63  }
0x310: {  	_ =	swait.ge [sflag:s11], $0x800  }
.Ltmp14:
0x311: {  	[sflag:s11] =	ssyncset.done $0x0;
	(pc) =	sbr.rel .LBB2_24-.Ltmp14, $4  }
0x312: {  	[sflag:s11] =	ssyncadd.s32 $0xFFFFF800  }
0x313: {  	_ =	swait.ge [sflag:s1], $0x1800  }
0x314: {  	[sflag:s1] =	ssyncset.done $0x0;
	s14 =	sld [smem:$0x7FD]  }
0x315: {  	[sflag:s1] =	ssyncadd.s32 $0xFFFFE800  }
.LBB2_25:
0x316: {  	_ =	sfence.sel $0x180000  }
0x317: {  	[bflag:$0x0] =	sbarrier.arrive $0xFFFF  }
0x318: {  	_ =	strace $0x90000047  }
0x319: {  	s0 =	stileid.u32;
	[bflag:$0x2] =	sbarrier.arrive $0xFFFF  }
0x31a: {  	p0 =	sne.s32 s0, $0x0;
	s0 =	rddreg [dreg:$0x4]  }
0x31b: {  	s0 =	sadd.s32 @!p0 $0x100000, s0  }
0x31c: {  	[sflag:s0] =	ssyncadd.tile.s32 @!p0 $0x1;
	_ =	shalt  }
.Lfunc_end2:
_tile_overlayer_lowered:
.L_overlay_start_2:
0x31d: {  	(tag) =	ssettag $0x2  }
0x31e: {  	s0 =	rddreg [dreg:$0x0];
	s2 =	stileid.u32  }
0x31f: {  	s1 =	rddreg [dreg:$0x1];
	p0 =	sne.s32 s2, $0x0  }
0x320: {  	s3 =	rddreg [dreg:$0x2];
	[bflag:$0x3] =	sbarrier.arrive $0xFFFF;
	s2 =	simm.s32 @!p0 $0x1C05  }
0x321: {  	[timem:s3], [sflag:s2] =	dma.local @!p0 [hbm:s0], s1  }
0x322: {  	s0 =	simm.s32 @!p0 $0x5  }
0x323: {  	_ =	swait.ge @!p0 [sflag:s0], s1  }
0x324: {  	s1 =	ssub.s32 @!p0 $0x0, s1;
	[sflag:s0] =	ssyncset.done @!p0 $0x0  }
0x325: {  	[sflag:s0] =	ssyncadd.s32 @!p0 s1  }
0x326: {  	[bflag:$0x3] =	sbarrier.arrive $0xFFFF  }
0x327: {  	_ =	shalt  }

// kernel: _sample.7.cloned.1.call-start
scs
__scs_entry_jumppad:
0x0: {  	(pc) =	sbr.rel $0x88, $3  }
0x1: {  	(tag) =	ssettag $0x0;
	lr =	simm.s32 $0x1  }
0x2: {  	[smem:$0x3F9D] =	sst lr;
	_ =	strace $0xD0000000  }
0x3: {  	_ = 	snop  }
0x4: {  	_ = 	snop  }
0x5: {  	_ = 	snop  }
0x6: {  	_ = 	snop  }
0x7: {  	_ = 	snop  }
__scs_overlays_trampoline_lowered:
0x8: {  	[smem:$0x3FAC] =	sst s0  }
0x9: {  	[smem:$0x3FAD] =	sst s1  }
0xa: {  	[smem:$0x3FAE] =	sst s2  }
0xb: {  	[smem:$0x3FAF] =	sst s3  }
0xc: {  	[smem:$0x3FB0] =	sst s4  }
0xd: {  	[smem:$0x3FB1] =	sst s5  }
0xe: {  	[smem:$0x3FB2] =	sst s6  }
0xf: {  	[smem:$0x3FB3] =	sst s7  }
0x10: {  	[smem:$0x3FB4] =	sst s8  }
0x11: {  	[smem:$0x3FB5] =	sst s9;
	s0 =	simm.s32 @!p0 $0x0  }
0x12: {  	s1 =	sld [smem:$0x3F9B];
	s0 =	simm.s32 @p0 $0x1  }
0x13: {  	[smem:$0x3FB6] =	sst s0;
	s0 =	simm.s32 @!p1 $0x0  }
0x14: {  	s2 =	sld [smem:$0x3F9A];
	s0 =	simm.s32 @p1 $0x1  }
0x15: {  	[smem:$0x3FB7] =	sst s0;
	s0 =	simm.s32 @!p2 $0x0  }
0x16: {  	s3 =	sld [smem:$0x3FDB];
	s0 =	simm.s32 @p2 $0x1  }
0x17: {  	s4 =	simm.s32 $0x1BF5;
	[smem:$0x3FB9] =	sst s0  }
0x18: {  	s0 =	sld [smem:$0x3F9C];
	_ =	swait.ge [sflag:s4], $0x0  }
0x19: {  	s7 =	sld [smem:$0x3F9D]  }
0x1a: {  	s8 =	sadd.s32 $0xFFFFE003, lr  }
0x1b: {  	s9 =	sadd.s32 $0xFFFFFEF7, lr;
	s5 =	simm.s32 $0xFFFFFFFF;
	p2 =	slt.u32 s8, $0xFFFFF086  }
0x1c: {  	p1 =	slt.u32 s9, $0xF7A;
	s5 =	simm.s32 @!p2 $0x0  }
0x1d: {  	s5 =	simm.s32 @p1 $0x1;
	p0 =	seq.s32 s7, s2  }
0x1e: {  	s7 =	smul.u32 @!p0 $0xF7A, s2;
	p2 =	seq.s32 @!p0 s5, $0x0  }
0x1f: {  	s9 =	smul.u32 $0xF7A, s1;
	s8 =	simm.s32 @!p0 $0x1BF5;
	p2 =	por !p2, p0  }
0x20: {  	[sflag:s8] =	ssyncset.s32 @!p0 $0xFFFFF086;
	s6 =	sadd.s32 @!p0 s3, s7;
	s7 =	simm.s32 @!p0 $0x108  }
0x21: {  	s3 =	sadd.s32 s3, s9;
	s6 =	sadd.s32 @!p0 $0x88, s6;
	s7 =	simm.s32 @p2 $0x1082  }
0x22: {  	[simem:s7], [sflag:s8] =	dma.local @!p0 [hbm:s6], $0xF7A  }
0x23: {  	s9 =	sor.u32 $0xD0000000, s2;
	s6 =	simm.s32 $0x108;
	_ =	swait.ge @!p0 [sflag:s8], $0x0  }
0x24: {  	s3 =	sadd.s32 $0x88, s3;
	s6 =	simm.s32 @!p1 $0x1082;
	[sflag:s4] =	ssyncset.s32 $0xFFFFF086  }
0x25: {  	[simem:s6], [sflag:s4] =	dma.local [hbm:s3], $0xF7A  }
0x26: {  	[smem:$0x3F9D] =	sst s1;
	(tag) =	ssettag s2;
	_ =	strace s9  }
0x27: {  	s1 =	sld [smem:$0x3FAD]  }
0x28: {  	s2 =	sld [smem:$0x3FAE]  }
0x29: {  	s4 =	sld [smem:$0x3FB0]  }
0x2a: {  	p0 =	seq.s32 s5, $0x0;
	s5 =	sld [smem:$0x3FB1]  }
0x2b: {  	s6 =	sld [smem:$0x3FB2]  }
0x2c: {  	s7 =	sld [smem:$0x3FB3]  }
0x2d: {  	s3 =	simm.s32 $0x108;
	s8 =	sld [smem:$0x3FB4]  }
0x2e: {  	s3 =	simm.s32 @!p0 $0x1082;
	s9 =	sld [smem:$0x3FB5]  }
0x2f: {  	lr =	sadd.s32 s0, s3;
	s0 =	sld [smem:$0x3FAC]  }
0x30: {  	s3 =	sld [smem:$0x3FAF]  }
0x31: {  	[smem:$0x3FB8] =	sst s10  }
0x32: {  	s10 =	sld [smem:$0x3FB6];
	_ =	sdelay $0x3  }
0x33: {  	p0 =	seq.s32 s10, $0x1;
	s10 =	sld [smem:$0x3FB8];
	_ =	sdelay $0x3  }
0x34: {  	[smem:$0x3FB8] =	sst s10  }
0x35: {  	s10 =	sld [smem:$0x3FB7];
	_ =	sdelay $0x3  }
0x36: {  	p1 =	seq.s32 s10, $0x1;
	s10 =	sld [smem:$0x3FB8];
	_ =	sdelay $0x3  }
0x37: {  	[smem:$0x3FB8] =	sst s10  }
0x38: {  	s10 =	sld [smem:$0x3FB9]  }
0x39: {  	_ = 	snop;
	(pc) =	sbr.ind lr, $3  }
0x3a: {  	_ = 	snop  }
0x3b: {  	_ = 	snop  }
0x3c: {  	p2 =	seq.s32 s10, $0x1;
	s10 =	sld [smem:$0x3FB8]  }
0x3d: {  	_ =	shalt  }
0x3e: {  	_ =	shalt  }
0x3f: {  	_ =	shalt  }
0x40: {  	_ =	shalt  }
0x41: {  	_ =	shalt  }
0x42: {  	_ =	shalt  }
0x43: {  	_ =	shalt  }
0x44: {  	_ =	shalt  }
0x45: {  	_ =	shalt  }
0x46: {  	_ =	shalt  }
0x47: {  	_ =	shalt  }
0x48: {  	_ =	shalt  }
0x49: {  	_ =	shalt  }
0x4a: {  	_ =	shalt  }
0x4b: {  	_ =	shalt  }
0x4c: {  	_ =	shalt  }
0x4d: {  	_ =	shalt  }
0x4e: {  	_ =	shalt  }
0x4f: {  	_ =	shalt  }
0x50: {  	_ =	shalt  }
0x51: {  	_ =	shalt  }
0x52: {  	_ =	shalt  }
0x53: {  	_ =	shalt  }
0x54: {  	_ =	shalt  }
0x55: {  	_ =	shalt  }
0x56: {  	_ =	shalt  }
0x57: {  	_ =	shalt  }
0x58: {  	_ =	shalt  }
0x59: {  	_ =	shalt  }
0x5a: {  	_ =	shalt  }
0x5b: {  	_ =	shalt  }
0x5c: {  	_ =	shalt  }
0x5d: {  	_ =	shalt  }
0x5e: {  	_ =	shalt  }
0x5f: {  	_ =	shalt  }
0x60: {  	_ =	shalt  }
0x61: {  	_ =	shalt  }
0x62: {  	_ =	shalt  }
0x63: {  	_ =	shalt  }
0x64: {  	_ =	shalt  }
0x65: {  	_ =	shalt  }
0x66: {  	_ =	shalt  }
0x67: {  	_ =	shalt  }
0x68: {  	_ =	shalt  }
0x69: {  	_ =	shalt  }
0x6a: {  	_ =	shalt  }
0x6b: {  	_ =	shalt  }
0x6c: {  	_ =	shalt  }
0x6d: {  	_ =	shalt  }
0x6e: {  	_ =	shalt  }
0x6f: {  	_ =	shalt  }
0x70: {  	_ =	shalt  }
0x71: {  	_ =	shalt  }
0x72: {  	_ =	shalt  }
0x73: {  	_ =	shalt  }
0x74: {  	_ =	shalt  }
0x75: {  	_ =	shalt  }
0x76: {  	_ =	shalt  }
0x77: {  	_ =	shalt  }
0x78: {  	_ =	shalt  }
0x79: {  	_ =	shalt  }
0x7a: {  	_ =	shalt  }
0x7b: {  	_ =	shalt  }
0x7c: {  	_ =	shalt  }
0x7d: {  	_ =	shalt  }
0x7e: {  	_ =	shalt  }
0x7f: {  	_ =	shalt  }
0x80: {  	_ =	shalt  }
0x81: {  	_ =	shalt  }
0x82: {  	_ =	shalt  }
0x83: {  	_ =	shalt  }
0x84: {  	_ =	shalt  }
0x85: {  	_ =	shalt  }
0x86: {  	_ =	shalt  }
0x87: {  	_ =	shalt  }
.Lfunc_end0:
.L_simem_size_0:
called_computation.1_lowered:
.L_overlay_start_0:
0x88: {  	s2 =	sld [smem:$0x3FD9]  }
0x89: {  	s3 =	sld [smem:$0x3FFE];
	_ =	sdelay $0x1  }
0x8a: {  	s1 =	srdreg.scid  }
0x8b: {  	s0 =	sand.u32 $0x1, s1  }
0x8c: {  	s17 =	sshll.u32 s0, $0xA;
	s2 =	sadd.s32 s3, s2  }
0x8d: {  	s2 =	sadd.s32 s2, s17  }
0x8e: {  	[smem:$0x3FC4] =	sst s2  }
0x8f: {  	_ = 	snop  }
0x90: {  	s2 =	sld [smem:$0x3FC9]  }
0x91: {  	s18 =	sld [smem:$0x3FD0];
	(tm) =	ssettm $0x1  }
0x92: {  	s4 =	sld [smem:$0x3FFB];
	_ =	sdelay $0x3  }
0x93: {  	_ =	strace s4  }
0x94: {  	s4 =	sld [smem:$0x3FFC];
	_ =	sdelay $0x3  }
0x95: {  	_ =	strace s4  }
0x96: {  	s4 =	sld [smem:$0x3FFD];
	_ =	sdelay $0x3  }
0x97: {  	_ =	strace s4  }
0x98: {  	_ =	strace $0x8FFFFFFF  }
0x99: {  	s19 =	sld [smem:$0x3FDB];
	_ =	sdelay $0x1  }
0x9a: {  	s5 =	simm.s32 $_scs_section_size  }
0x9b: {  	s6 =	simm.s32 $_size__tile_overlayer_lowered;
	s7 =	simm.s32 $_tile_overlayer_lowered  }
0x9c: {  	s22 =	simm.s32 $0x1BFF;
	s21 =	sshll.u32 s7, $0x1;
	s4 =	sadd.s32 s5, s19  }
0x9d: {  	s8 =	simm.s32 $0x0;
	s20 =	sshll.u32 s6, $0x1;
	s6 =	sadd.s32 s21, s4  }
0x9e: {  	[timem:s8], [sflag:s22] =	dma.local [hbm:s6], s20  }
0x9f: {  	_ =	swait.ge [sflag:s22], s20  }
0xa0: {  	s5 =	ssub.s32 $0x0, s20;
	[sflag:s22] =	ssyncset.done $0x0  }
0xa1: {  	[sflag:s22] =	ssyncadd.s32 s5;
	_ =	sdelay $0x1  }
0xa2: {  	s23 =	simm.s32 $0x1B8B  }
0xa3: {  	_ =	swait.ge [sflag:s23], $0x1  }
0xa4: {  	[sflag:s23] =	ssyncset.done $0x0  }
0xa5: {  	s25 =	simm.s32 $0x1B8E;
	s24 =	sld [smem:$0x3FFE];
	[sflag:s23] =	ssyncadd.s32 $0xFFFFFFFF  }
0xa6: {  	s26 =	simm.s32 $execute0_lowered;
	[smem:$0x3FD2] =	sst s25  }
0xa7: {  	s6 =	sshll.u32 s26, $0x1;
	_ =	strace $0x80000049;
	[dreg:$0x1] =	wrdreg $0xFFFFFFFF  }
0xa8: {  	s28 =	simm.s32 $_size_execute0_lowered;
	s4 =	sadd.s32 s4, s6;
	[dreg:$0x0] =	wrdreg $0x0  }
0xa9: {  	s6 =	sshll.u32 s28, $0x1;
	[dreg:$0x2] =	wrdreg s4  }
0xaa: {  	[dreg:$0x3] =	wrdreg s6  }
0xab: {  	[dreg:$0x4] =	wrdreg $0xC0  }
0xac: {  	_ =	task [dreg:s8], $0x5FFFF  }
0xad: {  	[dreg:$0x1] =	wrdreg $0xFFFFFFFF  }
0xae: {  	[dreg:$0x0] =	wrdreg $0x60  }
0xaf: {  	[dreg:$0x2] =	wrdreg s2  }
0xb0: {  	[dreg:$0x3] =	wrdreg s24  }
0xb1: {  	[dreg:$0x4] =	wrdreg s18  }
0xb2: {  	[dreg:$0x5] =	wrdreg $0x9  }
0xb3: {  	_ =	task.clear_ibuf [dreg:s8], $0x6FFFF;
	_ =	strace $0x90000049  }
0xb4: {  	s29 =	simm.s32 $0x9;
	_ =	strace $0x8000004B  }
0xb5: {  	_ =	swait.ge [sflag:s29], $0x1  }
0xb6: {  	[sflag:s29] =	ssyncadd.s32 $0xFFFFFFFF  }
0xb7: {  	_ =	strace $0x9000004B  }
0xb8: {  	_ =	sfence  }
0xb9: {  	s30 =	sld [smem:$0x0];
	_ =	sdelay $0x2  }
0xba: {  	s31 =	sshll.u32 s1, $0xD;
	s1 =	sshrl.u32 s1, $0x2  }
0xbb: {  	s3 =	sand.u32 $0x4000, s31;
	s1 =	sadd.s32 s1, s30  }
0xbc: {  	s0 =	sor.u32 s3, s0;
	s1 =	sshll.u32 s1, $0x11  }
0xbd: {  	s0 =	sor.u32 s1, s0  }
0xbe: {  	s0 =	sadd.s32 $0x8F2B, s0  }
0xbf: {  	[sflag:s0] =	ssyncadd.remote.s32 $0x1  }
0xc0: {  	_ =	sfence.sel $0xFFFF  }
0xc1: {  	[dreg:$0x0] =	wrdreg $0xFFFFFFFF;
	(pc) =	sbr.abs _section_cstart, $3  }
0xc2: {  	[dreg:$0x1] =	wrdreg $0xFFFFFFFF  }
0xc3: {  	_ =	task.clear_ibuf [dreg:s8], $0x2FFFF;
	_ =	strace $0x9FFFFFFF  }
0xc4: {  	(tm) =	ssettm $0x7FFFFFFF  }
0xc5: {  	_ =	shalt  }
tec
execute0_lowered:
.L_overlay_start_1:
0x0: {  	(tag) =	ssettag $0x1  }
0x1: {  	s3 =	rddreg [dreg:$0x0];
	s1 =	srdreg.scid  }
0x2: {  	s5 =	rddreg [dreg:$0x1];
	s0 =	stileid.u32;
	s23 =	sand.u32 $0x1, s1  }
0x3: {  	s14 =	rddreg [dreg:$0x2];
	s4 =	sshll.u32 s0, $0xC;
	s6 =	sshll.u32 s23, $0xB  }
0x4: {  	s2 =	simm.s32 $0x0;
	s1 =	rddreg [dreg:$0x3];
	s15 =	sor.u32 s6, s4  }
0x5: {  	[smem:$0x7FF] =	sst s2;
	s4 =	sshrl.u32 s15, $0x3  }
0x6: {  	_ =	strace $0x8000004A;
	s3 =	sadd.s32 s3, s4;
	s4 =	simm.s32 $0x9  }
0x7: {  	[tilespmem:s2], [sflag:$0x9] =	stream.linear.gather [hbm4b:s3+s2], $0x800, $0x38;
	[tilespmem:$0x8800] =	vst v63  }
0x8: {  	_ =	swait.ge [sflag:s4], $0x800  }
0x9: {  	s7 =	simm.s32 $0x800;
	[sflag:s4] =	ssyncset.done $0x0  }
0xa: {  	s5 =	sadd.s32 $0x800, s5;
	s6 =	simm.s32 $0x200;
	[sflag:s4] =	ssyncadd.s32 $0xFFFFF800  }
0xb: {  	[tilespmem:s7], [sflag:$0x1] =	stream.indirect.gather [hbm4b:s5+s6], $0x10, s2, s6, $0xb8;
	[tilespmem:$0x8800] =	vst v63  }
0xc: {  	s8 =	simm.s32 $0x2800  }
0xd: {  	[tilespmem:s8], [sflag:$0x2] =	stream.indirect.gather [hbm4b:s5+s6], $0x10, s6, s6, $0xb8;
	[tilespmem:$0x8800] =	vst v63  }
0xe: {  	s9 =	simm.s32 $0x400;
	s10 =	simm.s32 $0x4800  }
0xf: {  	[tilespmem:s10], [sflag:$0x3] =	stream.indirect.gather [hbm4b:s5+s6], $0x10, s9, s6, $0xb8;
	[tilespmem:$0x8800] =	vst v63  }
0x10: {  	s11 =	simm.s32 $0x600;
	s12 =	simm.s32 $0x6800;
	s13 =	simm.s32 $0x1  }
0x11: {  	[tilespmem:s12], [sflag:$0x4] =	stream.indirect.gather [hbm4b:s5+s6], $0x10, s11, s6, $0xb8;
	[tilespmem:$0x8800] =	vst v63  }
0x12: {  	_ =	swait.ge [sflag:s13], $0x2000  }
0x13: {  	s15 =	sshll.u32 s15, $0x1;
	[sflag:s13] =	ssyncset.done $0x0  }
0x14: {  	s14 =	sadd.s32 s14, s15;
	s15 =	simm.s32 $0x2;
	[sflag:s13] =	ssyncadd.s32 $0xFFFFE000  }
0x15: {  	[hbm4b:s14+s2] =	stream.linear.scatter [tilespmem:s7], [sflag:$0x5], $0x2000, $0x38;
	[tilespmem:$0x8800] =	vst v63  }
0x16: {  	_ =	swait.ge [sflag:s15], $0x2000  }
0x17: {  	[sflag:s15] =	ssyncset.done $0x0  }
0x18: {  	s17 =	simm.s32 $0x3;
	s16 =	sadd.s32 $0x400, s14;
	[sflag:s15] =	ssyncadd.s32 $0xFFFFE000  }
0x19: {  	[hbm4b:s16+s2] =	stream.linear.scatter [tilespmem:s8], [sflag:$0x6], $0x2000, $0x38;
	[tilespmem:$0x8800] =	vst v63  }
0x1a: {  	_ =	swait.ge [sflag:s17], $0x2000  }
0x1b: {  	[sflag:s17] =	ssyncset.done $0x0  }
0x1c: {  	s19 =	simm.s32 $0x4;
	s18 =	sadd.s32 $0x800, s14;
	[sflag:s17] =	ssyncadd.s32 $0xFFFFE000  }
0x1d: {  	[hbm4b:s18+s2] =	stream.linear.scatter [tilespmem:s10], [sflag:$0x7], $0x2000, $0x38;
	[tilespmem:$0x8800] =	vst v63  }
0x1e: {  	_ =	swait.ge [sflag:s19], $0x2000  }
0x1f: {  	[sflag:s19] =	ssyncset.done $0x0  }
0x20: {  	s21 =	simm.s32 $0x5;
	s20 =	sadd.s32 $0xC00, s14;
	[sflag:s19] =	ssyncadd.s32 $0xFFFFE000  }
0x21: {  	[hbm4b:s20+s2] =	stream.linear.scatter [tilespmem:s12], [sflag:$0x8], $0x2000, $0x38;
	[tilespmem:$0x8800] =	vst v63  }
0x22: {  	_ =	swait.ge [sflag:s21], $0x2000  }
0x23: {  	s24 =	ssub.s32 $0x2, s23;
	[sflag:s21] =	ssyncset.done $0x0  }
0x24: {  	s22 =	simm.s32 $0x6;
	s25 =	sshrl.u32 s24, $0x1;
	[sflag:s21] =	ssyncadd.s32 $0xFFFFE000  }
0x25: {  	s24 =	ssub.s32 s24, s25;
	_ =	swait.ge [sflag:s22], $0x2000  }
0x26: {  	s25 =	smax.u32 s24, $0x1;
	[sflag:s22] =	ssyncset.done $0x0  }
0x27: {  	s23 =	simm.s32 $0x7;
	p0 =	sne.s32 s25, $0x1;
	[sflag:s22] =	ssyncadd.s32 $0xFFFFE000  }
.Ltmp0:
0x28: {  	_ =	swait.ge [sflag:s23], $0x2000;
	(pc) =	sbr.rel @!p0 .LBB2_2-.Ltmp0, $4  }
0x29: {  	[sflag:s23] =	ssyncset.done $0x0  }
0x2a: {  	s24 =	simm.s32 $0x8;
	[sflag:s23] =	ssyncadd.s32 $0xFFFFE000  }
0x2b: {  	_ =	swait.ge [sflag:s24], $0x2000  }
0x2c: {  	s25 =	sadd.s32 $0xFFFFFFFF, s25;
	[sflag:s24] =	ssyncset.done $0x0  }
.LBB2_1:
0x2d: {  	p0 =	sne.s32 s25, $0x1;
	s25 =	sadd.s32 $0xFFFFFFFF, s25;
	[sflag:s24] =	ssyncadd.s32 $0xFFFFE000  }
0x2e: {  	[tilespmem:s2], [sflag:$0x9] =	stream.linear.gather [hbm4b:s3+s2], $0x800, $0x38;
	[tilespmem:$0x8800] =	vst v63  }
0x2f: {  	_ =	swait.ge [sflag:s4], $0x800  }
0x30: {  	[sflag:s4] =	ssyncset.done $0x0  }
0x31: {  	[sflag:s4] =	ssyncadd.s32 $0xFFFFF800  }
0x32: {  	[tilespmem:s7], [sflag:$0x1] =	stream.indirect.gather [hbm4b:s5+s6], $0x10, s2, s6, $0xb8;
	[tilespmem:$0x8800] =	vst v63  }
0x33: {  	_ = 	snop  }
0x34: {  	[tilespmem:s8], [sflag:$0x2] =	stream.indirect.gather [hbm4b:s5+s6], $0x10, s6, s6, $0xb8;
	[tilespmem:$0x8800] =	vst v63  }
0x35: {  	_ = 	snop  }
0x36: {  	[tilespmem:s10], [sflag:$0x3] =	stream.indirect.gather [hbm4b:s5+s6], $0x10, s9, s6, $0xb8;
	[tilespmem:$0x8800] =	vst v63  }
0x37: {  	_ = 	snop  }
0x38: {  	[tilespmem:s12], [sflag:$0x4] =	stream.indirect.gather [hbm4b:s5+s6], $0x10, s11, s6, $0xb8;
	[tilespmem:$0x8800] =	vst v63  }
0x39: {  	_ =	swait.ge [sflag:s13], $0x2000  }
0x3a: {  	[sflag:s13] =	ssyncset.done $0x0  }
0x3b: {  	[sflag:s13] =	ssyncadd.s32 $0xFFFFE000  }
0x3c: {  	[hbm4b:s14+s2] =	stream.linear.scatter [tilespmem:s7], [sflag:$0x5], $0x2000, $0x38;
	[tilespmem:$0x8800] =	vst v63  }
0x3d: {  	_ =	swait.ge [sflag:s15], $0x2000  }
0x3e: {  	[sflag:s15] =	ssyncset.done $0x0  }
0x3f: {  	[sflag:s15] =	ssyncadd.s32 $0xFFFFE000  }
0x40: {  	[hbm4b:s16+s2] =	stream.linear.scatter [tilespmem:s8], [sflag:$0x6], $0x2000, $0x38;
	[tilespmem:$0x8800] =	vst v63  }
0x41: {  	_ =	swait.ge [sflag:s17], $0x2000  }
0x42: {  	[sflag:s17] =	ssyncset.done $0x0  }
0x43: {  	[sflag:s17] =	ssyncadd.s32 $0xFFFFE000  }
0x44: {  	[hbm4b:s18+s2] =	stream.linear.scatter [tilespmem:s10], [sflag:$0x7], $0x2000, $0x38;
	[tilespmem:$0x8800] =	vst v63  }
0x45: {  	_ =	swait.ge [sflag:s19], $0x2000  }
0x46: {  	[sflag:s19] =	ssyncset.done $0x0  }
0x47: {  	[sflag:s19] =	ssyncadd.s32 $0xFFFFE000  }
0x48: {  	[hbm4b:s20+s2] =	stream.linear.scatter [tilespmem:s12], [sflag:$0x8], $0x2000, $0x38;
	[tilespmem:$0x8800] =	vst v63  }
0x49: {  	_ =	swait.ge [sflag:s21], $0x2000  }
0x4a: {  	[sflag:s21] =	ssyncset.done $0x0  }
0x4b: {  	[sflag:s21] =	ssyncadd.s32 $0xFFFFE000  }
0x4c: {  	_ =	swait.ge [sflag:s22], $0x2000  }
0x4d: {  	[sflag:s22] =	ssyncset.done $0x0  }
0x4e: {  	[sflag:s22] =	ssyncadd.s32 $0xFFFFE000  }
.Ltmp1:
0x4f: {  	_ =	swait.ge [sflag:s23], $0x2000;
	(pc) =	sbr.rel @p0 .LBB2_1-.Ltmp1, $4  }
0x50: {  	[sflag:s23] =	ssyncset.done $0x0  }
0x51: {  	[sflag:s23] =	ssyncadd.s32 $0xFFFFE000  }
0x52: {  	_ =	swait.ge [sflag:s24], $0x2000  }
0x53: {  	[sflag:s24] =	ssyncset.done $0x0  }
.LBB2_2:
0x54: {  	[sflag:s24] =	ssyncadd.s32 $0xFFFFE000  }
0x55: {  	_ =	sfence.sel $0x180000  }
0x56: {  	[bflag:$0x0] =	sbarrier.arrive $0xFFFF  }
0x57: {  	p0 =	sne.s32 s0, $0x0;
	_ =	strace $0x9000004A  }
0x58: {  	s0 =	sadd.s32 @!p0 $0x100000, s1;
	[bflag:$0x2] =	sbarrier.arrive $0xFFFF  }
0x59: {  	[sflag:s0] =	ssyncadd.tile.s32 @!p0 $0x1;
	_ =	shalt  }
.Lfunc_end2:
_tile_overlayer_lowered:
.L_overlay_start_2:
0x5a: {  	(tag) =	ssettag $0x2  }
0x5b: {  	s0 =	rddreg [dreg:$0x0];
	s2 =	stileid.u32  }
0x5c: {  	s1 =	rddreg [dreg:$0x1];
	p0 =	sne.s32 s2, $0x0  }
0x5d: {  	s3 =	rddreg [dreg:$0x2];
	[bflag:$0x3] =	sbarrier.arrive $0xFFFF;
	s2 =	simm.s32 @!p0 $0x1C09  }
0x5e: {  	[timem:s3], [sflag:s2] =	dma.local @!p0 [hbm:s0], s1  }
0x5f: {  	s0 =	simm.s32 @!p0 $0x9  }
0x60: {  	_ =	swait.ge @!p0 [sflag:s0], s1  }
0x61: {  	s1 =	ssub.s32 @!p0 $0x0, s1;
	[sflag:s0] =	ssyncset.done @!p0 $0x0  }
0x62: {  	[sflag:s0] =	ssyncadd.s32 @!p0 s1  }
0x63: {  	[bflag:$0x3] =	sbarrier.arrive $0xFFFF  }
0x64: {  	_ =	shalt  }

</sc_bundles>
